<compile_context>
chip_gen: v7x
topology: tpu7x:2x2x1
jax: 0.10.2.dev20260603
libtpu: 0.0.44.dev20260713+nightly
codegen_flags: <defaults>
</compile_context>

<pallas_src>
import functools

import jax
import jax.numpy as jnp
from jax import lax
from jax.experimental import pallas as pl
from jax.experimental.pallas import tpu as pltpu
from jax.experimental.pallas import tpu_sc as plsc

N_NODES = 10000
D = 256
HALF = 128
N_EDGES = 160000
EB = 128
N_BATCHES = N_EDGES // EB
R = 1000
NR = N_NODES // R

NB_MAX = 79
NBD_MAX = 40

ROWS_BIG = 640
ROWS_SMALL = 624

DEG_W = 128

_mesh = plsc.VectorSubcoreMesh(core_axis_name="c", subcore_axis_name="s")


def _row_range(s):
    start = jnp.where(s == 0, 0, ROWS_BIG + (s - 1) * ROWS_SMALL)
    nz16 = jnp.where(s == 0, ROWS_BIG // 16, ROWS_SMALL // 16)
    return start, nz16


@functools.partial(
    pl.kernel,
    out_type=jax.ShapeDtypeStruct((2, N_NODES, DEG_W), jnp.float32),
    mesh=_mesh,
    scratch_types=[
        pltpu.VMEM((EB,), jnp.int32),
        pltpu.VMEM((EB, DEG_W), jnp.float32),
        pltpu.VMEM((16, DEG_W), jnp.float32),
        pltpu.VMEM_SHARED((N_NODES, DEG_W), jnp.float32),
    ],
)
def _sc_degree(edge_hbm, ones_hbm, out_hbm, idx_v, ones_v, zbuf_v, acc_sh):
    c = lax.axis_index("c")
    s = lax.axis_index("s")
    wid = s * 2 + c
    start, nz16 = _row_range(s)

    pltpu.sync_copy(ones_hbm.at[pl.ds(0, EB)], ones_v)
    pltpu.sync_copy(ones_hbm.at[pl.ds(EB, 16)], zbuf_v)

    def zero_acc(j, _):
        pltpu.sync_copy(zbuf_v, acc_sh.at[pl.ds(start + j * 16, 16)])
        return 0

    lax.fori_loop(0, nz16, zero_acc, 0)
    plsc.subcore_barrier()

    def body(t, _):
        k = t * 32 + wid

        @pl.when(k < N_BATCHES)
        def _():
            pltpu.sync_copy(edge_hbm.at[pl.ds(N_EDGES + k * EB, EB)], idx_v)
            pltpu.sync_copy(ones_v, acc_sh.at[idx_v], add=True)

        return 0

    lax.fori_loop(0, (N_BATCHES + 31) // 32, body, 0)
    plsc.subcore_barrier()

    @pl.when(s == 0)
    def _():
        pltpu.sync_copy(acc_sh.at[pl.ds(0, ROWS_BIG)],
                        out_hbm.at[c, pl.ds(0, ROWS_BIG)])

    @pl.when(s > 0)
    def _():
        pltpu.sync_copy(acc_sh.at[pl.ds(start, ROWS_SMALL)],
                        out_hbm.at[c, pl.ds(start, ROWS_SMALL)])


@functools.partial(
    pl.kernel,
    out_type=jax.ShapeDtypeStruct((2 * N_NODES, HALF), jnp.float32),
    mesh=_mesh,
    scratch_types=[
        pltpu.VMEM((NB_MAX * EB,), jnp.int32),
        pltpu.VMEM((EB,), jnp.int32),
        pltpu.VMEM((EB,), jnp.int32),
        pltpu.VMEM((EB,), jnp.int32),
        pltpu.VMEM((EB,), jnp.int32),
        pltpu.VMEM((EB, HALF), jnp.float32),
        pltpu.VMEM((EB, HALF), jnp.float32),
        pltpu.VMEM((8, HALF), jnp.float32),
        pltpu.VMEM_SHARED((N_NODES, HALF), jnp.float32),
        pltpu.SemaphoreType.DMA,
        pltpu.SemaphoreType.DMA,
        pltpu.SemaphoreType.DMA,
        pltpu.SemaphoreType.DMA,
    ],
)
def _sc_aggregate(g_hbm, edge_hbm, out_hbm,
                  srcbuf_v, srcb0_v, srcb1_v, dstb0_v, dstb1_v,
                  rows0_v, rows1_v, zbuf_v, acc_sh,
                  sem0, sem1, semd0, semd1):
    c = lax.axis_index("c")
    s = lax.axis_index("s")
    row_off = c * N_NODES
    k0 = s * 78 + jnp.minimum(s, 2)
    nb = 78 + (s < 2).astype(jnp.int32)
    start, nz16 = _row_range(s)

    @pl.when(s < 2)
    def _():
        pltpu.sync_copy(edge_hbm.at[pl.ds(k0 * EB, 79 * EB)],
                        srcbuf_v.at[pl.ds(0, 79 * EB)])

    @pl.when(s >= 2)
    def _():
        pltpu.sync_copy(edge_hbm.at[pl.ds(k0 * EB, 78 * EB)],
                        srcbuf_v.at[pl.ds(0, 78 * EB)])

    def addoff(j, _):
        srcbuf_v[pl.ds(j * 16, 16)] = srcbuf_v[pl.ds(j * 16, 16)] + row_off
        return 0

    lax.fori_loop(0, NB_MAX * EB // 16, addoff, 0)

    zero = jnp.zeros((16,), jnp.float32)

    def fill_zero(i, _):
        for j in range(HALF // 16):
            zbuf_v[i, pl.ds(j * 16, 16)] = zero
        return 0

    lax.fori_loop(0, 8, fill_zero, 0)

    def zero_acc(j, _):
        pltpu.sync_copy(zbuf_v, acc_sh.at[pl.ds(start + j * 8, 8)])
        return 0

    lax.fori_loop(0, nz16 * 2, zero_acc, 0)
    plsc.subcore_barrier()

    G = 16
    srcb = (srcb0_v, srcb1_v)
    dstb = (dstb0_v, dstb1_v)
    rows = (rows0_v, rows1_v)
    sems = (sem0, sem1)
    semd = (semd0, semd1)

    def issue(t, p):
        for j in range(EB // 16):
            srcb[p][pl.ds(j * 16, 16)] = srcbuf_v[pl.ds(t * EB + j * 16, 16)]
        g = pltpu.async_copy(g_hbm.at[srcb[p]], rows[p], sems[p])
        d = pltpu.async_copy(
            edge_hbm.at[pl.ds(N_EDGES + (k0 + t) * EB, EB)], dstb[p], semd[p])
        return g, d

    def pairbody(u, _):
        t0 = 2 * u
        t1 = t0 + 1
        g0, d0 = issue(t0, 0)
        g1, d1 = issue(t1, 1)
        g0.wait()
        d0.wait()
        pltpu.sync_copy(rows0_v, acc_sh.at[dstb0_v], add=True)
        g1.wait()
        d1.wait()
        pltpu.sync_copy(rows1_v, acc_sh.at[dstb1_v], add=True)
        return 0

    lax.fori_loop(0, 39, pairbody, 0)

    @pl.when(nb > 78)
    def _():
        g, d = issue(78, 0)
        g.wait()
        d.wait()
        pltpu.sync_copy(rows0_v, acc_sh.at[dstb0_v], add=True)
    plsc.subcore_barrier()

    @pl.when(s == 0)
    def _():
        pltpu.sync_copy(acc_sh.at[pl.ds(0, ROWS_BIG)],
                        out_hbm.at[pl.ds(row_off, ROWS_BIG)])

    @pl.when(s > 0)
    def _():
        pltpu.sync_copy(acc_sh.at[pl.ds(start, ROWS_SMALL)],
                        out_hbm.at[pl.ds(row_off + start, ROWS_SMALL)])


def _dinv_of(deg2_blk):
    deg = deg2_blk[0, :, 0] + deg2_blk[1, :, 0] + 1.0
    return lax.rsqrt(deg)[:, None]


def _tc_encode1_body(deg2_ref, x_ref, w_ref, g_ref):
    dinv = _dinv_of(deg2_ref[...])
    h = jnp.dot(x_ref[...], w_ref[...], preferred_element_type=jnp.float32)
    g_ref[...] = h * dinv


def _tc_encode1(deg2, x, W1):
    return pl.pallas_call(
        _tc_encode1_body,
        grid=(2, NR),
        in_specs=[
            pl.BlockSpec((2, R, DEG_W), lambda c, r: (0, r, 0)),
            pl.BlockSpec((R, D), lambda c, r: (r, 0)),
            pl.BlockSpec((D, HALF), lambda c, r: (0, c)),
        ],
        out_specs=pl.BlockSpec((R, HALF), lambda c, r: (c * NR + r, 0)),
        out_shape=jax.ShapeDtypeStruct((2 * N_NODES, HALF), jnp.float32),
    )(deg2, x, W1)


def _tc_encode2_body(deg2_ref, slo_ref, shi_ref, glo_ref, ghi_ref,
                     b1_ref, w2_ref, g2_ref):
    dinv = _dinv_of(deg2_ref[...])
    r_lo = jnp.maximum(dinv * (slo_ref[...] + glo_ref[...]) + b1_ref[0, :HALF], 0.0)
    r_hi = jnp.maximum(dinv * (shi_ref[...] + ghi_ref[...]) + b1_ref[0, HALF:], 0.0)
    h = (jnp.dot(r_lo, w2_ref[:HALF, :], preferred_element_type=jnp.float32)
         + jnp.dot(r_hi, w2_ref[HALF:, :], preferred_element_type=jnp.float32))
    g2_ref[...] = h * dinv


def _tc_encode2(deg2, s1, g1, b1, W2):
    half_lo = pl.BlockSpec((R, HALF), lambda c, r: (r, 0))
    half_hi = pl.BlockSpec((R, HALF), lambda c, r: (NR + r, 0))
    return pl.pallas_call(
        _tc_encode2_body,
        grid=(2, NR),
        in_specs=[
            pl.BlockSpec((2, R, DEG_W), lambda c, r: (0, r, 0)),
            half_lo, half_hi, half_lo, half_hi,
            pl.BlockSpec((1, D), lambda c, r: (0, 0)),
            pl.BlockSpec((D, HALF), lambda c, r: (0, c)),
        ],
        out_specs=pl.BlockSpec((R, HALF), lambda c, r: (c * NR + r, 0)),
        out_shape=jax.ShapeDtypeStruct((2 * N_NODES, HALF), jnp.float32),
    )(deg2, s1, s1, g1, g1, b1, W2)


def _tc_decode_body(deg2_ref, slo_ref, shi_ref, glo_ref, ghi_ref, b2_ref,
                    wl1_ref, bl1_ref, wl2_ref, bl2_ref, out_ref):
    dinv = _dinv_of(deg2_ref[...])
    h_lo = dinv * (slo_ref[...] + glo_ref[...]) + b2_ref[0, :HALF]
    h_hi = dinv * (shi_ref[...] + ghi_ref[...]) + b2_ref[0, HALF:]
    h = jnp.concatenate([h_lo, h_hi], axis=1)
    d = jnp.maximum(
        jnp.dot(h, wl1_ref[...], preferred_element_type=jnp.float32)
        + bl1_ref[0, :], 0.0)
    out_ref[...] = (jnp.dot(d, wl2_ref[...], preferred_element_type=jnp.float32)
                    + bl2_ref[0, :])


def _tc_decode(deg2, s2, g2, b2, Wl1, bl1, Wl2, bl2):
    half_lo = pl.BlockSpec((R, HALF), lambda r: (r, 0))
    half_hi = pl.BlockSpec((R, HALF), lambda r: (NR + r, 0))
    vec = pl.BlockSpec((1, D), lambda r: (0, 0))
    mat = pl.BlockSpec((D, D), lambda r: (0, 0))
    return pl.pallas_call(
        _tc_decode_body,
        grid=(NR,),
        in_specs=[
            pl.BlockSpec((2, R, DEG_W), lambda r: (0, r, 0)),
            half_lo, half_hi, half_lo, half_hi,
            vec, mat, vec, mat, vec,
        ],
        out_specs=pl.BlockSpec((R, D), lambda r: (r, 0)),
        out_shape=jax.ShapeDtypeStruct((N_NODES, D), jnp.float32),
    )(deg2, s2, s2, g2, g2, b2, Wl1, bl1, Wl2, bl2)


def kernel(x, edge_index, W1, b1, W2, b2, Wl1, bl1, Wl2, bl2):
    edge_flat = edge_index.astype(jnp.int32).reshape(-1)
    b1r = b1.reshape(1, D)
    b2r = b2.reshape(1, D)
    bl1r = bl1.reshape(1, D)
    bl2r = bl2.reshape(1, D)

    ones_c = jnp.concatenate([jnp.ones((EB, DEG_W), jnp.float32),
                              jnp.zeros((16, DEG_W), jnp.float32)])
    deg2 = _sc_degree(edge_flat, ones_c)
    g1 = _tc_encode1(deg2, x, W1)
    s1 = _sc_aggregate(g1, edge_flat)
    g2 = _tc_encode2(deg2, s1, g1, b1r, W2)
    s2 = _sc_aggregate(g2, edge_flat)
    return _tc_decode(deg2, s2, g2, b2r, Wl1, bl1r, Wl2, bl2r)

# --- scband reference (transcript-rebuilt; emitter-appended) ---
"""Pipeline reference for scband-my-gae-75350906241727 (READ-ONLY COPY).

The authoritative reference and input builder live on the scoring server;
editing this copy changes nothing except your own understanding.
"""

import jax, jax.numpy as jnp
import numpy as np

N_NODES = 10000
D_IN = 256
D_HID = 256
D_OUT = 256
N_EDGES = 160000


def gcn_conv(x, edge_index, W, b, num_nodes):
    src = edge_index[0]
    dst = edge_index[1]
    # add self loops (PyG GCNConv default)
    loop = jnp.arange(num_nodes, dtype=src.dtype)
    src = jnp.concatenate([src, loop])
    dst = jnp.concatenate([dst, loop])
    # symmetric normalization D^{-1/2} (A+I) D^{-1/2}
    deg = jnp.zeros((num_nodes,), dtype=x.dtype).at[dst].add(1.0)
    dinv = jnp.where(deg > 0, 1.0 / jnp.sqrt(deg), 0.0)
    norm = dinv[src] * dinv[dst]
    h = x @ W
    msg = h[src] * norm[:, None]
    out = jnp.zeros((num_nodes, W.shape[1]), dtype=x.dtype).at[dst].add(msg)
    return out + b


def setup_inputs(seed: int = 0) -> dict:
    key = jax.random.key(seed)
    ks = jax.random.split(key, 12)
    x = jax.random.normal(ks[0], (N_NODES, D_IN), dtype=jnp.float32)
    edge_index = jax.random.randint(ks[1], (2, N_EDGES), 0, N_NODES, dtype=jnp.int64 if jax.config.read('jax_enable_x64') else jnp.int32)
    s1 = 1.0 / np.sqrt(D_IN)
    s2 = 1.0 / np.sqrt(D_HID)
    W1 = jax.random.uniform(ks[2], (D_IN, D_HID), jnp.float32, -s1, s1)
    b1 = jax.random.uniform(ks[3], (D_HID,), jnp.float32, -s1, s1)
    W2 = jax.random.uniform(ks[4], (D_HID, D_HID), jnp.float32, -s2, s2)
    b2 = jax.random.uniform(ks[5], (D_HID,), jnp.float32, -s2, s2)
    Wl1 = jax.random.uniform(ks[6], (D_HID, D_HID), jnp.float32, -s2, s2)
    bl1 = jax.random.uniform(ks[7], (D_HID,), jnp.float32, -s2, s2)
    Wl2 = jax.random.uniform(ks[8], (D_HID, D_OUT), jnp.float32, -s2, s2)
    bl2 = jax.random.uniform(ks[9], (D_OUT,), jnp.float32, -s2, s2)
    return {"x": x, "edge_index": edge_index, "W1": W1, "b1": b1, "W2": W2, "b2": b2,
            "Wl1": Wl1, "bl1": bl1, "Wl2": Wl2, "bl2": bl2}


def reference(x, edge_index, W1, b1, W2, b2, Wl1, bl1, Wl2, bl2):
    # Encoder: GCNConv -> relu -> GCNConv
    h = gcn_conv(x, edge_index, W1, b1, N_NODES)
    h = jax.nn.relu(h)
    h = gcn_conv(h, edge_index, W2, b2, N_NODES)
    # Decoder: Linear -> relu -> Linear
    d = jax.nn.relu(h @ Wl1 + bl1)
    out = d @ Wl2 + bl2
    return out

if __name__ == "__main__":
    import jax
    _d = setup_inputs()
    print(jax.jit(kernel)(*tuple(_d.values())))

</pallas_src>

<mosaic_0001>
#map = affine_map<(d0, d1) -> (0, 0)>
#map1 = affine_map<(d0, d1) -> (0)>
module attributes {stable_mosaic.version = 14 : i64} {
  func.func @_sc_aggregate(%arg0: i32, %arg1: i32, %arg2: memref<20000x128xf32, #tpu.memory_space<hbm>>, %arg3: memref<320000xi32, #tpu.memory_space<hbm>>, %arg4: memref<20000x128xf32, #tpu.memory_space<hbm>>, %arg5: memref<10112xi32, #tpu.memory_space<vmem>>, %arg6: memref<128xi32, #tpu.memory_space<vmem>>, %arg7: memref<128xi32, #tpu.memory_space<vmem>>, %arg8: memref<128xi32, #tpu.memory_space<vmem>>, %arg9: memref<128xi32, #tpu.memory_space<vmem>>, %arg10: memref<128x128xf32, #tpu.memory_space<vmem>>, %arg11: memref<128x128xf32, #tpu.memory_space<vmem>>, %arg12: memref<8x128xf32, #tpu.memory_space<vmem>>, %arg13: memref<10000x128xf32, #tpu.memory_space<vmem_shared>>, %arg14: memref<!tpu.dma_semaphore, #tpu.memory_space<semaphore_mem>>, %arg15: memref<!tpu.dma_semaphore, #tpu.memory_space<semaphore_mem>>, %arg16: memref<!tpu.dma_semaphore, #tpu.memory_space<semaphore_mem>>, %arg17: memref<!tpu.dma_semaphore, #tpu.memory_space<semaphore_mem>>) attributes {dimension_semantics = [#tpu.dimension_semantics<core_parallel>, #tpu.dimension_semantics<subcore_parallel>], iteration_bounds = array<i64: 2, 16>, scalar_prefetch = 0 : i64, scratch_operands = 13 : i64, tpu.core_type = #tpu.core_type<sc_vector_subcore>, window_params = [{transform_indices = #map}, {transform_indices = #map1}, {transform_indices = #map}]} {
    %mul3A = arith.constant 10000 : i32
    %mul3A_0 = arith.muli %arg0, %mul3A : i32
    %mul3A_1 = arith.constant 78 : i32
    %mul3A_2 = arith.muli %arg1, %mul3A_1 : i32
    %min3A = arith.constant 2 : i32
    %min3A_3 = arith.minsi %arg1, %min3A : i32
    %add3A = arith.addi %mul3A_2, %min3A_3 : i32
    %lt3A = arith.constant 2 : i32
    %lt3A_4 = arith.cmpi slt, %arg1, %lt3A : i32
    %convert_element_type3A = arith.extui %lt3A_4 : i1 to i32
    %add3A_5 = arith.constant 78 : i32
    %add3A_6 = arith.addi %add3A_5, %convert_element_type3A : i32
    %eq3A = arith.constant 0 : i32
    %eq3A_7 = arith.cmpi eq, %arg1, %eq3A : i32
    %sub3A = arith.constant 1 : i32
    %sub3A_8 = arith.subi %arg1, %sub3A : i32
    %mul3A_9 = arith.constant 624 : i32
    %mul3A_10 = arith.muli %sub3A_8, %mul3A_9 : i32
    %add3A_11 = arith.constant 640 : i32
    %add3A_12 = arith.addi %add3A_11, %mul3A_10 : i32
    %jit3A = arith.constant 0 : i32
    %select_n3A = arith.select %eq3A_7, %jit3A, %add3A_12 : i32
    %eq3A_13 = arith.constant 0 : i32
    %eq3A_14 = arith.cmpi eq, %arg1, %eq3A_13 : i32
    %jit3A_15 = arith.constant 40 : i32
    %jit3A_16 = arith.constant 39 : i32
    %select_n3A_17 = arith.select %eq3A_14, %jit3A_15, %jit3A_16 : i32
    %lt3A_18 = arith.constant 2 : i32
    %lt3A_19 = arith.cmpi slt, %arg1, %lt3A_18 : i32
    %convert_element_type3A_20 = arith.extui %lt3A_19 : i1 to i32
    %cond3A = arith.constant 0 : i32
    %cond3A_21 = arith.cmpi ne, %convert_element_type3A_20, %cond3A : i32
    scf.if %cond3A_21 {
      %mul3A_75 = arith.constant 128 : i32
      %mul3A_76 = arith.muli %add3A, %mul3A_75 : i32
      "tpu.region"() ({
        %run_scoped3A = tpu.sem_alloc : memref<!tpu.dma_semaphore, #tpu.memory_space<semaphore_mem>>
        %dma_start3A = arith.constant 0 : i32
        %dma_start3A_77 = tpu.memref_slice %arg5[%dma_start3A] : memref<10112xi32, #tpu.memory_space<vmem>> -> memref<10112xi32, #tpu.memory_space<vmem>>
        %dma_start3A_78 = tpu.memref_slice %arg3[%mul3A_76] : memref<320000xi32, #tpu.memory_space<hbm>> -> memref<10112xi32, #tpu.memory_space<hbm>>
        %dma_start3A_79 = arith.constant 0 : i32
        %dma_start3A_80 = tpu.memref_slice %arg5[%dma_start3A_79] : memref<10112xi32, #tpu.memory_space<vmem>> -> memref<10112xi32, #tpu.memory_space<vmem>>
        %dma_start3A_81 = tpu.memref_slice %arg3[%mul3A_76] : memref<320000xi32, #tpu.memory_space<hbm>> -> memref<10112xi32, #tpu.memory_space<hbm>>
        tpu.enqueue_dma source(%dma_start3A_81 : memref<10112xi32, #tpu.memory_space<hbm>>) target(%dma_start3A_80 : memref<10112xi32, #tpu.memory_space<vmem>>) target_semaphore(%run_scoped3A : memref<!tpu.dma_semaphore, #tpu.memory_space<semaphore_mem>>)
        %dma_wait3A = arith.constant 0 : i32
        %dma_wait3A_82 = tpu.memref_slice %arg5[%dma_wait3A] : memref<10112xi32, #tpu.memory_space<vmem>> -> memref<10112xi32, #tpu.memory_space<vmem>>
        %dma_wait3A_83 = tpu.memref_slice %arg3[%mul3A_76] : memref<320000xi32, #tpu.memory_space<hbm>> -> memref<10112xi32, #tpu.memory_space<hbm>>
        %dma_wait3A_84 = arith.constant 0 : i32
        %dma_wait3A_85 = tpu.memref_slice %arg5[%dma_wait3A_84] : memref<10112xi32, #tpu.memory_space<vmem>> -> memref<10112xi32, #tpu.memory_space<vmem>>
        %dma_wait3A_86 = tpu.memref_slice %arg3[%mul3A_76] : memref<320000xi32, #tpu.memory_space<hbm>> -> memref<10112xi32, #tpu.memory_space<hbm>>
        tpu.wait_dma2 semaphore(%run_scoped3A : memref<!tpu.dma_semaphore, #tpu.memory_space<semaphore_mem>>) src(%dma_wait3A_86 : memref<10112xi32, #tpu.memory_space<hbm>>) dst(%dma_wait3A_85 : memref<10112xi32, #tpu.memory_space<vmem>>)
        tpu.yield
      }) : () -> ()
    } else {
    }
    %ge3A = arith.constant 2 : i32
    %ge3A_22 = arith.cmpi sge, %arg1, %ge3A : i32
    %convert_element_type3A_23 = arith.extui %ge3A_22 : i1 to i32
    %cond3A_24 = arith.constant 0 : i32
    %cond3A_25 = arith.cmpi ne, %convert_element_type3A_23, %cond3A_24 : i32
    scf.if %cond3A_25 {
      %mul3A_75 = arith.constant 128 : i32
      %mul3A_76 = arith.muli %add3A, %mul3A_75 : i32
      "tpu.region"() ({
        %run_scoped3A = tpu.sem_alloc : memref<!tpu.dma_semaphore, #tpu.memory_space<semaphore_mem>>
        %dma_start3A = arith.constant 0 : i32
        %dma_start3A_77 = tpu.memref_slice %arg5[%dma_start3A] : memref<10112xi32, #tpu.memory_space<vmem>> -> memref<9984xi32, #tpu.memory_space<vmem>>
        %dma_start3A_78 = tpu.memref_slice %arg3[%mul3A_76] : memref<320000xi32, #tpu.memory_space<hbm>> -> memref<9984xi32, #tpu.memory_space<hbm>>
        %dma_start3A_79 = arith.constant 0 : i32
        %dma_start3A_80 = tpu.memref_slice %arg5[%dma_start3A_79] : memref<10112xi32, #tpu.memory_space<vmem>> -> memref<9984xi32, #tpu.memory_space<vmem>>
        %dma_start3A_81 = tpu.memref_slice %arg3[%mul3A_76] : memref<320000xi32, #tpu.memory_space<hbm>> -> memref<9984xi32, #tpu.memory_space<hbm>>
        tpu.enqueue_dma source(%dma_start3A_81 : memref<9984xi32, #tpu.memory_space<hbm>>) target(%dma_start3A_80 : memref<9984xi32, #tpu.memory_space<vmem>>) target_semaphore(%run_scoped3A : memref<!tpu.dma_semaphore, #tpu.memory_space<semaphore_mem>>)
        %dma_wait3A = arith.constant 0 : i32
        %dma_wait3A_82 = tpu.memref_slice %arg5[%dma_wait3A] : memref<10112xi32, #tpu.memory_space<vmem>> -> memref<9984xi32, #tpu.memory_space<vmem>>
        %dma_wait3A_83 = tpu.memref_slice %arg3[%mul3A_76] : memref<320000xi32, #tpu.memory_space<hbm>> -> memref<9984xi32, #tpu.memory_space<hbm>>
        %dma_wait3A_84 = arith.constant 0 : i32
        %dma_wait3A_85 = tpu.memref_slice %arg5[%dma_wait3A_84] : memref<10112xi32, #tpu.memory_space<vmem>> -> memref<9984xi32, #tpu.memory_space<vmem>>
        %dma_wait3A_86 = tpu.memref_slice %arg3[%mul3A_76] : memref<320000xi32, #tpu.memory_space<hbm>> -> memref<9984xi32, #tpu.memory_space<hbm>>
        tpu.wait_dma2 semaphore(%run_scoped3A : memref<!tpu.dma_semaphore, #tpu.memory_space<semaphore_mem>>) src(%dma_wait3A_86 : memref<9984xi32, #tpu.memory_space<hbm>>) dst(%dma_wait3A_85 : memref<9984xi32, #tpu.memory_space<vmem>>)
        tpu.yield
      }) : () -> ()
    } else {
    }
    %scan3A = arith.constant 0 : i32
    %scan3A_26 = arith.constant 0 : i32
    %scan3A_27 = arith.constant 632 : i32
    %scan3A_28 = arith.addi %scan3A_26, %scan3A_27 : i32
    %scan3A_29 = arith.constant 1 : i32
    %scan3A_30 = scf.for %scan3A_75 = %scan3A_26 to %scan3A_28 step %scan3A_29 iter_args(%scan3A_76 = %scan3A) -> (i32)  : i32 {
      %mul3A_77 = arith.constant 16 : i32
      %mul3A_78 = arith.muli %scan3A_75, %mul3A_77 : i32
      %get3A = arith.index_cast %mul3A_78 : i32 to index
      %get3A_79 = tpu.vector_load %arg5[%get3A] {strides = array<i32>} : memref<10112xi32, #tpu.memory_space<vmem>>, vector<16xi32>,
      %get3A_80 = vector.shape_cast %get3A_79 : vector<16xi32> to vector<16xi32>
      %add3A_81 = vector.broadcast %mul3A_0 : i32 to vector<16xi32>
      %add3A_82 = arith.addi %get3A_80, %add3A_81 : vector<16xi32>
      %mul3A_83 = arith.constant 16 : i32
      %mul3A_84 = arith.muli %scan3A_75, %mul3A_83 : i32
      %swap3A = arith.index_cast %mul3A_84 : i32 to index
      %swap3A_85 = tpu.vector_load %arg5[%swap3A] {strides = array<i32>} : memref<10112xi32, #tpu.memory_space<vmem>>, vector<16xi32>,
      %swap3A_86 = vector.shape_cast %swap3A_85 : vector<16xi32> to vector<16xi32>
      %swap3A_87 = vector.shape_cast %add3A_82 : vector<16xi32> to vector<16xi32>
      tpu.vector_store %arg5[%swap3A], %swap3A_87 {strides = array<i32>} : memref<10112xi32, #tpu.memory_space<vmem>>, vector<16xi32>,
      %scan3A_88 = arith.constant 0 : i32
      scf.yield %scan3A_88 : i32
    }
    %scan3A_31 = arith.constant 632 : i32
    %broadcast_in_dim3A = arith.constant 0.000000e+00 : f32
    %broadcast_in_dim3A_32 = vector.broadcast %broadcast_in_dim3A : f32 to vector<16xf32>
    %scan3A_33 = arith.constant 0 : i32
    %scan3A_34 = arith.constant 0 : i32
    %scan3A_35 = arith.constant 8 : i32
    %scan3A_36 = arith.addi %scan3A_34, %scan3A_35 : i32
    %scan3A_37 = arith.constant 1 : i32
    %scan3A_38 = scf.for %scan3A_75 = %scan3A_34 to %scan3A_36 step %scan3A_37 iter_args(%scan3A_76 = %scan3A_33) -> (i32)  : i32 {
      %swap3A = arith.index_cast %scan3A_75 : i32 to index
      %swap3A_77 = arith.constant 0 : index
      %swap3A_78 = tpu.vector_load %arg12[%swap3A, %swap3A_77] {strides = array<i32>} : memref<8x128xf32, #tpu.memory_space<vmem>>, vector<1x16xf32>,
      %swap3A_79 = vector.shape_cast %swap3A_78 : vector<1x16xf32> to vector<16xf32>
      %swap3A_80 = vector.shape_cast %broadcast_in_dim3A_32 : vector<16xf32> to vector<1x16xf32>
      tpu.vector_store %arg12[%swap3A, %swap3A_77], %swap3A_80 {strides = array<i32>} : memref<8x128xf32, #tpu.memory_space<vmem>>, vector<1x16xf32>,
      %swap3A_81 = arith.index_cast %scan3A_75 : i32 to index
      %swap3A_82 = arith.constant 16 : index
      %swap3A_83 = tpu.vector_load %arg12[%swap3A_81, %swap3A_82] {strides = array<i32>} : memref<8x128xf32, #tpu.memory_space<vmem>>, vector<1x16xf32>,
      %swap3A_84 = vector.shape_cast %swap3A_83 : vector<1x16xf32> to vector<16xf32>
      %swap3A_85 = vector.shape_cast %broadcast_in_dim3A_32 : vector<16xf32> to vector<1x16xf32>
      tpu.vector_store %arg12[%swap3A_81, %swap3A_82], %swap3A_85 {strides = array<i32>} : memref<8x128xf32, #tpu.memory_space<vmem>>, vector<1x16xf32>,
      %swap3A_86 = arith.index_cast %scan3A_75 : i32 to index
      %swap3A_87 = arith.constant 32 : index
      %swap3A_88 = tpu.vector_load %arg12[%swap3A_86, %swap3A_87] {strides = array<i32>} : memref<8x128xf32, #tpu.memory_space<vmem>>, vector<1x16xf32>,
      %swap3A_89 = vector.shape_cast %swap3A_88 : vector<1x16xf32> to vector<16xf32>
      %swap3A_90 = vector.shape_cast %broadcast_in_dim3A_32 : vector<16xf32> to vector<1x16xf32>
      tpu.vector_store %arg12[%swap3A_86, %swap3A_87], %swap3A_90 {strides = array<i32>} : memref<8x128xf32, #tpu.memory_space<vmem>>, vector<1x16xf32>,
      %swap3A_91 = arith.index_cast %scan3A_75 : i32 to index
      %swap3A_92 = arith.constant 48 : index
      %swap3A_93 = tpu.vector_load %arg12[%swap3A_91, %swap3A_92] {strides = array<i32>} : memref<8x128xf32, #tpu.memory_space<vmem>>, vector<1x16xf32>,
      %swap3A_94 = vector.shape_cast %swap3A_93 : vector<1x16xf32> to vector<16xf32>
      %swap3A_95 = vector.shape_cast %broadcast_in_dim3A_32 : vector<16xf32> to vector<1x16xf32>
      tpu.vector_store %arg12[%swap3A_91, %swap3A_92], %swap3A_95 {strides = array<i32>} : memref<8x128xf32, #tpu.memory_space<vmem>>, vector<1x16xf32>,
      %swap3A_96 = arith.index_cast %scan3A_75 : i32 to index
      %swap3A_97 = arith.constant 64 : index
      %swap3A_98 = tpu.vector_load %arg12[%swap3A_96, %swap3A_97] {strides = array<i32>} : memref<8x128xf32, #tpu.memory_space<vmem>>, vector<1x16xf32>,
      %swap3A_99 = vector.shape_cast %swap3A_98 : vector<1x16xf32> to vector<16xf32>
      %swap3A_100 = vector.shape_cast %broadcast_in_dim3A_32 : vector<16xf32> to vector<1x16xf32>
      tpu.vector_store %arg12[%swap3A_96, %swap3A_97], %swap3A_100 {strides = array<i32>} : memref<8x128xf32, #tpu.memory_space<vmem>>, vector<1x16xf32>,
      %swap3A_101 = arith.index_cast %scan3A_75 : i32 to index
      %swap3A_102 = arith.constant 80 : index
      %swap3A_103 = tpu.vector_load %arg12[%swap3A_101, %swap3A_102] {strides = array<i32>} : memref<8x128xf32, #tpu.memory_space<vmem>>, vector<1x16xf32>,
      %swap3A_104 = vector.shape_cast %swap3A_103 : vector<1x16xf32> to vector<16xf32>
      %swap3A_105 = vector.shape_cast %broadcast_in_dim3A_32 : vector<16xf32> to vector<1x16xf32>
      tpu.vector_store %arg12[%swap3A_101, %swap3A_102], %swap3A_105 {strides = array<i32>} : memref<8x128xf32, #tpu.memory_space<vmem>>, vector<1x16xf32>,
      %swap3A_106 = arith.index_cast %scan3A_75 : i32 to index
      %swap3A_107 = arith.constant 96 : index
      %swap3A_108 = tpu.vector_load %arg12[%swap3A_106, %swap3A_107] {strides = array<i32>} : memref<8x128xf32, #tpu.memory_space<vmem>>, vector<1x16xf32>,
      %swap3A_109 = vector.shape_cast %swap3A_108 : vector<1x16xf32> to vector<16xf32>
      %swap3A_110 = vector.shape_cast %broadcast_in_dim3A_32 : vector<16xf32> to vector<1x16xf32>
      tpu.vector_store %arg12[%swap3A_106, %swap3A_107], %swap3A_110 {strides = array<i32>} : memref<8x128xf32, #tpu.memory_space<vmem>>, vector<1x16xf32>,
      %swap3A_111 = arith.index_cast %scan3A_75 : i32 to index
      %swap3A_112 = arith.constant 112 : index
      %swap3A_113 = tpu.vector_load %arg12[%swap3A_111, %swap3A_112] {strides = array<i32>} : memref<8x128xf32, #tpu.memory_space<vmem>>, vector<1x16xf32>,
      %swap3A_114 = vector.shape_cast %swap3A_113 : vector<1x16xf32> to vector<16xf32>
      %swap3A_115 = vector.shape_cast %broadcast_in_dim3A_32 : vector<16xf32> to vector<1x16xf32>
      tpu.vector_store %arg12[%swap3A_111, %swap3A_112], %swap3A_115 {strides = array<i32>} : memref<8x128xf32, #tpu.memory_space<vmem>>, vector<1x16xf32>,
      %scan3A_116 = arith.constant 0 : i32
      scf.yield %scan3A_116 : i32
    }
    %scan3A_39 = arith.constant 8 : i32
    %mul3A_40 = arith.constant 2 : i32
    %mul3A_41 = arith.muli %select_n3A_17, %mul3A_40 : i32
    %while3A = arith.constant 0 : i32
    %while3A_42 = arith.constant 0 : i32
    %while3A_43 = arith.subi %mul3A_41, %while3A : i32
    %while3A_44 = arith.addi %while3A, %while3A_43 : i32
    %while3A_45 = arith.constant 1 : i32
    %while3A_46 = arith.divsi %while3A_43, %while3A_45 : i32
    %while3A_47 = arith.muli %while3A_46, %while3A_45 : i32
    %while3A_48 = arith.addi %while3A, %while3A_47 : i32
    %while3A_49 = arith.constant 1 : i32
    %while3A_50 = scf.for %while3A_75 = %while3A to %while3A_48 step %while3A_49 iter_args(%while3A_76 = %while3A_42) -> (i32)  : i32 {
      %mul3A_77 = arith.constant 8 : i32
      %mul3A_78 = arith.muli %while3A_75, %mul3A_77 : i32
      %add3A_79 = arith.addi %select_n3A, %mul3A_78 : i32
      "tpu.region"() ({
        %run_scoped3A = tpu.sem_alloc : memref<!tpu.dma_semaphore, #tpu.memory_space<semaphore_mem>>
        %dma_start3A = arith.constant 0 : i32
        %dma_start3A_81 = tpu.memref_slice %arg13[%add3A_79, %dma_start3A] : memref<10000x128xf32, #tpu.memory_space<vmem_shared>> -> memref<8x128xf32, #tpu.memory_space<vmem_shared>>
        %dma_start3A_82 = arith.constant 0 : i32
        %dma_start3A_83 = tpu.memref_slice %arg13[%add3A_79, %dma_start3A_82] : memref<10000x128xf32, #tpu.memory_space<vmem_shared>> -> memref<8x128xf32, #tpu.memory_space<vmem_shared>>
        tpu.enqueue_dma source(%arg12 : memref<8x128xf32, #tpu.memory_space<vmem>>) target(%dma_start3A_83 : memref<8x128xf32, #tpu.memory_space<vmem_shared>>) target_semaphore(%run_scoped3A : memref<!tpu.dma_semaphore, #tpu.memory_space<semaphore_mem>>)
        %dma_wait3A = arith.constant 0 : i32
        %dma_wait3A_84 = tpu.memref_slice %arg13[%add3A_79, %dma_wait3A] : memref<10000x128xf32, #tpu.memory_space<vmem_shared>> -> memref<8x128xf32, #tpu.memory_space<vmem_shared>>
        %dma_wait3A_85 = arith.constant 0 : i32
        %dma_wait3A_86 = tpu.memref_slice %arg13[%add3A_79, %dma_wait3A_85] : memref<10000x128xf32, #tpu.memory_space<vmem_shared>> -> memref<8x128xf32, #tpu.memory_space<vmem_shared>>
        tpu.wait_dma2 semaphore(%run_scoped3A : memref<!tpu.dma_semaphore, #tpu.memory_space<semaphore_mem>>) src(%arg12 : memref<8x128xf32, #tpu.memory_space<vmem>>) dst(%dma_wait3A_86 : memref<8x128xf32, #tpu.memory_space<vmem_shared>>)
        tpu.yield
      }) : () -> ()
      %while3A_80 = arith.constant 0 : i32
      scf.yield %while3A_80 : i32
    }
    %while3A_51 = arith.constant 1 : i32
    %while3A_52 = scf.for %while3A_75 = %while3A_48 to %while3A_44 step %while3A_51 iter_args(%while3A_76 = %while3A_50) -> (i32)  : i32 {
      %mul3A_77 = arith.constant 8 : i32
      %mul3A_78 = arith.muli %while3A_75, %mul3A_77 : i32
      %add3A_79 = arith.addi %select_n3A, %mul3A_78 : i32
      "tpu.region"() ({
        %run_scoped3A = tpu.sem_alloc : memref<!tpu.dma_semaphore, #tpu.memory_space<semaphore_mem>>
        %dma_start3A = arith.constant 0 : i32
        %dma_start3A_81 = tpu.memref_slice %arg13[%add3A_79, %dma_start3A] : memref<10000x128xf32, #tpu.memory_space<vmem_shared>> -> memref<8x128xf32, #tpu.memory_space<vmem_shared>>
        %dma_start3A_82 = arith.constant 0 : i32
        %dma_start3A_83 = tpu.memref_slice %arg13[%add3A_79, %dma_start3A_82] : memref<10000x128xf32, #tpu.memory_space<vmem_shared>> -> memref<8x128xf32, #tpu.memory_space<vmem_shared>>
        tpu.enqueue_dma source(%arg12 : memref<8x128xf32, #tpu.memory_space<vmem>>) target(%dma_start3A_83 : memref<8x128xf32, #tpu.memory_space<vmem_shared>>) target_semaphore(%run_scoped3A : memref<!tpu.dma_semaphore, #tpu.memory_space<semaphore_mem>>)
        %dma_wait3A = arith.constant 0 : i32
        %dma_wait3A_84 = tpu.memref_slice %arg13[%add3A_79, %dma_wait3A] : memref<10000x128xf32, #tpu.memory_space<vmem_shared>> -> memref<8x128xf32, #tpu.memory_space<vmem_shared>>
        %dma_wait3A_85 = arith.constant 0 : i32
        %dma_wait3A_86 = tpu.memref_slice %arg13[%add3A_79, %dma_wait3A_85] : memref<10000x128xf32, #tpu.memory_space<vmem_shared>> -> memref<8x128xf32, #tpu.memory_space<vmem_shared>>
        tpu.wait_dma2 semaphore(%run_scoped3A : memref<!tpu.dma_semaphore, #tpu.memory_space<semaphore_mem>>) src(%arg12 : memref<8x128xf32, #tpu.memory_space<vmem>>) dst(%dma_wait3A_86 : memref<8x128xf32, #tpu.memory_space<vmem_shared>>)
        tpu.yield
      }) : () -> ()
      %while3A_80 = arith.constant 0 : i32
      scf.yield %while3A_80 : i32
    }
    %barrier3A = arith.constant 0 : index
    tpu.barrier barrier_id(%barrier3A)
    %scan3A_53 = arith.constant 0 : i32
    %scan3A_54 = arith.constant 0 : i32
    %scan3A_55 = arith.constant 39 : i32
    %scan3A_56 = arith.addi %scan3A_54, %scan3A_55 : i32
    %scan3A_57 = arith.constant 1 : i32
    %scan3A_58 = scf.for %scan3A_75 = %scan3A_54 to %scan3A_56 step %scan3A_57 iter_args(%scan3A_76 = %scan3A_53) -> (i32)  : i32 {
      %mul3A_77 = arith.constant 2 : i32
      %mul3A_78 = arith.muli %mul3A_77, %scan3A_75 : i32
      %add3A_79 = arith.constant 1 : i32
      %add3A_80 = arith.addi %mul3A_78, %add3A_79 : i32
      %mul3A_81 = arith.constant 128 : i32
      %mul3A_82 = arith.muli %mul3A_78, %mul3A_81 : i32
      %add3A_83 = arith.constant 0 : i32
      %add3A_84 = arith.addi %mul3A_82, %add3A_83 : i32
      %get3A = arith.index_cast %add3A_84 : i32 to index
      %get3A_85 = tpu.vector_load %arg5[%get3A] {strides = array<i32>} : memref<10112xi32, #tpu.memory_space<vmem>>, vector<16xi32>,
      %get3A_86 = vector.shape_cast %get3A_85 : vector<16xi32> to vector<16xi32>
      %swap3A = arith.constant 0 : index
      %swap3A_87 = tpu.vector_load %arg6[%swap3A] {strides = array<i32>} : memref<128xi32, #tpu.memory_space<vmem>>, vector<16xi32>,
      %swap3A_88 = vector.shape_cast %swap3A_87 : vector<16xi32> to vector<16xi32>
      %swap3A_89 = vector.shape_cast %get3A_86 : vector<16xi32> to vector<16xi32>
      tpu.vector_store %arg6[%swap3A], %swap3A_89 {strides = array<i32>} : memref<128xi32, #tpu.memory_space<vmem>>, vector<16xi32>,
      %mul3A_90 = arith.constant 128 : i32
      %mul3A_91 = arith.muli %mul3A_78, %mul3A_90 : i32
      %add3A_92 = arith.constant 16 : i32
      %add3A_93 = arith.addi %mul3A_91, %add3A_92 : i32
      %get3A_94 = arith.index_cast %add3A_93 : i32 to index
      %get3A_95 = tpu.vector_load %arg5[%get3A_94] {strides = array<i32>} : memref<10112xi32, #tpu.memory_space<vmem>>, vector<16xi32>,
      %get3A_96 = vector.shape_cast %get3A_95 : vector<16xi32> to vector<16xi32>
      %swap3A_97 = arith.constant 16 : index
      %swap3A_98 = tpu.vector_load %arg6[%swap3A_97] {strides = array<i32>} : memref<128xi32, #tpu.memory_space<vmem>>, vector<16xi32>,
      %swap3A_99 = vector.shape_cast %swap3A_98 : vector<16xi32> to vector<16xi32>
      %swap3A_100 = vector.shape_cast %get3A_96 : vector<16xi32> to vector<16xi32>
      tpu.vector_store %arg6[%swap3A_97], %swap3A_100 {strides = array<i32>} : memref<128xi32, #tpu.memory_space<vmem>>, vector<16xi32>,
      %mul3A_101 = arith.constant 128 : i32
      %mul3A_102 = arith.muli %mul3A_78, %mul3A_101 : i32
      %add3A_103 = arith.constant 32 : i32
      %add3A_104 = arith.addi %mul3A_102, %add3A_103 : i32
      %get3A_105 = arith.index_cast %add3A_104 : i32 to index
      %get3A_106 = tpu.vector_load %arg5[%get3A_105] {strides = array<i32>} : memref<10112xi32, #tpu.memory_space<vmem>>, vector<16xi32>,
      %get3A_107 = vector.shape_cast %get3A_106 : vector<16xi32> to vector<16xi32>
      %swap3A_108 = arith.constant 32 : index
      %swap3A_109 = tpu.vector_load %arg6[%swap3A_108] {strides = array<i32>} : memref<128xi32, #tpu.memory_space<vmem>>, vector<16xi32>,
      %swap3A_110 = vector.shape_cast %swap3A_109 : vector<16xi32> to vector<16xi32>
      %swap3A_111 = vector.shape_cast %get3A_107 : vector<16xi32> to vector<16xi32>
      tpu.vector_store %arg6[%swap3A_108], %swap3A_111 {strides = array<i32>} : memref<128xi32, #tpu.memory_space<vmem>>, vector<16xi32>,
      %mul3A_112 = arith.constant 128 : i32
      %mul3A_113 = arith.muli %mul3A_78, %mul3A_112 : i32
      %add3A_114 = arith.constant 48 : i32
      %add3A_115 = arith.addi %mul3A_113, %add3A_114 : i32
      %get3A_116 = arith.index_cast %add3A_115 : i32 to index
      %get3A_117 = tpu.vector_load %arg5[%get3A_116] {strides = array<i32>} : memref<10112xi32, #tpu.memory_space<vmem>>, vector<16xi32>,
      %get3A_118 = vector.shape_cast %get3A_117 : vector<16xi32> to vector<16xi32>
      %swap3A_119 = arith.constant 48 : index
      %swap3A_120 = tpu.vector_load %arg6[%swap3A_119] {strides = array<i32>} : memref<128xi32, #tpu.memory_space<vmem>>, vector<16xi32>,
      %swap3A_121 = vector.shape_cast %swap3A_120 : vector<16xi32> to vector<16xi32>
      %swap3A_122 = vector.shape_cast %get3A_118 : vector<16xi32> to vector<16xi32>
      tpu.vector_store %arg6[%swap3A_119], %swap3A_122 {strides = array<i32>} : memref<128xi32, #tpu.memory_space<vmem>>, vector<16xi32>,
      %mul3A_123 = arith.constant 128 : i32
      %mul3A_124 = arith.muli %mul3A_78, %mul3A_123 : i32
      %add3A_125 = arith.constant 64 : i32
      %add3A_126 = arith.addi %mul3A_124, %add3A_125 : i32
      %get3A_127 = arith.index_cast %add3A_126 : i32 to index
      %get3A_128 = tpu.vector_load %arg5[%get3A_127] {strides = array<i32>} : memref<10112xi32, #tpu.memory_space<vmem>>, vector<16xi32>,
      %get3A_129 = vector.shape_cast %get3A_128 : vector<16xi32> to vector<16xi32>
      %swap3A_130 = arith.constant 64 : index
      %swap3A_131 = tpu.vector_load %arg6[%swap3A_130] {strides = array<i32>} : memref<128xi32, #tpu.memory_space<vmem>>, vector<16xi32>,
      %swap3A_132 = vector.shape_cast %swap3A_131 : vector<16xi32> to vector<16xi32>
      %swap3A_133 = vector.shape_cast %get3A_129 : vector<16xi32> to vector<16xi32>
      tpu.vector_store %arg6[%swap3A_130], %swap3A_133 {strides = array<i32>} : memref<128xi32, #tpu.memory_space<vmem>>, vector<16xi32>,
      %mul3A_134 = arith.constant 128 : i32
      %mul3A_135 = arith.muli %mul3A_78, %mul3A_134 : i32
      %add3A_136 = arith.constant 80 : i32
      %add3A_137 = arith.addi %mul3A_135, %add3A_136 : i32
      %get3A_138 = arith.index_cast %add3A_137 : i32 to index
      %get3A_139 = tpu.vector_load %arg5[%get3A_138] {strides = array<i32>} : memref<10112xi32, #tpu.memory_space<vmem>>, vector<16xi32>,
      %get3A_140 = vector.shape_cast %get3A_139 : vector<16xi32> to vector<16xi32>
      %swap3A_141 = arith.constant 80 : index
      %swap3A_142 = tpu.vector_load %arg6[%swap3A_141] {strides = array<i32>} : memref<128xi32, #tpu.memory_space<vmem>>, vector<16xi32>,
      %swap3A_143 = vector.shape_cast %swap3A_142 : vector<16xi32> to vector<16xi32>
      %swap3A_144 = vector.shape_cast %get3A_140 : vector<16xi32> to vector<16xi32>
      tpu.vector_store %arg6[%swap3A_141], %swap3A_144 {strides = array<i32>} : memref<128xi32, #tpu.memory_space<vmem>>, vector<16xi32>,
      %mul3A_145 = arith.constant 128 : i32
      %mul3A_146 = arith.muli %mul3A_78, %mul3A_145 : i32
      %add3A_147 = arith.constant 96 : i32
      %add3A_148 = arith.addi %mul3A_146, %add3A_147 : i32
      %get3A_149 = arith.index_cast %add3A_148 : i32 to index
      %get3A_150 = tpu.vector_load %arg5[%get3A_149] {strides = array<i32>} : memref<10112xi32, #tpu.memory_space<vmem>>, vector<16xi32>,
      %get3A_151 = vector.shape_cast %get3A_150 : vector<16xi32> to vector<16xi32>
      %swap3A_152 = arith.constant 96 : index
      %swap3A_153 = tpu.vector_load %arg6[%swap3A_152] {strides = array<i32>} : memref<128xi32, #tpu.memory_space<vmem>>, vector<16xi32>,
      %swap3A_154 = vector.shape_cast %swap3A_153 : vector<16xi32> to vector<16xi32>
      %swap3A_155 = vector.shape_cast %get3A_151 : vector<16xi32> to vector<16xi32>
      tpu.vector_store %arg6[%swap3A_152], %swap3A_155 {strides = array<i32>} : memref<128xi32, #tpu.memory_space<vmem>>, vector<16xi32>,
      %mul3A_156 = arith.constant 128 : i32
      %mul3A_157 = arith.muli %mul3A_78, %mul3A_156 : i32
      %add3A_158 = arith.constant 112 : i32
      %add3A_159 = arith.addi %mul3A_157, %add3A_158 : i32
      %get3A_160 = arith.index_cast %add3A_159 : i32 to index
      %get3A_161 = tpu.vector_load %arg5[%get3A_160] {strides = array<i32>} : memref<10112xi32, #tpu.memory_space<vmem>>, vector<16xi32>,
      %get3A_162 = vector.shape_cast %get3A_161 : vector<16xi32> to vector<16xi32>
      %swap3A_163 = arith.constant 112 : index
      %swap3A_164 = tpu.vector_load %arg6[%swap3A_163] {strides = array<i32>} : memref<128xi32, #tpu.memory_space<vmem>>, vector<16xi32>,
      %swap3A_165 = vector.shape_cast %swap3A_164 : vector<16xi32> to vector<16xi32>
      %swap3A_166 = vector.shape_cast %get3A_162 : vector<16xi32> to vector<16xi32>
      tpu.vector_store %arg6[%swap3A_163], %swap3A_166 {strides = array<i32>} : memref<128xi32, #tpu.memory_space<vmem>>, vector<16xi32>,
      %dma_start3A = arith.constant 0 : i32
      %dma_start3A_167 = arith.constant 0 : i32
      %dma_start3A_168 = tpu.memref_slice %arg2[%dma_start3A, %dma_start3A_167] : memref<20000x128xf32, #tpu.memory_space<hbm>> -> memref<20000x128xf32, #tpu.memory_space<hbm>>
      tpu.enqueue_indirect_dma source(%dma_start3A_168 : memref<20000x128xf32, #tpu.memory_space<hbm>>) target(%arg10 : memref<128x128xf32, #tpu.memory_space<vmem>>) offsets(%arg6 : memref<128xi32, #tpu.memory_space<vmem>>) semaphore(%arg14 : memref<!tpu.dma_semaphore, #tpu.memory_space<semaphore_mem>>)
      %add3A_169 = arith.addi %add3A, %mul3A_78 : i32
      %mul3A_170 = arith.constant 128 : i32
      %mul3A_171 = arith.muli %add3A_169, %mul3A_170 : i32
      %add3A_172 = arith.constant 160000 : i32
      %add3A_173 = arith.addi %add3A_172, %mul3A_171 : i32
      %dma_start3A_174 = tpu.memref_slice %arg3[%add3A_173] : memref<320000xi32, #tpu.memory_space<hbm>> -> memref<128xi32, #tpu.memory_space<hbm>>
      %dma_start3A_175 = tpu.memref_slice %arg3[%add3A_173] : memref<320000xi32, #tpu.memory_space<hbm>> -> memref<128xi32, #tpu.memory_space<hbm>>
      tpu.enqueue_dma source(%dma_start3A_175 : memref<128xi32, #tpu.memory_space<hbm>>) target(%arg8 : memref<128xi32, #tpu.memory_space<vmem>>) target_semaphore(%arg16 : memref<!tpu.dma_semaphore, #tpu.memory_space<semaphore_mem>>)
      %mul3A_176 = arith.constant 128 : i32
      %mul3A_177 = arith.muli %add3A_80, %mul3A_176 : i32
      %add3A_178 = arith.constant 0 : i32
      %add3A_179 = arith.addi %mul3A_177, %add3A_178 : i32
      %get3A_180 = arith.index_cast %add3A_179 : i32 to index
      %get3A_181 = tpu.vector_load %arg5[%get3A_180] {strides = array<i32>} : memref<10112xi32, #tpu.memory_space<vmem>>, vector<16xi32>,
      %get3A_182 = vector.shape_cast %get3A_181 : vector<16xi32> to vector<16xi32>
      %swap3A_183 = arith.constant 0 : index
      %swap3A_184 = tpu.vector_load %arg7[%swap3A_183] {strides = array<i32>} : memref<128xi32, #tpu.memory_space<vmem>>, vector<16xi32>,
      %swap3A_185 = vector.shape_cast %swap3A_184 : vector<16xi32> to vector<16xi32>
      %swap3A_186 = vector.shape_cast %get3A_182 : vector<16xi32> to vector<16xi32>
      tpu.vector_store %arg7[%swap3A_183], %swap3A_186 {strides = array<i32>} : memref<128xi32, #tpu.memory_space<vmem>>, vector<16xi32>,
      %mul3A_187 = arith.constant 128 : i32
      %mul3A_188 = arith.muli %add3A_80, %mul3A_187 : i32
      %add3A_189 = arith.constant 16 : i32
      %add3A_190 = arith.addi %mul3A_188, %add3A_189 : i32
      %get3A_191 = arith.index_cast %add3A_190 : i32 to index
      %get3A_192 = tpu.vector_load %arg5[%get3A_191] {strides = array<i32>} : memref<10112xi32, #tpu.memory_space<vmem>>, vector<16xi32>,
      %get3A_193 = vector.shape_cast %get3A_192 : vector<16xi32> to vector<16xi32>
      %swap3A_194 = arith.constant 16 : index
      %swap3A_195 = tpu.vector_load %arg7[%swap3A_194] {strides = array<i32>} : memref<128xi32, #tpu.memory_space<vmem>>, vector<16xi32>,
      %swap3A_196 = vector.shape_cast %swap3A_195 : vector<16xi32> to vector<16xi32>
      %swap3A_197 = vector.shape_cast %get3A_193 : vector<16xi32> to vector<16xi32>
      tpu.vector_store %arg7[%swap3A_194], %swap3A_197 {strides = array<i32>} : memref<128xi32, #tpu.memory_space<vmem>>, vector<16xi32>,
      %mul3A_198 = arith.constant 128 : i32
      %mul3A_199 = arith.muli %add3A_80, %mul3A_198 : i32
      %add3A_200 = arith.constant 32 : i32
      %add3A_201 = arith.addi %mul3A_199, %add3A_200 : i32
      %get3A_202 = arith.index_cast %add3A_201 : i32 to index
      %get3A_203 = tpu.vector_load %arg5[%get3A_202] {strides = array<i32>} : memref<10112xi32, #tpu.memory_space<vmem>>, vector<16xi32>,
      %get3A_204 = vector.shape_cast %get3A_203 : vector<16xi32> to vector<16xi32>
      %swap3A_205 = arith.constant 32 : index
      %swap3A_206 = tpu.vector_load %arg7[%swap3A_205] {strides = array<i32>} : memref<128xi32, #tpu.memory_space<vmem>>, vector<16xi32>,
      %swap3A_207 = vector.shape_cast %swap3A_206 : vector<16xi32> to vector<16xi32>
      %swap3A_208 = vector.shape_cast %get3A_204 : vector<16xi32> to vector<16xi32>
      tpu.vector_store %arg7[%swap3A_205], %swap3A_208 {strides = array<i32>} : memref<128xi32, #tpu.memory_space<vmem>>, vector<16xi32>,
      %mul3A_209 = arith.constant 128 : i32
      %mul3A_210 = arith.muli %add3A_80, %mul3A_209 : i32
      %add3A_211 = arith.constant 48 : i32
      %add3A_212 = arith.addi %mul3A_210, %add3A_211 : i32
      %get3A_213 = arith.index_cast %add3A_212 : i32 to index
      %get3A_214 = tpu.vector_load %arg5[%get3A_213] {strides = array<i32>} : memref<10112xi32, #tpu.memory_space<vmem>>, vector<16xi32>,
      %get3A_215 = vector.shape_cast %get3A_214 : vector<16xi32> to vector<16xi32>
      %swap3A_216 = arith.constant 48 : index
      %swap3A_217 = tpu.vector_load %arg7[%swap3A_216] {strides = array<i32>} : memref<128xi32, #tpu.memory_space<vmem>>, vector<16xi32>,
      %swap3A_218 = vector.shape_cast %swap3A_217 : vector<16xi32> to vector<16xi32>
      %swap3A_219 = vector.shape_cast %get3A_215 : vector<16xi32> to vector<16xi32>
      tpu.vector_store %arg7[%swap3A_216], %swap3A_219 {strides = array<i32>} : memref<128xi32, #tpu.memory_space<vmem>>, vector<16xi32>,
      %mul3A_220 = arith.constant 128 : i32
      %mul3A_221 = arith.muli %add3A_80, %mul3A_220 : i32
      %add3A_222 = arith.constant 64 : i32
      %add3A_223 = arith.addi %mul3A_221, %add3A_222 : i32
      %get3A_224 = arith.index_cast %add3A_223 : i32 to index
      %get3A_225 = tpu.vector_load %arg5[%get3A_224] {strides = array<i32>} : memref<10112xi32, #tpu.memory_space<vmem>>, vector<16xi32>,
      %get3A_226 = vector.shape_cast %get3A_225 : vector<16xi32> to vector<16xi32>
      %swap3A_227 = arith.constant 64 : index
      %swap3A_228 = tpu.vector_load %arg7[%swap3A_227] {strides = array<i32>} : memref<128xi32, #tpu.memory_space<vmem>>, vector<16xi32>,
      %swap3A_229 = vector.shape_cast %swap3A_228 : vector<16xi32> to vector<16xi32>
      %swap3A_230 = vector.shape_cast %get3A_226 : vector<16xi32> to vector<16xi32>
      tpu.vector_store %arg7[%swap3A_227], %swap3A_230 {strides = array<i32>} : memref<128xi32, #tpu.memory_space<vmem>>, vector<16xi32>,
      %mul3A_231 = arith.constant 128 : i32
      %mul3A_232 = arith.muli %add3A_80, %mul3A_231 : i32
      %add3A_233 = arith.constant 80 : i32
      %add3A_234 = arith.addi %mul3A_232, %add3A_233 : i32
      %get3A_235 = arith.index_cast %add3A_234 : i32 to index
      %get3A_236 = tpu.vector_load %arg5[%get3A_235] {strides = array<i32>} : memref<10112xi32, #tpu.memory_space<vmem>>, vector<16xi32>,
      %get3A_237 = vector.shape_cast %get3A_236 : vector<16xi32> to vector<16xi32>
      %swap3A_238 = arith.constant 80 : index
      %swap3A_239 = tpu.vector_load %arg7[%swap3A_238] {strides = array<i32>} : memref<128xi32, #tpu.memory_space<vmem>>, vector<16xi32>,
      %swap3A_240 = vector.shape_cast %swap3A_239 : vector<16xi32> to vector<16xi32>
      %swap3A_241 = vector.shape_cast %get3A_237 : vector<16xi32> to vector<16xi32>
      tpu.vector_store %arg7[%swap3A_238], %swap3A_241 {strides = array<i32>} : memref<128xi32, #tpu.memory_space<vmem>>, vector<16xi32>,
      %mul3A_242 = arith.constant 128 : i32
      %mul3A_243 = arith.muli %add3A_80, %mul3A_242 : i32
      %add3A_244 = arith.constant 96 : i32
      %add3A_245 = arith.addi %mul3A_243, %add3A_244 : i32
      %get3A_246 = arith.index_cast %add3A_245 : i32 to index
      %get3A_247 = tpu.vector_load %arg5[%get3A_246] {strides = array<i32>} : memref<10112xi32, #tpu.memory_space<vmem>>, vector<16xi32>,
      %get3A_248 = vector.shape_cast %get3A_247 : vector<16xi32> to vector<16xi32>
      %swap3A_249 = arith.constant 96 : index
      %swap3A_250 = tpu.vector_load %arg7[%swap3A_249] {strides = array<i32>} : memref<128xi32, #tpu.memory_space<vmem>>, vector<16xi32>,
      %swap3A_251 = vector.shape_cast %swap3A_250 : vector<16xi32> to vector<16xi32>
      %swap3A_252 = vector.shape_cast %get3A_248 : vector<16xi32> to vector<16xi32>
      tpu.vector_store %arg7[%swap3A_249], %swap3A_252 {strides = array<i32>} : memref<128xi32, #tpu.memory_space<vmem>>, vector<16xi32>,
      %mul3A_253 = arith.constant 128 : i32
      %mul3A_254 = arith.muli %add3A_80, %mul3A_253 : i32
      %add3A_255 = arith.constant 112 : i32
      %add3A_256 = arith.addi %mul3A_254, %add3A_255 : i32
      %get3A_257 = arith.index_cast %add3A_256 : i32 to index
      %get3A_258 = tpu.vector_load %arg5[%get3A_257] {strides = array<i32>} : memref<10112xi32, #tpu.memory_space<vmem>>, vector<16xi32>,
      %get3A_259 = vector.shape_cast %get3A_258 : vector<16xi32> to vector<16xi32>
      %swap3A_260 = arith.constant 112 : index
      %swap3A_261 = tpu.vector_load %arg7[%swap3A_260] {strides = array<i32>} : memref<128xi32, #tpu.memory_space<vmem>>, vector<16xi32>,
      %swap3A_262 = vector.shape_cast %swap3A_261 : vector<16xi32> to vector<16xi32>
      %swap3A_263 = vector.shape_cast %get3A_259 : vector<16xi32> to vector<16xi32>
      tpu.vector_store %arg7[%swap3A_260], %swap3A_263 {strides = array<i32>} : memref<128xi32, #tpu.memory_space<vmem>>, vector<16xi32>,
      %dma_start3A_264 = arith.constant 0 : i32
      %dma_start3A_265 = arith.constant 0 : i32
      %dma_start3A_266 = tpu.memref_slice %arg2[%dma_start3A_264, %dma_start3A_265] : memref<20000x128xf32, #tpu.memory_space<hbm>> -> memref<20000x128xf32, #tpu.memory_space<hbm>>
      tpu.enqueue_indirect_dma source(%dma_start3A_266 : memref<20000x128xf32, #tpu.memory_space<hbm>>) target(%arg11 : memref<128x128xf32, #tpu.memory_space<vmem>>) offsets(%arg7 : memref<128xi32, #tpu.memory_space<vmem>>) semaphore(%arg15 : memref<!tpu.dma_semaphore, #tpu.memory_space<semaphore_mem>>)
      %add3A_267 = arith.addi %add3A, %add3A_80 : i32
      %mul3A_268 = arith.constant 128 : i32
      %mul3A_269 = arith.muli %add3A_267, %mul3A_268 : i32
      %add3A_270 = arith.constant 160000 : i32
      %add3A_271 = arith.addi %add3A_270, %mul3A_269 : i32
      %dma_start3A_272 = tpu.memref_slice %arg3[%add3A_271] : memref<320000xi32, #tpu.memory_space<hbm>> -> memref<128xi32, #tpu.memory_space<hbm>>
      %dma_start3A_273 = tpu.memref_slice %arg3[%add3A_271] : memref<320000xi32, #tpu.memory_space<hbm>> -> memref<128xi32, #tpu.memory_space<hbm>>
      tpu.enqueue_dma source(%dma_start3A_273 : memref<128xi32, #tpu.memory_space<hbm>>) target(%arg9 : memref<128xi32, #tpu.memory_space<vmem>>) target_semaphore(%arg17 : memref<!tpu.dma_semaphore, #tpu.memory_space<semaphore_mem>>)
      %dma_wait3A = arith.constant 0 : i32
      %dma_wait3A_274 = arith.constant 0 : i32
      %dma_wait3A_275 = tpu.memref_slice %arg2[%dma_wait3A, %dma_wait3A_274] : memref<20000x128xf32, #tpu.memory_space<hbm>> -> memref<20000x128xf32, #tpu.memory_space<hbm>>
      tpu.wait_indirect_dma semaphore(%arg14 : memref<!tpu.dma_semaphore, #tpu.memory_space<semaphore_mem>>) src(%dma_wait3A_275 : memref<20000x128xf32, #tpu.memory_space<hbm>>) dst(%arg10 : memref<128x128xf32, #tpu.memory_space<vmem>>)
      %dma_wait3A_276 = tpu.memref_slice %arg3[%add3A_173] : memref<320000xi32, #tpu.memory_space<hbm>> -> memref<128xi32, #tpu.memory_space<hbm>>
      %dma_wait3A_277 = tpu.memref_slice %arg3[%add3A_173] : memref<320000xi32, #tpu.memory_space<hbm>> -> memref<128xi32, #tpu.memory_space<hbm>>
      tpu.wait_dma2 semaphore(%arg16 : memref<!tpu.dma_semaphore, #tpu.memory_space<semaphore_mem>>) src(%dma_wait3A_277 : memref<128xi32, #tpu.memory_space<hbm>>) dst(%arg8 : memref<128xi32, #tpu.memory_space<vmem>>)
      "tpu.region"() ({
        %run_scoped3A = tpu.sem_alloc : memref<!tpu.dma_semaphore, #tpu.memory_space<semaphore_mem>>
        %dma_start3A_284 = arith.constant 0 : i32
        %dma_start3A_285 = arith.constant 0 : i32
        %dma_start3A_286 = tpu.memref_slice %arg13[%dma_start3A_284, %dma_start3A_285] : memref<10000x128xf32, #tpu.memory_space<vmem_shared>> -> memref<10000x128xf32, #tpu.memory_space<vmem_shared>>
        tpu.enqueue_indirect_dma source(%arg10 : memref<128x128xf32, #tpu.memory_space<vmem>>) target(%dma_start3A_286 : memref<10000x128xf32, #tpu.memory_space<vmem_shared>>) offsets(%arg8 : memref<128xi32, #tpu.memory_space<vmem>>) semaphore(%run_scoped3A : memref<!tpu.dma_semaphore, #tpu.memory_space<semaphore_mem>>) {add = true}
        %dma_wait3A_287 = arith.constant 0 : i32
        %dma_wait3A_288 = arith.constant 0 : i32
        %dma_wait3A_289 = tpu.memref_slice %arg13[%dma_wait3A_287, %dma_wait3A_288] : memref<10000x128xf32, #tpu.memory_space<vmem_shared>> -> memref<10000x128xf32, #tpu.memory_space<vmem_shared>>
        tpu.wait_indirect_dma semaphore(%run_scoped3A : memref<!tpu.dma_semaphore, #tpu.memory_space<semaphore_mem>>) src(%arg10 : memref<128x128xf32, #tpu.memory_space<vmem>>) dst(%dma_wait3A_289 : memref<10000x128xf32, #tpu.memory_space<vmem_shared>>)
        tpu.yield
      }) : () -> ()
      %dma_wait3A_278 = arith.constant 0 : i32
      %dma_wait3A_279 = arith.constant 0 : i32
      %dma_wait3A_280 = tpu.memref_slice %arg2[%dma_wait3A_278, %dma_wait3A_279] : memref<20000x128xf32, #tpu.memory_space<hbm>> -> memref<20000x128xf32, #tpu.memory_space<hbm>>
      tpu.wait_indirect_dma semaphore(%arg15 : memref<!tpu.dma_semaphore, #tpu.memory_space<semaphore_mem>>) src(%dma_wait3A_280 : memref<20000x128xf32, #tpu.memory_space<hbm>>) dst(%arg11 : memref<128x128xf32, #tpu.memory_space<vmem>>)
      %dma_wait3A_281 = tpu.memref_slice %arg3[%add3A_271] : memref<320000xi32, #tpu.memory_space<hbm>> -> memref<128xi32, #tpu.memory_space<hbm>>
      %dma_wait3A_282 = tpu.memref_slice %arg3[%add3A_271] : memref<320000xi32, #tpu.memory_space<hbm>> -> memref<128xi32, #tpu.memory_space<hbm>>
      tpu.wait_dma2 semaphore(%arg17 : memref<!tpu.dma_semaphore, #tpu.memory_space<semaphore_mem>>) src(%dma_wait3A_282 : memref<128xi32, #tpu.memory_space<hbm>>) dst(%arg9 : memref<128xi32, #tpu.memory_space<vmem>>)
      "tpu.region"() ({
        %run_scoped3A = tpu.sem_alloc : memref<!tpu.dma_semaphore, #tpu.memory_space<semaphore_mem>>
        %dma_start3A_284 = arith.constant 0 : i32
        %dma_start3A_285 = arith.constant 0 : i32
        %dma_start3A_286 = tpu.memref_slice %arg13[%dma_start3A_284, %dma_start3A_285] : memref<10000x128xf32, #tpu.memory_space<vmem_shared>> -> memref<10000x128xf32, #tpu.memory_space<vmem_shared>>
        tpu.enqueue_indirect_dma source(%arg11 : memref<128x128xf32, #tpu.memory_space<vmem>>) target(%dma_start3A_286 : memref<10000x128xf32, #tpu.memory_space<vmem_shared>>) offsets(%arg9 : memref<128xi32, #tpu.memory_space<vmem>>) semaphore(%run_scoped3A : memref<!tpu.dma_semaphore, #tpu.memory_space<semaphore_mem>>) {add = true}
        %dma_wait3A_287 = arith.constant 0 : i32
        %dma_wait3A_288 = arith.constant 0 : i32
        %dma_wait3A_289 = tpu.memref_slice %arg13[%dma_wait3A_287, %dma_wait3A_288] : memref<10000x128xf32, #tpu.memory_space<vmem_shared>> -> memref<10000x128xf32, #tpu.memory_space<vmem_shared>>
        tpu.wait_indirect_dma semaphore(%run_scoped3A : memref<!tpu.dma_semaphore, #tpu.memory_space<semaphore_mem>>) src(%arg11 : memref<128x128xf32, #tpu.memory_space<vmem>>) dst(%dma_wait3A_289 : memref<10000x128xf32, #tpu.memory_space<vmem_shared>>)
        tpu.yield
      }) : () -> ()
      %scan3A_283 = arith.constant 0 : i32
      scf.yield %scan3A_283 : i32
    }
    %scan3A_59 = arith.constant 39 : i32
    %gt3A = arith.constant 78 : i32
    %gt3A_60 = arith.cmpi sgt, %add3A_6, %gt3A : i32
    %convert_element_type3A_61 = arith.extui %gt3A_60 : i1 to i32
    %cond3A_62 = arith.constant 0 : i32
    %cond3A_63 = arith.cmpi ne, %convert_element_type3A_61, %cond3A_62 : i32
    scf.if %cond3A_63 {
      %get3A = arith.constant 9984 : index
      %get3A_75 = tpu.vector_load %arg5[%get3A] {strides = array<i32>} : memref<10112xi32, #tpu.memory_space<vmem>>, vector<16xi32>,
      %get3A_76 = vector.shape_cast %get3A_75 : vector<16xi32> to vector<16xi32>
      %swap3A = arith.constant 0 : index
      %swap3A_77 = tpu.vector_load %arg6[%swap3A] {strides = array<i32>} : memref<128xi32, #tpu.memory_space<vmem>>, vector<16xi32>,
      %swap3A_78 = vector.shape_cast %swap3A_77 : vector<16xi32> to vector<16xi32>
      %swap3A_79 = vector.shape_cast %get3A_76 : vector<16xi32> to vector<16xi32>
      tpu.vector_store %arg6[%swap3A], %swap3A_79 {strides = array<i32>} : memref<128xi32, #tpu.memory_space<vmem>>, vector<16xi32>,
      %get3A_80 = arith.constant 10000 : index
      %get3A_81 = tpu.vector_load %arg5[%get3A_80] {strides = array<i32>} : memref<10112xi32, #tpu.memory_space<vmem>>, vector<16xi32>,
      %get3A_82 = vector.shape_cast %get3A_81 : vector<16xi32> to vector<16xi32>
      %swap3A_83 = arith.constant 16 : index
      %swap3A_84 = tpu.vector_load %arg6[%swap3A_83] {strides = array<i32>} : memref<128xi32, #tpu.memory_space<vmem>>, vector<16xi32>,
      %swap3A_85 = vector.shape_cast %swap3A_84 : vector<16xi32> to vector<16xi32>
      %swap3A_86 = vector.shape_cast %get3A_82 : vector<16xi32> to vector<16xi32>
      tpu.vector_store %arg6[%swap3A_83], %swap3A_86 {strides = array<i32>} : memref<128xi32, #tpu.memory_space<vmem>>, vector<16xi32>,
      %get3A_87 = arith.constant 10016 : index
      %get3A_88 = tpu.vector_load %arg5[%get3A_87] {strides = array<i32>} : memref<10112xi32, #tpu.memory_space<vmem>>, vector<16xi32>,
      %get3A_89 = vector.shape_cast %get3A_88 : vector<16xi32> to vector<16xi32>
      %swap3A_90 = arith.constant 32 : index
      %swap3A_91 = tpu.vector_load %arg6[%swap3A_90] {strides = array<i32>} : memref<128xi32, #tpu.memory_space<vmem>>, vector<16xi32>,
      %swap3A_92 = vector.shape_cast %swap3A_91 : vector<16xi32> to vector<16xi32>
      %swap3A_93 = vector.shape_cast %get3A_89 : vector<16xi32> to vector<16xi32>
      tpu.vector_store %arg6[%swap3A_90], %swap3A_93 {strides = array<i32>} : memref<128xi32, #tpu.memory_space<vmem>>, vector<16xi32>,
      %get3A_94 = arith.constant 10032 : index
      %get3A_95 = tpu.vector_load %arg5[%get3A_94] {strides = array<i32>} : memref<10112xi32, #tpu.memory_space<vmem>>, vector<16xi32>,
      %get3A_96 = vector.shape_cast %get3A_95 : vector<16xi32> to vector<16xi32>
      %swap3A_97 = arith.constant 48 : index
      %swap3A_98 = tpu.vector_load %arg6[%swap3A_97] {strides = array<i32>} : memref<128xi32, #tpu.memory_space<vmem>>, vector<16xi32>,
      %swap3A_99 = vector.shape_cast %swap3A_98 : vector<16xi32> to vector<16xi32>
      %swap3A_100 = vector.shape_cast %get3A_96 : vector<16xi32> to vector<16xi32>
      tpu.vector_store %arg6[%swap3A_97], %swap3A_100 {strides = array<i32>} : memref<128xi32, #tpu.memory_space<vmem>>, vector<16xi32>,
      %get3A_101 = arith.constant 10048 : index
      %get3A_102 = tpu.vector_load %arg5[%get3A_101] {strides = array<i32>} : memref<10112xi32, #tpu.memory_space<vmem>>, vector<16xi32>,
      %get3A_103 = vector.shape_cast %get3A_102 : vector<16xi32> to vector<16xi32>
      %swap3A_104 = arith.constant 64 : index
      %swap3A_105 = tpu.vector_load %arg6[%swap3A_104] {strides = array<i32>} : memref<128xi32, #tpu.memory_space<vmem>>, vector<16xi32>,
      %swap3A_106 = vector.shape_cast %swap3A_105 : vector<16xi32> to vector<16xi32>
      %swap3A_107 = vector.shape_cast %get3A_103 : vector<16xi32> to vector<16xi32>
      tpu.vector_store %arg6[%swap3A_104], %swap3A_107 {strides = array<i32>} : memref<128xi32, #tpu.memory_space<vmem>>, vector<16xi32>,
      %get3A_108 = arith.constant 10064 : index
      %get3A_109 = tpu.vector_load %arg5[%get3A_108] {strides = array<i32>} : memref<10112xi32, #tpu.memory_space<vmem>>, vector<16xi32>,
      %get3A_110 = vector.shape_cast %get3A_109 : vector<16xi32> to vector<16xi32>
      %swap3A_111 = arith.constant 80 : index
      %swap3A_112 = tpu.vector_load %arg6[%swap3A_111] {strides = array<i32>} : memref<128xi32, #tpu.memory_space<vmem>>, vector<16xi32>,
      %swap3A_113 = vector.shape_cast %swap3A_112 : vector<16xi32> to vector<16xi32>
      %swap3A_114 = vector.shape_cast %get3A_110 : vector<16xi32> to vector<16xi32>
      tpu.vector_store %arg6[%swap3A_111], %swap3A_114 {strides = array<i32>} : memref<128xi32, #tpu.memory_space<vmem>>, vector<16xi32>,
      %get3A_115 = arith.constant 10080 : index
      %get3A_116 = tpu.vector_load %arg5[%get3A_115] {strides = array<i32>} : memref<10112xi32, #tpu.memory_space<vmem>>, vector<16xi32>,
      %get3A_117 = vector.shape_cast %get3A_116 : vector<16xi32> to vector<16xi32>
      %swap3A_118 = arith.constant 96 : index
      %swap3A_119 = tpu.vector_load %arg6[%swap3A_118] {strides = array<i32>} : memref<128xi32, #tpu.memory_space<vmem>>, vector<16xi32>,
      %swap3A_120 = vector.shape_cast %swap3A_119 : vector<16xi32> to vector<16xi32>
      %swap3A_121 = vector.shape_cast %get3A_117 : vector<16xi32> to vector<16xi32>
      tpu.vector_store %arg6[%swap3A_118], %swap3A_121 {strides = array<i32>} : memref<128xi32, #tpu.memory_space<vmem>>, vector<16xi32>,
      %get3A_122 = arith.constant 10096 : index
      %get3A_123 = tpu.vector_load %arg5[%get3A_122] {strides = array<i32>} : memref<10112xi32, #tpu.memory_space<vmem>>, vector<16xi32>,
      %get3A_124 = vector.shape_cast %get3A_123 : vector<16xi32> to vector<16xi32>
      %swap3A_125 = arith.constant 112 : index
      %swap3A_126 = tpu.vector_load %arg6[%swap3A_125] {strides = array<i32>} : memref<128xi32, #tpu.memory_space<vmem>>, vector<16xi32>,
      %swap3A_127 = vector.shape_cast %swap3A_126 : vector<16xi32> to vector<16xi32>
      %swap3A_128 = vector.shape_cast %get3A_124 : vector<16xi32> to vector<16xi32>
      tpu.vector_store %arg6[%swap3A_125], %swap3A_128 {strides = array<i32>} : memref<128xi32, #tpu.memory_space<vmem>>, vector<16xi32>,
      %dma_start3A = arith.constant 0 : i32
      %dma_start3A_129 = arith.constant 0 : i32
      %dma_start3A_130 = tpu.memref_slice %arg2[%dma_start3A, %dma_start3A_129] : memref<20000x128xf32, #tpu.memory_space<hbm>> -> memref<20000x128xf32, #tpu.memory_space<hbm>>
      tpu.enqueue_indirect_dma source(%dma_start3A_130 : memref<20000x128xf32, #tpu.memory_space<hbm>>) target(%arg10 : memref<128x128xf32, #tpu.memory_space<vmem>>) offsets(%arg6 : memref<128xi32, #tpu.memory_space<vmem>>) semaphore(%arg14 : memref<!tpu.dma_semaphore, #tpu.memory_space<semaphore_mem>>)
      %add3A_131 = arith.constant 78 : i32
      %add3A_132 = arith.addi %add3A, %add3A_131 : i32
      %mul3A_133 = arith.constant 128 : i32
      %mul3A_134 = arith.muli %add3A_132, %mul3A_133 : i32
      %add3A_135 = arith.constant 160000 : i32
      %add3A_136 = arith.addi %add3A_135, %mul3A_134 : i32
      %dma_start3A_137 = tpu.memref_slice %arg3[%add3A_136] : memref<320000xi32, #tpu.memory_space<hbm>> -> memref<128xi32, #tpu.memory_space<hbm>>
      %dma_start3A_138 = tpu.memref_slice %arg3[%add3A_136] : memref<320000xi32, #tpu.memory_space<hbm>> -> memref<128xi32, #tpu.memory_space<hbm>>
      tpu.enqueue_dma source(%dma_start3A_138 : memref<128xi32, #tpu.memory_space<hbm>>) target(%arg8 : memref<128xi32, #tpu.memory_space<vmem>>) target_semaphore(%arg16 : memref<!tpu.dma_semaphore, #tpu.memory_space<semaphore_mem>>)
      %dma_wait3A = arith.constant 0 : i32
      %dma_wait3A_139 = arith.constant 0 : i32
      %dma_wait3A_140 = tpu.memref_slice %arg2[%dma_wait3A, %dma_wait3A_139] : memref<20000x128xf32, #tpu.memory_space<hbm>> -> memref<20000x128xf32, #tpu.memory_space<hbm>>
      tpu.wait_indirect_dma semaphore(%arg14 : memref<!tpu.dma_semaphore, #tpu.memory_space<semaphore_mem>>) src(%dma_wait3A_140 : memref<20000x128xf32, #tpu.memory_space<hbm>>) dst(%arg10 : memref<128x128xf32, #tpu.memory_space<vmem>>)
      %dma_wait3A_141 = tpu.memref_slice %arg3[%add3A_136] : memref<320000xi32, #tpu.memory_space<hbm>> -> memref<128xi32, #tpu.memory_space<hbm>>
      %dma_wait3A_142 = tpu.memref_slice %arg3[%add3A_136] : memref<320000xi32, #tpu.memory_space<hbm>> -> memref<128xi32, #tpu.memory_space<hbm>>
      tpu.wait_dma2 semaphore(%arg16 : memref<!tpu.dma_semaphore, #tpu.memory_space<semaphore_mem>>) src(%dma_wait3A_142 : memref<128xi32, #tpu.memory_space<hbm>>) dst(%arg8 : memref<128xi32, #tpu.memory_space<vmem>>)
      "tpu.region"() ({
        %run_scoped3A = tpu.sem_alloc : memref<!tpu.dma_semaphore, #tpu.memory_space<semaphore_mem>>
        %dma_start3A_143 = arith.constant 0 : i32
        %dma_start3A_144 = arith.constant 0 : i32
        %dma_start3A_145 = tpu.memref_slice %arg13[%dma_start3A_143, %dma_start3A_144] : memref<10000x128xf32, #tpu.memory_space<vmem_shared>> -> memref<10000x128xf32, #tpu.memory_space<vmem_shared>>
        tpu.enqueue_indirect_dma source(%arg10 : memref<128x128xf32, #tpu.memory_space<vmem>>) target(%dma_start3A_145 : memref<10000x128xf32, #tpu.memory_space<vmem_shared>>) offsets(%arg8 : memref<128xi32, #tpu.memory_space<vmem>>) semaphore(%run_scoped3A : memref<!tpu.dma_semaphore, #tpu.memory_space<semaphore_mem>>) {add = true}
        %dma_wait3A_146 = arith.constant 0 : i32
        %dma_wait3A_147 = arith.constant 0 : i32
        %dma_wait3A_148 = tpu.memref_slice %arg13[%dma_wait3A_146, %dma_wait3A_147] : memref<10000x128xf32, #tpu.memory_space<vmem_shared>> -> memref<10000x128xf32, #tpu.memory_space<vmem_shared>>
        tpu.wait_indirect_dma semaphore(%run_scoped3A : memref<!tpu.dma_semaphore, #tpu.memory_space<semaphore_mem>>) src(%arg10 : memref<128x128xf32, #tpu.memory_space<vmem>>) dst(%dma_wait3A_148 : memref<10000x128xf32, #tpu.memory_space<vmem_shared>>)
        tpu.yield
      }) : () -> ()
    } else {
    }
    %barrier3A_64 = arith.constant 0 : index
    tpu.barrier barrier_id(%barrier3A_64)
    %eq3A_65 = arith.constant 0 : i32
    %eq3A_66 = arith.cmpi eq, %arg1, %eq3A_65 : i32
    %convert_element_type3A_67 = arith.extui %eq3A_66 : i1 to i32
    %cond3A_68 = arith.constant 0 : i32
    %cond3A_69 = arith.cmpi ne, %convert_element_type3A_67, %cond3A_68 : i32
    scf.if %cond3A_69 {
      "tpu.region"() ({
        %run_scoped3A = tpu.sem_alloc : memref<!tpu.dma_semaphore, #tpu.memory_space<semaphore_mem>>
        %dma_start3A = arith.constant 0 : i32
        %dma_start3A_75 = tpu.memref_slice %arg4[%mul3A_0, %dma_start3A] : memref<20000x128xf32, #tpu.memory_space<hbm>> -> memref<640x128xf32, #tpu.memory_space<hbm>>
        %dma_start3A_76 = arith.constant 0 : i32
        %dma_start3A_77 = arith.constant 0 : i32
        %dma_start3A_78 = tpu.memref_slice %arg13[%dma_start3A_76, %dma_start3A_77] : memref<10000x128xf32, #tpu.memory_space<vmem_shared>> -> memref<640x128xf32, #tpu.memory_space<vmem_shared>>
        tpu.enqueue_dma source(%dma_start3A_78 : memref<640x128xf32, #tpu.memory_space<vmem_shared>>) target(%dma_start3A_75 : memref<640x128xf32, #tpu.memory_space<hbm>>) target_semaphore(%run_scoped3A : memref<!tpu.dma_semaphore, #tpu.memory_space<semaphore_mem>>)
        %dma_wait3A = arith.constant 0 : i32
        %dma_wait3A_79 = tpu.memref_slice %arg4[%mul3A_0, %dma_wait3A] : memref<20000x128xf32, #tpu.memory_space<hbm>> -> memref<640x128xf32, #tpu.memory_space<hbm>>
        %dma_wait3A_80 = arith.constant 0 : i32
        %dma_wait3A_81 = arith.constant 0 : i32
        %dma_wait3A_82 = tpu.memref_slice %arg13[%dma_wait3A_80, %dma_wait3A_81] : memref<10000x128xf32, #tpu.memory_space<vmem_shared>> -> memref<640x128xf32, #tpu.memory_space<vmem_shared>>
        tpu.wait_dma2 semaphore(%run_scoped3A : memref<!tpu.dma_semaphore, #tpu.memory_space<semaphore_mem>>) src(%dma_wait3A_82 : memref<640x128xf32, #tpu.memory_space<vmem_shared>>) dst(%dma_wait3A_79 : memref<640x128xf32, #tpu.memory_space<hbm>>)
        tpu.yield
      }) : () -> ()
    } else {
    }
    %gt3A_70 = arith.constant 0 : i32
    %gt3A_71 = arith.cmpi sgt, %arg1, %gt3A_70 : i32
    %convert_element_type3A_72 = arith.extui %gt3A_71 : i1 to i32
    %cond3A_73 = arith.constant 0 : i32
    %cond3A_74 = arith.cmpi ne, %convert_element_type3A_72, %cond3A_73 : i32
    scf.if %cond3A_74 {
      %add3A_75 = arith.addi %mul3A_0, %select_n3A : i32
      "tpu.region"() ({
        %run_scoped3A = tpu.sem_alloc : memref<!tpu.dma_semaphore, #tpu.memory_space<semaphore_mem>>
        %dma_start3A = arith.constant 0 : i32
        %dma_start3A_76 = tpu.memref_slice %arg4[%add3A_75, %dma_start3A] : memref<20000x128xf32, #tpu.memory_space<hbm>> -> memref<624x128xf32, #tpu.memory_space<hbm>>
        %dma_start3A_77 = arith.constant 0 : i32
        %dma_start3A_78 = tpu.memref_slice %arg13[%select_n3A, %dma_start3A_77] : memref<10000x128xf32, #tpu.memory_space<vmem_shared>> -> memref<624x128xf32, #tpu.memory_space<vmem_shared>>
        tpu.enqueue_dma source(%dma_start3A_78 : memref<624x128xf32, #tpu.memory_space<vmem_shared>>) target(%dma_start3A_76 : memref<624x128xf32, #tpu.memory_space<hbm>>) target_semaphore(%run_scoped3A : memref<!tpu.dma_semaphore, #tpu.memory_space<semaphore_mem>>)
        %dma_wait3A = arith.constant 0 : i32
        %dma_wait3A_79 = tpu.memref_slice %arg4[%add3A_75, %dma_wait3A] : memref<20000x128xf32, #tpu.memory_space<hbm>> -> memref<624x128xf32, #tpu.memory_space<hbm>>
        %dma_wait3A_80 = arith.constant 0 : i32
        %dma_wait3A_81 = tpu.memref_slice %arg13[%select_n3A, %dma_wait3A_80] : memref<10000x128xf32, #tpu.memory_space<vmem_shared>> -> memref<624x128xf32, #tpu.memory_space<vmem_shared>>
        tpu.wait_dma2 semaphore(%run_scoped3A : memref<!tpu.dma_semaphore, #tpu.memory_space<semaphore_mem>>) src(%dma_wait3A_81 : memref<624x128xf32, #tpu.memory_space<vmem_shared>>) dst(%dma_wait3A_79 : memref<624x128xf32, #tpu.memory_space<hbm>>)
        tpu.yield
      }) : () -> ()
    } else {
    }
    return
  }
}

#map = affine_map<(d0, d1) -> (0, 0)>
#map1 = affine_map<(d0, d1) -> (0)>
module attributes {stable_mosaic.version = 14 : i64} {
  func.func @_sc_aggregate(%arg0: i32, %arg1: i32, %arg2: memref<20000x128xf32, #tpu.memory_space<hbm>>, %arg3: memref<320000xi32, #tpu.memory_space<hbm>>, %arg4: memref<20000x128xf32, #tpu.memory_space<hbm>>, %arg5: memref<10112xi32, #tpu.memory_space<vmem>>, %arg6: memref<128xi32, #tpu.memory_space<vmem>>, %arg7: memref<128xi32, #tpu.memory_space<vmem>>, %arg8: memref<128xi32, #tpu.memory_space<vmem>>, %arg9: memref<128xi32, #tpu.memory_space<vmem>>, %arg10: memref<128x128xf32, #tpu.memory_space<vmem>>, %arg11: memref<128x128xf32, #tpu.memory_space<vmem>>, %arg12: memref<8x128xf32, #tpu.memory_space<vmem>>, %arg13: memref<10000x128xf32, #tpu.memory_space<vmem_shared>>, %arg14: memref<!tpu.dma_semaphore, #tpu.memory_space<semaphore_mem>>, %arg15: memref<!tpu.dma_semaphore, #tpu.memory_space<semaphore_mem>>, %arg16: memref<!tpu.dma_semaphore, #tpu.memory_space<semaphore_mem>>, %arg17: memref<!tpu.dma_semaphore, #tpu.memory_space<semaphore_mem>>) attributes {dimension_semantics = [#tpu.dimension_semantics<core_parallel>, #tpu.dimension_semantics<subcore_parallel>], iteration_bounds = array<i64: 2, 16>, scalar_prefetch = 0 : i64, scratch_operands = 13 : i64, tpu.core_type = #tpu.core_type<sc_vector_subcore>, window_params = [{transform_indices = #map}, {transform_indices = #map1}, {transform_indices = #map}]} {
    %mul3A = arith.constant 10000 : i32
    %mul3A_0 = arith.muli %arg0, %mul3A : i32
    %mul3A_1 = arith.constant 78 : i32
    %mul3A_2 = arith.muli %arg1, %mul3A_1 : i32
    %min3A = arith.constant 2 : i32
    %min3A_3 = arith.minsi %arg1, %min3A : i32
    %add3A = arith.addi %mul3A_2, %min3A_3 : i32
    %lt3A = arith.constant 2 : i32
    %lt3A_4 = arith.cmpi slt, %arg1, %lt3A : i32
    %convert_element_type3A = arith.extui %lt3A_4 : i1 to i32
    %add3A_5 = arith.constant 78 : i32
    %add3A_6 = arith.addi %add3A_5, %convert_element_type3A : i32
    %eq3A = arith.constant 0 : i32
    %eq3A_7 = arith.cmpi eq, %arg1, %eq3A : i32
    %sub3A = arith.constant 1 : i32
    %sub3A_8 = arith.subi %arg1, %sub3A : i32
    %mul3A_9 = arith.constant 624 : i32
    %mul3A_10 = arith.muli %sub3A_8, %mul3A_9 : i32
    %add3A_11 = arith.constant 640 : i32
    %add3A_12 = arith.addi %add3A_11, %mul3A_10 : i32
    %jit3A = arith.constant 0 : i32
    %select_n3A = arith.select %eq3A_7, %jit3A, %add3A_12 : i32
    %eq3A_13 = arith.constant 0 : i32
    %eq3A_14 = arith.cmpi eq, %arg1, %eq3A_13 : i32
    %jit3A_15 = arith.constant 40 : i32
    %jit3A_16 = arith.constant 39 : i32
    %select_n3A_17 = arith.select %eq3A_14, %jit3A_15, %jit3A_16 : i32
    %lt3A_18 = arith.constant 2 : i32
    %lt3A_19 = arith.cmpi slt, %arg1, %lt3A_18 : i32
    %convert_element_type3A_20 = arith.extui %lt3A_19 : i1 to i32
    %cond3A = arith.constant 0 : i32
    %cond3A_21 = arith.cmpi ne, %convert_element_type3A_20, %cond3A : i32
    scf.if %cond3A_21 {
      %mul3A_75 = arith.constant 128 : i32
      %mul3A_76 = arith.muli %add3A, %mul3A_75 : i32
      "tpu.region"() ({
        %run_scoped3A = tpu.sem_alloc : memref<!tpu.dma_semaphore, #tpu.memory_space<semaphore_mem>>
        %dma_start3A = arith.constant 0 : i32
        %dma_start3A_77 = tpu.memref_slice %arg5[%dma_start3A] : memref<10112xi32, #tpu.memory_space<vmem>> -> memref<10112xi32, #tpu.memory_space<vmem>>
        %dma_start3A_78 = tpu.memref_slice %arg3[%mul3A_76] : memref<320000xi32, #tpu.memory_space<hbm>> -> memref<10112xi32, #tpu.memory_space<hbm>>
        %dma_start3A_79 = arith.constant 0 : i32
        %dma_start3A_80 = tpu.memref_slice %arg5[%dma_start3A_79] : memref<10112xi32, #tpu.memory_space<vmem>> -> memref<10112xi32, #tpu.memory_space<vmem>>
        %dma_start3A_81 = tpu.memref_slice %arg3[%mul3A_76] : memref<320000xi32, #tpu.memory_space<hbm>> -> memref<10112xi32, #tpu.memory_space<hbm>>
        tpu.enqueue_dma source(%dma_start3A_81 : memref<10112xi32, #tpu.memory_space<hbm>>) target(%dma_start3A_80 : memref<10112xi32, #tpu.memory_space<vmem>>) target_semaphore(%run_scoped3A : memref<!tpu.dma_semaphore, #tpu.memory_space<semaphore_mem>>)
        %dma_wait3A = arith.constant 0 : i32
        %dma_wait3A_82 = tpu.memref_slice %arg5[%dma_wait3A] : memref<10112xi32, #tpu.memory_space<vmem>> -> memref<10112xi32, #tpu.memory_space<vmem>>
        %dma_wait3A_83 = tpu.memref_slice %arg3[%mul3A_76] : memref<320000xi32, #tpu.memory_space<hbm>> -> memref<10112xi32, #tpu.memory_space<hbm>>
        %dma_wait3A_84 = arith.constant 0 : i32
        %dma_wait3A_85 = tpu.memref_slice %arg5[%dma_wait3A_84] : memref<10112xi32, #tpu.memory_space<vmem>> -> memref<10112xi32, #tpu.memory_space<vmem>>
        %dma_wait3A_86 = tpu.memref_slice %arg3[%mul3A_76] : memref<320000xi32, #tpu.memory_space<hbm>> -> memref<10112xi32, #tpu.memory_space<hbm>>
        tpu.wait_dma2 semaphore(%run_scoped3A : memref<!tpu.dma_semaphore, #tpu.memory_space<semaphore_mem>>) src(%dma_wait3A_86 : memref<10112xi32, #tpu.memory_space<hbm>>) dst(%dma_wait3A_85 : memref<10112xi32, #tpu.memory_space<vmem>>)
        tpu.yield
      }) : () -> ()
    } else {
    }
    %ge3A = arith.constant 2 : i32
    %ge3A_22 = arith.cmpi sge, %arg1, %ge3A : i32
    %convert_element_type3A_23 = arith.extui %ge3A_22 : i1 to i32
    %cond3A_24 = arith.constant 0 : i32
    %cond3A_25 = arith.cmpi ne, %convert_element_type3A_23, %cond3A_24 : i32
    scf.if %cond3A_25 {
      %mul3A_75 = arith.constant 128 : i32
      %mul3A_76 = arith.muli %add3A, %mul3A_75 : i32
      "tpu.region"() ({
        %run_scoped3A = tpu.sem_alloc : memref<!tpu.dma_semaphore, #tpu.memory_space<semaphore_mem>>
        %dma_start3A = arith.constant 0 : i32
        %dma_start3A_77 = tpu.memref_slice %arg5[%dma_start3A] : memref<10112xi32, #tpu.memory_space<vmem>> -> memref<9984xi32, #tpu.memory_space<vmem>>
        %dma_start3A_78 = tpu.memref_slice %arg3[%mul3A_76] : memref<320000xi32, #tpu.memory_space<hbm>> -> memref<9984xi32, #tpu.memory_space<hbm>>
        %dma_start3A_79 = arith.constant 0 : i32
        %dma_start3A_80 = tpu.memref_slice %arg5[%dma_start3A_79] : memref<10112xi32, #tpu.memory_space<vmem>> -> memref<9984xi32, #tpu.memory_space<vmem>>
        %dma_start3A_81 = tpu.memref_slice %arg3[%mul3A_76] : memref<320000xi32, #tpu.memory_space<hbm>> -> memref<9984xi32, #tpu.memory_space<hbm>>
        tpu.enqueue_dma source(%dma_start3A_81 : memref<9984xi32, #tpu.memory_space<hbm>>) target(%dma_start3A_80 : memref<9984xi32, #tpu.memory_space<vmem>>) target_semaphore(%run_scoped3A : memref<!tpu.dma_semaphore, #tpu.memory_space<semaphore_mem>>)
        %dma_wait3A = arith.constant 0 : i32
        %dma_wait3A_82 = tpu.memref_slice %arg5[%dma_wait3A] : memref<10112xi32, #tpu.memory_space<vmem>> -> memref<9984xi32, #tpu.memory_space<vmem>>
        %dma_wait3A_83 = tpu.memref_slice %arg3[%mul3A_76] : memref<320000xi32, #tpu.memory_space<hbm>> -> memref<9984xi32, #tpu.memory_space<hbm>>
        %dma_wait3A_84 = arith.constant 0 : i32
        %dma_wait3A_85 = tpu.memref_slice %arg5[%dma_wait3A_84] : memref<10112xi32, #tpu.memory_space<vmem>> -> memref<9984xi32, #tpu.memory_space<vmem>>
        %dma_wait3A_86 = tpu.memref_slice %arg3[%mul3A_76] : memref<320000xi32, #tpu.memory_space<hbm>> -> memref<9984xi32, #tpu.memory_space<hbm>>
        tpu.wait_dma2 semaphore(%run_scoped3A : memref<!tpu.dma_semaphore, #tpu.memory_space<semaphore_mem>>) src(%dma_wait3A_86 : memref<9984xi32, #tpu.memory_space<hbm>>) dst(%dma_wait3A_85 : memref<9984xi32, #tpu.memory_space<vmem>>)
        tpu.yield
      }) : () -> ()
    } else {
    }
    %scan3A = arith.constant 0 : i32
    %scan3A_26 = arith.constant 0 : i32
    %scan3A_27 = arith.constant 632 : i32
    %scan3A_28 = arith.addi %scan3A_26, %scan3A_27 : i32
    %scan3A_29 = arith.constant 1 : i32
    %scan3A_30 = scf.for %scan3A_75 = %scan3A_26 to %scan3A_28 step %scan3A_29 iter_args(%scan3A_76 = %scan3A) -> (i32)  : i32 {
      %mul3A_77 = arith.constant 16 : i32
      %mul3A_78 = arith.muli %scan3A_75, %mul3A_77 : i32
      %get3A = arith.index_cast %mul3A_78 : i32 to index
      %get3A_79 = tpu.vector_load %arg5[%get3A] {strides = array<i32>} : memref<10112xi32, #tpu.memory_space<vmem>>, vector<16xi32>,
      %get3A_80 = vector.shape_cast %get3A_79 : vector<16xi32> to vector<16xi32>
      %add3A_81 = vector.broadcast %mul3A_0 : i32 to vector<16xi32>
      %add3A_82 = arith.addi %get3A_80, %add3A_81 : vector<16xi32>
      %mul3A_83 = arith.constant 16 : i32
      %mul3A_84 = arith.muli %scan3A_75, %mul3A_83 : i32
      %swap3A = arith.index_cast %mul3A_84 : i32 to index
      %swap3A_85 = tpu.vector_load %arg5[%swap3A] {strides = array<i32>} : memref<10112xi32, #tpu.memory_space<vmem>>, vector<16xi32>,
      %swap3A_86 = vector.shape_cast %swap3A_85 : vector<16xi32> to vector<16xi32>
      %swap3A_87 = vector.shape_cast %add3A_82 : vector<16xi32> to vector<16xi32>
      tpu.vector_store %arg5[%swap3A], %swap3A_87 {strides = array<i32>} : memref<10112xi32, #tpu.memory_space<vmem>>, vector<16xi32>,
      %scan3A_88 = arith.constant 0 : i32
      scf.yield %scan3A_88 : i32
    }
    %scan3A_31 = arith.constant 632 : i32
    %broadcast_in_dim3A = arith.constant 0.000000e+00 : f32
    %broadcast_in_dim3A_32 = vector.broadcast %broadcast_in_dim3A : f32 to vector<16xf32>
    %scan3A_33 = arith.constant 0 : i32
    %scan3A_34 = arith.constant 0 : i32
    %scan3A_35 = arith.constant 8 : i32
    %scan3A_36 = arith.addi %scan3A_34, %scan3A_35 : i32
    %scan3A_37 = arith.constant 1 : i32
    %scan3A_38 = scf.for %scan3A_75 = %scan3A_34 to %scan3A_36 step %scan3A_37 iter_args(%scan3A_76 = %scan3A_33) -> (i32)  : i32 {
      %swap3A = arith.index_cast %scan3A_75 : i32 to index
      %swap3A_77 = arith.constant 0 : index
      %swap3A_78 = tpu.vector_load %arg12[%swap3A, %swap3A_77] {strides = array<i32>} : memref<8x128xf32, #tpu.memory_space<vmem>>, vector<1x16xf32>,
      %swap3A_79 = vector.shape_cast %swap3A_78 : vector<1x16xf32> to vector<16xf32>
      %swap3A_80 = vector.shape_cast %broadcast_in_dim3A_32 : vector<16xf32> to vector<1x16xf32>
      tpu.vector_store %arg12[%swap3A, %swap3A_77], %swap3A_80 {strides = array<i32>} : memref<8x128xf32, #tpu.memory_space<vmem>>, vector<1x16xf32>,
      %swap3A_81 = arith.index_cast %scan3A_75 : i32 to index
      %swap3A_82 = arith.constant 16 : index
      %swap3A_83 = tpu.vector_load %arg12[%swap3A_81, %swap3A_82] {strides = array<i32>} : memref<8x128xf32, #tpu.memory_space<vmem>>, vector<1x16xf32>,
      %swap3A_84 = vector.shape_cast %swap3A_83 : vector<1x16xf32> to vector<16xf32>
      %swap3A_85 = vector.shape_cast %broadcast_in_dim3A_32 : vector<16xf32> to vector<1x16xf32>
      tpu.vector_store %arg12[%swap3A_81, %swap3A_82], %swap3A_85 {strides = array<i32>} : memref<8x128xf32, #tpu.memory_space<vmem>>, vector<1x16xf32>,
      %swap3A_86 = arith.index_cast %scan3A_75 : i32 to index
      %swap3A_87 = arith.constant 32 : index
      %swap3A_88 = tpu.vector_load %arg12[%swap3A_86, %swap3A_87] {strides = array<i32>} : memref<8x128xf32, #tpu.memory_space<vmem>>, vector<1x16xf32>,
      %swap3A_89 = vector.shape_cast %swap3A_88 : vector<1x16xf32> to vector<16xf32>
      %swap3A_90 = vector.shape_cast %broadcast_in_dim3A_32 : vector<16xf32> to vector<1x16xf32>
      tpu.vector_store %arg12[%swap3A_86, %swap3A_87], %swap3A_90 {strides = array<i32>} : memref<8x128xf32, #tpu.memory_space<vmem>>, vector<1x16xf32>,
      %swap3A_91 = arith.index_cast %scan3A_75 : i32 to index
      %swap3A_92 = arith.constant 48 : index
      %swap3A_93 = tpu.vector_load %arg12[%swap3A_91, %swap3A_92] {strides = array<i32>} : memref<8x128xf32, #tpu.memory_space<vmem>>, vector<1x16xf32>,
      %swap3A_94 = vector.shape_cast %swap3A_93 : vector<1x16xf32> to vector<16xf32>
      %swap3A_95 = vector.shape_cast %broadcast_in_dim3A_32 : vector<16xf32> to vector<1x16xf32>
      tpu.vector_store %arg12[%swap3A_91, %swap3A_92], %swap3A_95 {strides = array<i32>} : memref<8x128xf32, #tpu.memory_space<vmem>>, vector<1x16xf32>,
      %swap3A_96 = arith.index_cast %scan3A_75 : i32 to index
      %swap3A_97 = arith.constant 64 : index
      %swap3A_98 = tpu.vector_load %arg12[%swap3A_96, %swap3A_97] {strides = array<i32>} : memref<8x128xf32, #tpu.memory_space<vmem>>, vector<1x16xf32>,
      %swap3A_99 = vector.shape_cast %swap3A_98 : vector<1x16xf32> to vector<16xf32>
      %swap3A_100 = vector.shape_cast %broadcast_in_dim3A_32 : vector<16xf32> to vector<1x16xf32>
      tpu.vector_store %arg12[%swap3A_96, %swap3A_97], %swap3A_100 {strides = array<i32>} : memref<8x128xf32, #tpu.memory_space<vmem>>, vector<1x16xf32>,
      %swap3A_101 = arith.index_cast %scan3A_75 : i32 to index
      %swap3A_102 = arith.constant 80 : index
      %swap3A_103 = tpu.vector_load %arg12[%swap3A_101, %swap3A_102] {strides = array<i32>} : memref<8x128xf32, #tpu.memory_space<vmem>>, vector<1x16xf32>,
      %swap3A_104 = vector.shape_cast %swap3A_103 : vector<1x16xf32> to vector<16xf32>
      %swap3A_105 = vector.shape_cast %broadcast_in_dim3A_32 : vector<16xf32> to vector<1x16xf32>
      tpu.vector_store %arg12[%swap3A_101, %swap3A_102], %swap3A_105 {strides = array<i32>} : memref<8x128xf32, #tpu.memory_space<vmem>>, vector<1x16xf32>,
      %swap3A_106 = arith.index_cast %scan3A_75 : i32 to index
      %swap3A_107 = arith.constant 96 : index
      %swap3A_108 = tpu.vector_load %arg12[%swap3A_106, %swap3A_107] {strides = array<i32>} : memref<8x128xf32, #tpu.memory_space<vmem>>, vector<1x16xf32>,
      %swap3A_109 = vector.shape_cast %swap3A_108 : vector<1x16xf32> to vector<16xf32>
      %swap3A_110 = vector.shape_cast %broadcast_in_dim3A_32 : vector<16xf32> to vector<1x16xf32>
      tpu.vector_store %arg12[%swap3A_106, %swap3A_107], %swap3A_110 {strides = array<i32>} : memref<8x128xf32, #tpu.memory_space<vmem>>, vector<1x16xf32>,
      %swap3A_111 = arith.index_cast %scan3A_75 : i32 to index
      %swap3A_112 = arith.constant 112 : index
      %swap3A_113 = tpu.vector_load %arg12[%swap3A_111, %swap3A_112] {strides = array<i32>} : memref<8x128xf32, #tpu.memory_space<vmem>>, vector<1x16xf32>,
      %swap3A_114 = vector.shape_cast %swap3A_113 : vector<1x16xf32> to vector<16xf32>
      %swap3A_115 = vector.shape_cast %broadcast_in_dim3A_32 : vector<16xf32> to vector<1x16xf32>
      tpu.vector_store %arg12[%swap3A_111, %swap3A_112], %swap3A_115 {strides = array<i32>} : memref<8x128xf32, #tpu.memory_space<vmem>>, vector<1x16xf32>,
      %scan3A_116 = arith.constant 0 : i32
      scf.yield %scan3A_116 : i32
    }
    %scan3A_39 = arith.constant 8 : i32
    %mul3A_40 = arith.constant 2 : i32
    %mul3A_41 = arith.muli %select_n3A_17, %mul3A_40 : i32
    %while3A = arith.constant 0 : i32
    %while3A_42 = arith.constant 0 : i32
    %while3A_43 = arith.subi %mul3A_41, %while3A : i32
    %while3A_44 = arith.addi %while3A, %while3A_43 : i32
    %while3A_45 = arith.constant 1 : i32
    %while3A_46 = arith.divsi %while3A_43, %while3A_45 : i32
    %while3A_47 = arith.muli %while3A_46, %while3A_45 : i32
    %while3A_48 = arith.addi %while3A, %while3A_47 : i32
    %while3A_49 = arith.constant 1 : i32
    %while3A_50 = scf.for %while3A_75 = %while3A to %while3A_48 step %while3A_49 iter_args(%while3A_76 = %while3A_42) -> (i32)  : i32 {
      %mul3A_77 = arith.constant 8 : i32
      %mul3A_78 = arith.muli %while3A_75, %mul3A_77 : i32
      %add3A_79 = arith.addi %select_n3A, %mul3A_78 : i32
      "tpu.region"() ({
        %run_scoped3A = tpu.sem_alloc : memref<!tpu.dma_semaphore, #tpu.memory_space<semaphore_mem>>
        %dma_start3A = arith.constant 0 : i32
        %dma_start3A_81 = tpu.memref_slice %arg13[%add3A_79, %dma_start3A] : memref<10000x128xf32, #tpu.memory_space<vmem_shared>> -> memref<8x128xf32, #tpu.memory_space<vmem_shared>>
        %dma_start3A_82 = arith.constant 0 : i32
        %dma_start3A_83 = tpu.memref_slice %arg13[%add3A_79, %dma_start3A_82] : memref<10000x128xf32, #tpu.memory_space<vmem_shared>> -> memref<8x128xf32, #tpu.memory_space<vmem_shared>>
        tpu.enqueue_dma source(%arg12 : memref<8x128xf32, #tpu.memory_space<vmem>>) target(%dma_start3A_83 : memref<8x128xf32, #tpu.memory_space<vmem_shared>>) target_semaphore(%run_scoped3A : memref<!tpu.dma_semaphore, #tpu.memory_space<semaphore_mem>>)
        %dma_wait3A = arith.constant 0 : i32
        %dma_wait3A_84 = tpu.memref_slice %arg13[%add3A_79, %dma_wait3A] : memref<10000x128xf32, #tpu.memory_space<vmem_shared>> -> memref<8x128xf32, #tpu.memory_space<vmem_shared>>
        %dma_wait3A_85 = arith.constant 0 : i32
        %dma_wait3A_86 = tpu.memref_slice %arg13[%add3A_79, %dma_wait3A_85] : memref<10000x128xf32, #tpu.memory_space<vmem_shared>> -> memref<8x128xf32, #tpu.memory_space<vmem_shared>>
        tpu.wait_dma2 semaphore(%run_scoped3A : memref<!tpu.dma_semaphore, #tpu.memory_space<semaphore_mem>>) src(%arg12 : memref<8x128xf32, #tpu.memory_space<vmem>>) dst(%dma_wait3A_86 : memref<8x128xf32, #tpu.memory_space<vmem_shared>>)
        tpu.yield
      }) : () -> ()
      %while3A_80 = arith.constant 0 : i32
      scf.yield %while3A_80 : i32
    }
    %while3A_51 = arith.constant 1 : i32
    %while3A_52 = scf.for %while3A_75 = %while3A_48 to %while3A_44 step %while3A_51 iter_args(%while3A_76 = %while3A_50) -> (i32)  : i32 {
      %mul3A_77 = arith.constant 8 : i32
      %mul3A_78 = arith.muli %while3A_75, %mul3A_77 : i32
      %add3A_79 = arith.addi %select_n3A, %mul3A_78 : i32
      "tpu.region"() ({
        %run_scoped3A = tpu.sem_alloc : memref<!tpu.dma_semaphore, #tpu.memory_space<semaphore_mem>>
        %dma_start3A = arith.constant 0 : i32
        %dma_start3A_81 = tpu.memref_slice %arg13[%add3A_79, %dma_start3A] : memref<10000x128xf32, #tpu.memory_space<vmem_shared>> -> memref<8x128xf32, #tpu.memory_space<vmem_shared>>
        %dma_start3A_82 = arith.constant 0 : i32
        %dma_start3A_83 = tpu.memref_slice %arg13[%add3A_79, %dma_start3A_82] : memref<10000x128xf32, #tpu.memory_space<vmem_shared>> -> memref<8x128xf32, #tpu.memory_space<vmem_shared>>
        tpu.enqueue_dma source(%arg12 : memref<8x128xf32, #tpu.memory_space<vmem>>) target(%dma_start3A_83 : memref<8x128xf32, #tpu.memory_space<vmem_shared>>) target_semaphore(%run_scoped3A : memref<!tpu.dma_semaphore, #tpu.memory_space<semaphore_mem>>)
        %dma_wait3A = arith.constant 0 : i32
        %dma_wait3A_84 = tpu.memref_slice %arg13[%add3A_79, %dma_wait3A] : memref<10000x128xf32, #tpu.memory_space<vmem_shared>> -> memref<8x128xf32, #tpu.memory_space<vmem_shared>>
        %dma_wait3A_85 = arith.constant 0 : i32
        %dma_wait3A_86 = tpu.memref_slice %arg13[%add3A_79, %dma_wait3A_85] : memref<10000x128xf32, #tpu.memory_space<vmem_shared>> -> memref<8x128xf32, #tpu.memory_space<vmem_shared>>
        tpu.wait_dma2 semaphore(%run_scoped3A : memref<!tpu.dma_semaphore, #tpu.memory_space<semaphore_mem>>) src(%arg12 : memref<8x128xf32, #tpu.memory_space<vmem>>) dst(%dma_wait3A_86 : memref<8x128xf32, #tpu.memory_space<vmem_shared>>)
        tpu.yield
      }) : () -> ()
      %while3A_80 = arith.constant 0 : i32
      scf.yield %while3A_80 : i32
    }
    %barrier3A = arith.constant 0 : index
    tpu.barrier barrier_id(%barrier3A)
    %scan3A_53 = arith.constant 0 : i32
    %scan3A_54 = arith.constant 0 : i32
    %scan3A_55 = arith.constant 39 : i32
    %scan3A_56 = arith.addi %scan3A_54, %scan3A_55 : i32
    %scan3A_57 = arith.constant 1 : i32
    %scan3A_58 = scf.for %scan3A_75 = %scan3A_54 to %scan3A_56 step %scan3A_57 iter_args(%scan3A_76 = %scan3A_53) -> (i32)  : i32 {
      %mul3A_77 = arith.constant 2 : i32
      %mul3A_78 = arith.muli %mul3A_77, %scan3A_75 : i32
      %add3A_79 = arith.constant 1 : i32
      %add3A_80 = arith.addi %mul3A_78, %add3A_79 : i32
      %mul3A_81 = arith.constant 128 : i32
      %mul3A_82 = arith.muli %mul3A_78, %mul3A_81 : i32
      %add3A_83 = arith.constant 0 : i32
      %add3A_84 = arith.addi %mul3A_82, %add3A_83 : i32
      %get3A = arith.index_cast %add3A_84 : i32 to index
      %get3A_85 = tpu.vector_load %arg5[%get3A] {strides = array<i32>} : memref<10112xi32, #tpu.memory_space<vmem>>, vector<16xi32>,
      %get3A_86 = vector.shape_cast %get3A_85 : vector<16xi32> to vector<16xi32>
      %swap3A = arith.constant 0 : index
      %swap3A_87 = tpu.vector_load %arg6[%swap3A] {strides = array<i32>} : memref<128xi32, #tpu.memory_space<vmem>>, vector<16xi32>,
      %swap3A_88 = vector.shape_cast %swap3A_87 : vector<16xi32> to vector<16xi32>
      %swap3A_89 = vector.shape_cast %get3A_86 : vector<16xi32> to vector<16xi32>
      tpu.vector_store %arg6[%swap3A], %swap3A_89 {strides = array<i32>} : memref<128xi32, #tpu.memory_space<vmem>>, vector<16xi32>,
      %mul3A_90 = arith.constant 128 : i32
      %mul3A_91 = arith.muli %mul3A_78, %mul3A_90 : i32
      %add3A_92 = arith.constant 16 : i32
      %add3A_93 = arith.addi %mul3A_91, %add3A_92 : i32
      %get3A_94 = arith.index_cast %add3A_93 : i32 to index
      %get3A_95 = tpu.vector_load %arg5[%get3A_94] {strides = array<i32>} : memref<10112xi32, #tpu.memory_space<vmem>>, vector<16xi32>,
      %get3A_96 = vector.shape_cast %get3A_95 : vector<16xi32> to vector<16xi32>
      %swap3A_97 = arith.constant 16 : index
      %swap3A_98 = tpu.vector_load %arg6[%swap3A_97] {strides = array<i32>} : memref<128xi32, #tpu.memory_space<vmem>>, vector<16xi32>,
      %swap3A_99 = vector.shape_cast %swap3A_98 : vector<16xi32> to vector<16xi32>
      %swap3A_100 = vector.shape_cast %get3A_96 : vector<16xi32> to vector<16xi32>
      tpu.vector_store %arg6[%swap3A_97], %swap3A_100 {strides = array<i32>} : memref<128xi32, #tpu.memory_space<vmem>>, vector<16xi32>,
      %mul3A_101 = arith.constant 128 : i32
      %mul3A_102 = arith.muli %mul3A_78, %mul3A_101 : i32
      %add3A_103 = arith.constant 32 : i32
      %add3A_104 = arith.addi %mul3A_102, %add3A_103 : i32
      %get3A_105 = arith.index_cast %add3A_104 : i32 to index
      %get3A_106 = tpu.vector_load %arg5[%get3A_105] {strides = array<i32>} : memref<10112xi32, #tpu.memory_space<vmem>>, vector<16xi32>,
      %get3A_107 = vector.shape_cast %get3A_106 : vector<16xi32> to vector<16xi32>
      %swap3A_108 = arith.constant 32 : index
      %swap3A_109 = tpu.vector_load %arg6[%swap3A_108] {strides = array<i32>} : memref<128xi32, #tpu.memory_space<vmem>>, vector<16xi32>,
      %swap3A_110 = vector.shape_cast %swap3A_109 : vector<16xi32> to vector<16xi32>
      %swap3A_111 = vector.shape_cast %get3A_107 : vector<16xi32> to vector<16xi32>
      tpu.vector_store %arg6[%swap3A_108], %swap3A_111 {strides = array<i32>} : memref<128xi32, #tpu.memory_space<vmem>>, vector<16xi32>,
      %mul3A_112 = arith.constant 128 : i32
      %mul3A_113 = arith.muli %mul3A_78, %mul3A_112 : i32
      %add3A_114 = arith.constant 48 : i32
      %add3A_115 = arith.addi %mul3A_113, %add3A_114 : i32
      %get3A_116 = arith.index_cast %add3A_115 : i32 to index
      %get3A_117 = tpu.vector_load %arg5[%get3A_116] {strides = array<i32>} : memref<10112xi32, #tpu.memory_space<vmem>>, vector<16xi32>,
      %get3A_118 = vector.shape_cast %get3A_117 : vector<16xi32> to vector<16xi32>
      %swap3A_119 = arith.constant 48 : index
      %swap3A_120 = tpu.vector_load %arg6[%swap3A_119] {strides = array<i32>} : memref<128xi32, #tpu.memory_space<vmem>>, vector<16xi32>,
      %swap3A_121 = vector.shape_cast %swap3A_120 : vector<16xi32> to vector<16xi32>
      %swap3A_122 = vector.shape_cast %get3A_118 : vector<16xi32> to vector<16xi32>
      tpu.vector_store %arg6[%swap3A_119], %swap3A_122 {strides = array<i32>} : memref<128xi32, #tpu.memory_space<vmem>>, vector<16xi32>,
      %mul3A_123 = arith.constant 128 : i32
      %mul3A_124 = arith.muli %mul3A_78, %mul3A_123 : i32
      %add3A_125 = arith.constant 64 : i32
      %add3A_126 = arith.addi %mul3A_124, %add3A_125 : i32
      %get3A_127 = arith.index_cast %add3A_126 : i32 to index
      %get3A_128 = tpu.vector_load %arg5[%get3A_127] {strides = array<i32>} : memref<10112xi32, #tpu.memory_space<vmem>>, vector<16xi32>,
      %get3A_129 = vector.shape_cast %get3A_128 : vector<16xi32> to vector<16xi32>
      %swap3A_130 = arith.constant 64 : index
      %swap3A_131 = tpu.vector_load %arg6[%swap3A_130] {strides = array<i32>} : memref<128xi32, #tpu.memory_space<vmem>>, vector<16xi32>,
      %swap3A_132 = vector.shape_cast %swap3A_131 : vector<16xi32> to vector<16xi32>
      %swap3A_133 = vector.shape_cast %get3A_129 : vector<16xi32> to vector<16xi32>
      tpu.vector_store %arg6[%swap3A_130], %swap3A_133 {strides = array<i32>} : memref<128xi32, #tpu.memory_space<vmem>>, vector<16xi32>,
      %mul3A_134 = arith.constant 128 : i32
      %mul3A_135 = arith.muli %mul3A_78, %mul3A_134 : i32
      %add3A_136 = arith.constant 80 : i32
      %add3A_137 = arith.addi %mul3A_135, %add3A_136 : i32
      %get3A_138 = arith.index_cast %add3A_137 : i32 to index
      %get3A_139 = tpu.vector_load %arg5[%get3A_138] {strides = array<i32>} : memref<10112xi32, #tpu.memory_space<vmem>>, vector<16xi32>,
      %get3A_140 = vector.shape_cast %get3A_139 : vector<16xi32> to vector<16xi32>
      %swap3A_141 = arith.constant 80 : index
      %swap3A_142 = tpu.vector_load %arg6[%swap3A_141] {strides = array<i32>} : memref<128xi32, #tpu.memory_space<vmem>>, vector<16xi32>,
      %swap3A_143 = vector.shape_cast %swap3A_142 : vector<16xi32> to vector<16xi32>
      %swap3A_144 = vector.shape_cast %get3A_140 : vector<16xi32> to vector<16xi32>
      tpu.vector_store %arg6[%swap3A_141], %swap3A_144 {strides = array<i32>} : memref<128xi32, #tpu.memory_space<vmem>>, vector<16xi32>,
      %mul3A_145 = arith.constant 128 : i32
      %mul3A_146 = arith.muli %mul3A_78, %mul3A_145 : i32
      %add3A_147 = arith.constant 96 : i32
      %add3A_148 = arith.addi %mul3A_146, %add3A_147 : i32
      %get3A_149 = arith.index_cast %add3A_148 : i32 to index
      %get3A_150 = tpu.vector_load %arg5[%get3A_149] {strides = array<i32>} : memref<10112xi32, #tpu.memory_space<vmem>>, vector<16xi32>,
      %get3A_151 = vector.shape_cast %get3A_150 : vector<16xi32> to vector<16xi32>
      %swap3A_152 = arith.constant 96 : index
      %swap3A_153 = tpu.vector_load %arg6[%swap3A_152] {strides = array<i32>} : memref<128xi32, #tpu.memory_space<vmem>>, vector<16xi32>,
      %swap3A_154 = vector.shape_cast %swap3A_153 : vector<16xi32> to vector<16xi32>
      %swap3A_155 = vector.shape_cast %get3A_151 : vector<16xi32> to vector<16xi32>
      tpu.vector_store %arg6[%swap3A_152], %swap3A_155 {strides = array<i32>} : memref<128xi32, #tpu.memory_space<vmem>>, vector<16xi32>,
      %mul3A_156 = arith.constant 128 : i32
      %mul3A_157 = arith.muli %mul3A_78, %mul3A_156 : i32
      %add3A_158 = arith.constant 112 : i32
      %add3A_159 = arith.addi %mul3A_157, %add3A_158 : i32
      %get3A_160 = arith.index_cast %add3A_159 : i32 to index
      %get3A_161 = tpu.vector_load %arg5[%get3A_160] {strides = array<i32>} : memref<10112xi32, #tpu.memory_space<vmem>>, vector<16xi32>,
      %get3A_162 = vector.shape_cast %get3A_161 : vector<16xi32> to vector<16xi32>
      %swap3A_163 = arith.constant 112 : index
      %swap3A_164 = tpu.vector_load %arg6[%swap3A_163] {strides = array<i32>} : memref<128xi32, #tpu.memory_space<vmem>>, vector<16xi32>,
      %swap3A_165 = vector.shape_cast %swap3A_164 : vector<16xi32> to vector<16xi32>
      %swap3A_166 = vector.shape_cast %get3A_162 : vector<16xi32> to vector<16xi32>
      tpu.vector_store %arg6[%swap3A_163], %swap3A_166 {strides = array<i32>} : memref<128xi32, #tpu.memory_space<vmem>>, vector<16xi32>,
      %dma_start3A = arith.constant 0 : i32
      %dma_start3A_167 = arith.constant 0 : i32
      %dma_start3A_168 = tpu.memref_slice %arg2[%dma_start3A, %dma_start3A_167] : memref<20000x128xf32, #tpu.memory_space<hbm>> -> memref<20000x128xf32, #tpu.memory_space<hbm>>
      tpu.enqueue_indirect_dma source(%dma_start3A_168 : memref<20000x128xf32, #tpu.memory_space<hbm>>) target(%arg10 : memref<128x128xf32, #tpu.memory_space<vmem>>) offsets(%arg6 : memref<128xi32, #tpu.memory_space<vmem>>) semaphore(%arg14 : memref<!tpu.dma_semaphore, #tpu.memory_space<semaphore_mem>>)
      %add3A_169 = arith.addi %add3A, %mul3A_78 : i32
      %mul3A_170 = arith.constant 128 : i32
      %mul3A_171 = arith.muli %add3A_169, %mul3A_170 : i32
      %add3A_172 = arith.constant 160000 : i32
      %add3A_173 = arith.addi %add3A_172, %mul3A_171 : i32
      %dma_start3A_174 = tpu.memref_slice %arg3[%add3A_173] : memref<320000xi32, #tpu.memory_space<hbm>> -> memref<128xi32, #tpu.memory_space<hbm>>
      %dma_start3A_175 = tpu.memref_slice %arg3[%add3A_173] : memref<320000xi32, #tpu.memory_space<hbm>> -> memref<128xi32, #tpu.memory_space<hbm>>
      tpu.enqueue_dma source(%dma_start3A_175 : memref<128xi32, #tpu.memory_space<hbm>>) target(%arg8 : memref<128xi32, #tpu.memory_space<vmem>>) target_semaphore(%arg16 : memref<!tpu.dma_semaphore, #tpu.memory_space<semaphore_mem>>)
      %mul3A_176 = arith.constant 128 : i32
      %mul3A_177 = arith.muli %add3A_80, %mul3A_176 : i32
      %add3A_178 = arith.constant 0 : i32
      %add3A_179 = arith.addi %mul3A_177, %add3A_178 : i32
      %get3A_180 = arith.index_cast %add3A_179 : i32 to index
      %get3A_181 = tpu.vector_load %arg5[%get3A_180] {strides = array<i32>} : memref<10112xi32, #tpu.memory_space<vmem>>, vector<16xi32>,
      %get3A_182 = vector.shape_cast %get3A_181 : vector<16xi32> to vector<16xi32>
      %swap3A_183 = arith.constant 0 : index
      %swap3A_184 = tpu.vector_load %arg7[%swap3A_183] {strides = array<i32>} : memref<128xi32, #tpu.memory_space<vmem>>, vector<16xi32>,
      %swap3A_185 = vector.shape_cast %swap3A_184 : vector<16xi32> to vector<16xi32>
      %swap3A_186 = vector.shape_cast %get3A_182 : vector<16xi32> to vector<16xi32>
      tpu.vector_store %arg7[%swap3A_183], %swap3A_186 {strides = array<i32>} : memref<128xi32, #tpu.memory_space<vmem>>, vector<16xi32>,
      %mul3A_187 = arith.constant 128 : i32
      %mul3A_188 = arith.muli %add3A_80, %mul3A_187 : i32
      %add3A_189 = arith.constant 16 : i32
      %add3A_190 = arith.addi %mul3A_188, %add3A_189 : i32
      %get3A_191 = arith.index_cast %add3A_190 : i32 to index
      %get3A_192 = tpu.vector_load %arg5[%get3A_191] {strides = array<i32>} : memref<10112xi32, #tpu.memory_space<vmem>>, vector<16xi32>,
      %get3A_193 = vector.shape_cast %get3A_192 : vector<16xi32> to vector<16xi32>
      %swap3A_194 = arith.constant 16 : index
      %swap3A_195 = tpu.vector_load %arg7[%swap3A_194] {strides = array<i32>} : memref<128xi32, #tpu.memory_space<vmem>>, vector<16xi32>,
      %swap3A_196 = vector.shape_cast %swap3A_195 : vector<16xi32> to vector<16xi32>
      %swap3A_197 = vector.shape_cast %get3A_193 : vector<16xi32> to vector<16xi32>
      tpu.vector_store %arg7[%swap3A_194], %swap3A_197 {strides = array<i32>} : memref<128xi32, #tpu.memory_space<vmem>>, vector<16xi32>,
      %mul3A_198 = arith.constant 128 : i32
      %mul3A_199 = arith.muli %add3A_80, %mul3A_198 : i32
      %add3A_200 = arith.constant 32 : i32
      %add3A_201 = arith.addi %mul3A_199, %add3A_200 : i32
      %get3A_202 = arith.index_cast %add3A_201 : i32 to index
      %get3A_203 = tpu.vector_load %arg5[%get3A_202] {strides = array<i32>} : memref<10112xi32, #tpu.memory_space<vmem>>, vector<16xi32>,
      %get3A_204 = vector.shape_cast %get3A_203 : vector<16xi32> to vector<16xi32>
      %swap3A_205 = arith.constant 32 : index
      %swap3A_206 = tpu.vector_load %arg7[%swap3A_205] {strides = array<i32>} : memref<128xi32, #tpu.memory_space<vmem>>, vector<16xi32>,
      %swap3A_207 = vector.shape_cast %swap3A_206 : vector<16xi32> to vector<16xi32>
      %swap3A_208 = vector.shape_cast %get3A_204 : vector<16xi32> to vector<16xi32>
      tpu.vector_store %arg7[%swap3A_205], %swap3A_208 {strides = array<i32>} : memref<128xi32, #tpu.memory_space<vmem>>, vector<16xi32>,
      %mul3A_209 = arith.constant 128 : i32
      %mul3A_210 = arith.muli %add3A_80, %mul3A_209 : i32
      %add3A_211 = arith.constant 48 : i32
      %add3A_212 = arith.addi %mul3A_210, %add3A_211 : i32
      %get3A_213 = arith.index_cast %add3A_212 : i32 to index
      %get3A_214 = tpu.vector_load %arg5[%get3A_213] {strides = array<i32>} : memref<10112xi32, #tpu.memory_space<vmem>>, vector<16xi32>,
      %get3A_215 = vector.shape_cast %get3A_214 : vector<16xi32> to vector<16xi32>
      %swap3A_216 = arith.constant 48 : index
      %swap3A_217 = tpu.vector_load %arg7[%swap3A_216] {strides = array<i32>} : memref<128xi32, #tpu.memory_space<vmem>>, vector<16xi32>,
      %swap3A_218 = vector.shape_cast %swap3A_217 : vector<16xi32> to vector<16xi32>
      %swap3A_219 = vector.shape_cast %get3A_215 : vector<16xi32> to vector<16xi32>
      tpu.vector_store %arg7[%swap3A_216], %swap3A_219 {strides = array<i32>} : memref<128xi32, #tpu.memory_space<vmem>>, vector<16xi32>,
      %mul3A_220 = arith.constant 128 : i32
      %mul3A_221 = arith.muli %add3A_80, %mul3A_220 : i32
      %add3A_222 = arith.constant 64 : i32
      %add3A_223 = arith.addi %mul3A_221, %add3A_222 : i32
      %get3A_224 = arith.index_cast %add3A_223 : i32 to index
      %get3A_225 = tpu.vector_load %arg5[%get3A_224] {strides = array<i32>} : memref<10112xi32, #tpu.memory_space<vmem>>, vector<16xi32>,
      %get3A_226 = vector.shape_cast %get3A_225 : vector<16xi32> to vector<16xi32>
      %swap3A_227 = arith.constant 64 : index
      %swap3A_228 = tpu.vector_load %arg7[%swap3A_227] {strides = array<i32>} : memref<128xi32, #tpu.memory_space<vmem>>, vector<16xi32>,
      %swap3A_229 = vector.shape_cast %swap3A_228 : vector<16xi32> to vector<16xi32>
      %swap3A_230 = vector.shape_cast %get3A_226 : vector<16xi32> to vector<16xi32>
      tpu.vector_store %arg7[%swap3A_227], %swap3A_230 {strides = array<i32>} : memref<128xi32, #tpu.memory_space<vmem>>, vector<16xi32>,
      %mul3A_231 = arith.constant 128 : i32
      %mul3A_232 = arith.muli %add3A_80, %mul3A_231 : i32
      %add3A_233 = arith.constant 80 : i32
      %add3A_234 = arith.addi %mul3A_232, %add3A_233 : i32
      %get3A_235 = arith.index_cast %add3A_234 : i32 to index
      %get3A_236 = tpu.vector_load %arg5[%get3A_235] {strides = array<i32>} : memref<10112xi32, #tpu.memory_space<vmem>>, vector<16xi32>,
      %get3A_237 = vector.shape_cast %get3A_236 : vector<16xi32> to vector<16xi32>
      %swap3A_238 = arith.constant 80 : index
      %swap3A_239 = tpu.vector_load %arg7[%swap3A_238] {strides = array<i32>} : memref<128xi32, #tpu.memory_space<vmem>>, vector<16xi32>,
      %swap3A_240 = vector.shape_cast %swap3A_239 : vector<16xi32> to vector<16xi32>
      %swap3A_241 = vector.shape_cast %get3A_237 : vector<16xi32> to vector<16xi32>
      tpu.vector_store %arg7[%swap3A_238], %swap3A_241 {strides = array<i32>} : memref<128xi32, #tpu.memory_space<vmem>>, vector<16xi32>,
      %mul3A_242 = arith.constant 128 : i32
      %mul3A_243 = arith.muli %add3A_80, %mul3A_242 : i32
      %add3A_244 = arith.constant 96 : i32
      %add3A_245 = arith.addi %mul3A_243, %add3A_244 : i32
      %get3A_246 = arith.index_cast %add3A_245 : i32 to index
      %get3A_247 = tpu.vector_load %arg5[%get3A_246] {strides = array<i32>} : memref<10112xi32, #tpu.memory_space<vmem>>, vector<16xi32>,
      %get3A_248 = vector.shape_cast %get3A_247 : vector<16xi32> to vector<16xi32>
      %swap3A_249 = arith.constant 96 : index
      %swap3A_250 = tpu.vector_load %arg7[%swap3A_249] {strides = array<i32>} : memref<128xi32, #tpu.memory_space<vmem>>, vector<16xi32>,
      %swap3A_251 = vector.shape_cast %swap3A_250 : vector<16xi32> to vector<16xi32>
      %swap3A_252 = vector.shape_cast %get3A_248 : vector<16xi32> to vector<16xi32>
      tpu.vector_store %arg7[%swap3A_249], %swap3A_252 {strides = array<i32>} : memref<128xi32, #tpu.memory_space<vmem>>, vector<16xi32>,
      %mul3A_253 = arith.constant 128 : i32
      %mul3A_254 = arith.muli %add3A_80, %mul3A_253 : i32
      %add3A_255 = arith.constant 112 : i32
      %add3A_256 = arith.addi %mul3A_254, %add3A_255 : i32
      %get3A_257 = arith.index_cast %add3A_256 : i32 to index
      %get3A_258 = tpu.vector_load %arg5[%get3A_257] {strides = array<i32>} : memref<10112xi32, #tpu.memory_space<vmem>>, vector<16xi32>,
      %get3A_259 = vector.shape_cast %get3A_258 : vector<16xi32> to vector<16xi32>
      %swap3A_260 = arith.constant 112 : index
      %swap3A_261 = tpu.vector_load %arg7[%swap3A_260] {strides = array<i32>} : memref<128xi32, #tpu.memory_space<vmem>>, vector<16xi32>,
      %swap3A_262 = vector.shape_cast %swap3A_261 : vector<16xi32> to vector<16xi32>
      %swap3A_263 = vector.shape_cast %get3A_259 : vector<16xi32> to vector<16xi32>
      tpu.vector_store %arg7[%swap3A_260], %swap3A_263 {strides = array<i32>} : memref<128xi32, #tpu.memory_space<vmem>>, vector<16xi32>,
      %dma_start3A_264 = arith.constant 0 : i32
      %dma_start3A_265 = arith.constant 0 : i32
      %dma_start3A_266 = tpu.memref_slice %arg2[%dma_start3A_264, %dma_start3A_265] : memref<20000x128xf32, #tpu.memory_space<hbm>> -> memref<20000x128xf32, #tpu.memory_space<hbm>>
      tpu.enqueue_indirect_dma source(%dma_start3A_266 : memref<20000x128xf32, #tpu.memory_space<hbm>>) target(%arg11 : memref<128x128xf32, #tpu.memory_space<vmem>>) offsets(%arg7 : memref<128xi32, #tpu.memory_space<vmem>>) semaphore(%arg15 : memref<!tpu.dma_semaphore, #tpu.memory_space<semaphore_mem>>)
      %add3A_267 = arith.addi %add3A, %add3A_80 : i32
      %mul3A_268 = arith.constant 128 : i32
      %mul3A_269 = arith.muli %add3A_267, %mul3A_268 : i32
      %add3A_270 = arith.constant 160000 : i32
      %add3A_271 = arith.addi %add3A_270, %mul3A_269 : i32
      %dma_start3A_272 = tpu.memref_slice %arg3[%add3A_271] : memref<320000xi32, #tpu.memory_space<hbm>> -> memref<128xi32, #tpu.memory_space<hbm>>
      %dma_start3A_273 = tpu.memref_slice %arg3[%add3A_271] : memref<320000xi32, #tpu.memory_space<hbm>> -> memref<128xi32, #tpu.memory_space<hbm>>
      tpu.enqueue_dma source(%dma_start3A_273 : memref<128xi32, #tpu.memory_space<hbm>>) target(%arg9 : memref<128xi32, #tpu.memory_space<vmem>>) target_semaphore(%arg17 : memref<!tpu.dma_semaphore, #tpu.memory_space<semaphore_mem>>)
      %dma_wait3A = arith.constant 0 : i32
      %dma_wait3A_274 = arith.constant 0 : i32
      %dma_wait3A_275 = tpu.memref_slice %arg2[%dma_wait3A, %dma_wait3A_274] : memref<20000x128xf32, #tpu.memory_space<hbm>> -> memref<20000x128xf32, #tpu.memory_space<hbm>>
      tpu.wait_indirect_dma semaphore(%arg14 : memref<!tpu.dma_semaphore, #tpu.memory_space<semaphore_mem>>) src(%dma_wait3A_275 : memref<20000x128xf32, #tpu.memory_space<hbm>>) dst(%arg10 : memref<128x128xf32, #tpu.memory_space<vmem>>)
      %dma_wait3A_276 = tpu.memref_slice %arg3[%add3A_173] : memref<320000xi32, #tpu.memory_space<hbm>> -> memref<128xi32, #tpu.memory_space<hbm>>
      %dma_wait3A_277 = tpu.memref_slice %arg3[%add3A_173] : memref<320000xi32, #tpu.memory_space<hbm>> -> memref<128xi32, #tpu.memory_space<hbm>>
      tpu.wait_dma2 semaphore(%arg16 : memref<!tpu.dma_semaphore, #tpu.memory_space<semaphore_mem>>) src(%dma_wait3A_277 : memref<128xi32, #tpu.memory_space<hbm>>) dst(%arg8 : memref<128xi32, #tpu.memory_space<vmem>>)
      "tpu.region"() ({
        %run_scoped3A = tpu.sem_alloc : memref<!tpu.dma_semaphore, #tpu.memory_space<semaphore_mem>>
        %dma_start3A_284 = arith.constant 0 : i32
        %dma_start3A_285 = arith.constant 0 : i32
        %dma_start3A_286 = tpu.memref_slice %arg13[%dma_start3A_284, %dma_start3A_285] : memref<10000x128xf32, #tpu.memory_space<vmem_shared>> -> memref<10000x128xf32, #tpu.memory_space<vmem_shared>>
        tpu.enqueue_indirect_dma source(%arg10 : memref<128x128xf32, #tpu.memory_space<vmem>>) target(%dma_start3A_286 : memref<10000x128xf32, #tpu.memory_space<vmem_shared>>) offsets(%arg8 : memref<128xi32, #tpu.memory_space<vmem>>) semaphore(%run_scoped3A : memref<!tpu.dma_semaphore, #tpu.memory_space<semaphore_mem>>) {add = true}
        %dma_wait3A_287 = arith.constant 0 : i32
        %dma_wait3A_288 = arith.constant 0 : i32
        %dma_wait3A_289 = tpu.memref_slice %arg13[%dma_wait3A_287, %dma_wait3A_288] : memref<10000x128xf32, #tpu.memory_space<vmem_shared>> -> memref<10000x128xf32, #tpu.memory_space<vmem_shared>>
        tpu.wait_indirect_dma semaphore(%run_scoped3A : memref<!tpu.dma_semaphore, #tpu.memory_space<semaphore_mem>>) src(%arg10 : memref<128x128xf32, #tpu.memory_space<vmem>>) dst(%dma_wait3A_289 : memref<10000x128xf32, #tpu.memory_space<vmem_shared>>)
        tpu.yield
      }) : () -> ()
      %dma_wait3A_278 = arith.constant 0 : i32
      %dma_wait3A_279 = arith.constant 0 : i32
      %dma_wait3A_280 = tpu.memref_slice %arg2[%dma_wait3A_278, %dma_wait3A_279] : memref<20000x128xf32, #tpu.memory_space<hbm>> -> memref<20000x128xf32, #tpu.memory_space<hbm>>
      tpu.wait_indirect_dma semaphore(%arg15 : memref<!tpu.dma_semaphore, #tpu.memory_space<semaphore_mem>>) src(%dma_wait3A_280 : memref<20000x128xf32, #tpu.memory_space<hbm>>) dst(%arg11 : memref<128x128xf32, #tpu.memory_space<vmem>>)
      %dma_wait3A_281 = tpu.memref_slice %arg3[%add3A_271] : memref<320000xi32, #tpu.memory_space<hbm>> -> memref<128xi32, #tpu.memory_space<hbm>>
      %dma_wait3A_282 = tpu.memref_slice %arg3[%add3A_271] : memref<320000xi32, #tpu.memory_space<hbm>> -> memref<128xi32, #tpu.memory_space<hbm>>
      tpu.wait_dma2 semaphore(%arg17 : memref<!tpu.dma_semaphore, #tpu.memory_space<semaphore_mem>>) src(%dma_wait3A_282 : memref<128xi32, #tpu.memory_space<hbm>>) dst(%arg9 : memref<128xi32, #tpu.memory_space<vmem>>)
      "tpu.region"() ({
        %run_scoped3A = tpu.sem_alloc : memref<!tpu.dma_semaphore, #tpu.memory_space<semaphore_mem>>
        %dma_start3A_284 = arith.constant 0 : i32
        %dma_start3A_285 = arith.constant 0 : i32
        %dma_start3A_286 = tpu.memref_slice %arg13[%dma_start3A_284, %dma_start3A_285] : memref<10000x128xf32, #tpu.memory_space<vmem_shared>> -> memref<10000x128xf32, #tpu.memory_space<vmem_shared>>
        tpu.enqueue_indirect_dma source(%arg11 : memref<128x128xf32, #tpu.memory_space<vmem>>) target(%dma_start3A_286 : memref<10000x128xf32, #tpu.memory_space<vmem_shared>>) offsets(%arg9 : memref<128xi32, #tpu.memory_space<vmem>>) semaphore(%run_scoped3A : memref<!tpu.dma_semaphore, #tpu.memory_space<semaphore_mem>>) {add = true}
        %dma_wait3A_287 = arith.constant 0 : i32
        %dma_wait3A_288 = arith.constant 0 : i32
        %dma_wait3A_289 = tpu.memref_slice %arg13[%dma_wait3A_287, %dma_wait3A_288] : memref<10000x128xf32, #tpu.memory_space<vmem_shared>> -> memref<10000x128xf32, #tpu.memory_space<vmem_shared>>
        tpu.wait_indirect_dma semaphore(%run_scoped3A : memref<!tpu.dma_semaphore, #tpu.memory_space<semaphore_mem>>) src(%arg11 : memref<128x128xf32, #tpu.memory_space<vmem>>) dst(%dma_wait3A_289 : memref<10000x128xf32, #tpu.memory_space<vmem_shared>>)
        tpu.yield
      }) : () -> ()
      %scan3A_283 = arith.constant 0 : i32
      scf.yield %scan3A_283 : i32
    }
    %scan3A_59 = arith.constant 39 : i32
    %gt3A = arith.constant 78 : i32
    %gt3A_60 = arith.cmpi sgt, %add3A_6, %gt3A : i32
    %convert_element_type3A_61 = arith.extui %gt3A_60 : i1 to i32
    %cond3A_62 = arith.constant 0 : i32
    %cond3A_63 = arith.cmpi ne, %convert_element_type3A_61, %cond3A_62 : i32
    scf.if %cond3A_63 {
      %get3A = arith.constant 9984 : index
      %get3A_75 = tpu.vector_load %arg5[%get3A] {strides = array<i32>} : memref<10112xi32, #tpu.memory_space<vmem>>, vector<16xi32>,
      %get3A_76 = vector.shape_cast %get3A_75 : vector<16xi32> to vector<16xi32>
      %swap3A = arith.constant 0 : index
      %swap3A_77 = tpu.vector_load %arg6[%swap3A] {strides = array<i32>} : memref<128xi32, #tpu.memory_space<vmem>>, vector<16xi32>,
      %swap3A_78 = vector.shape_cast %swap3A_77 : vector<16xi32> to vector<16xi32>
      %swap3A_79 = vector.shape_cast %get3A_76 : vector<16xi32> to vector<16xi32>
      tpu.vector_store %arg6[%swap3A], %swap3A_79 {strides = array<i32>} : memref<128xi32, #tpu.memory_space<vmem>>, vector<16xi32>,
      %get3A_80 = arith.constant 10000 : index
      %get3A_81 = tpu.vector_load %arg5[%get3A_80] {strides = array<i32>} : memref<10112xi32, #tpu.memory_space<vmem>>, vector<16xi32>,
      %get3A_82 = vector.shape_cast %get3A_81 : vector<16xi32> to vector<16xi32>
      %swap3A_83 = arith.constant 16 : index
      %swap3A_84 = tpu.vector_load %arg6[%swap3A_83] {strides = array<i32>} : memref<128xi32, #tpu.memory_space<vmem>>, vector<16xi32>,
      %swap3A_85 = vector.shape_cast %swap3A_84 : vector<16xi32> to vector<16xi32>
      %swap3A_86 = vector.shape_cast %get3A_82 : vector<16xi32> to vector<16xi32>
      tpu.vector_store %arg6[%swap3A_83], %swap3A_86 {strides = array<i32>} : memref<128xi32, #tpu.memory_space<vmem>>, vector<16xi32>,
      %get3A_87 = arith.constant 10016 : index
      %get3A_88 = tpu.vector_load %arg5[%get3A_87] {strides = array<i32>} : memref<10112xi32, #tpu.memory_space<vmem>>, vector<16xi32>,
      %get3A_89 = vector.shape_cast %get3A_88 : vector<16xi32> to vector<16xi32>
      %swap3A_90 = arith.constant 32 : index
      %swap3A_91 = tpu.vector_load %arg6[%swap3A_90] {strides = array<i32>} : memref<128xi32, #tpu.memory_space<vmem>>, vector<16xi32>,
      %swap3A_92 = vector.shape_cast %swap3A_91 : vector<16xi32> to vector<16xi32>
      %swap3A_93 = vector.shape_cast %get3A_89 : vector<16xi32> to vector<16xi32>
      tpu.vector_store %arg6[%swap3A_90], %swap3A_93 {strides = array<i32>} : memref<128xi32, #tpu.memory_space<vmem>>, vector<16xi32>,
      %get3A_94 = arith.constant 10032 : index
      %get3A_95 = tpu.vector_load %arg5[%get3A_94] {strides = array<i32>} : memref<10112xi32, #tpu.memory_space<vmem>>, vector<16xi32>,
      %get3A_96 = vector.shape_cast %get3A_95 : vector<16xi32> to vector<16xi32>
      %swap3A_97 = arith.constant 48 : index
      %swap3A_98 = tpu.vector_load %arg6[%swap3A_97] {strides = array<i32>} : memref<128xi32, #tpu.memory_space<vmem>>, vector<16xi32>,
      %swap3A_99 = vector.shape_cast %swap3A_98 : vector<16xi32> to vector<16xi32>
      %swap3A_100 = vector.shape_cast %get3A_96 : vector<16xi32> to vector<16xi32>
      tpu.vector_store %arg6[%swap3A_97], %swap3A_100 {strides = array<i32>} : memref<128xi32, #tpu.memory_space<vmem>>, vector<16xi32>,
      %get3A_101 = arith.constant 10048 : index
      %get3A_102 = tpu.vector_load %arg5[%get3A_101] {strides = array<i32>} : memref<10112xi32, #tpu.memory_space<vmem>>, vector<16xi32>,
      %get3A_103 = vector.shape_cast %get3A_102 : vector<16xi32> to vector<16xi32>
      %swap3A_104 = arith.constant 64 : index
      %swap3A_105 = tpu.vector_load %arg6[%swap3A_104] {strides = array<i32>} : memref<128xi32, #tpu.memory_space<vmem>>, vector<16xi32>,
      %swap3A_106 = vector.shape_cast %swap3A_105 : vector<16xi32> to vector<16xi32>
      %swap3A_107 = vector.shape_cast %get3A_103 : vector<16xi32> to vector<16xi32>
      tpu.vector_store %arg6[%swap3A_104], %swap3A_107 {strides = array<i32>} : memref<128xi32, #tpu.memory_space<vmem>>, vector<16xi32>,
      %get3A_108 = arith.constant 10064 : index
      %get3A_109 = tpu.vector_load %arg5[%get3A_108] {strides = array<i32>} : memref<10112xi32, #tpu.memory_space<vmem>>, vector<16xi32>,
      %get3A_110 = vector.shape_cast %get3A_109 : vector<16xi32> to vector<16xi32>
      %swap3A_111 = arith.constant 80 : index
      %swap3A_112 = tpu.vector_load %arg6[%swap3A_111] {strides = array<i32>} : memref<128xi32, #tpu.memory_space<vmem>>, vector<16xi32>,
      %swap3A_113 = vector.shape_cast %swap3A_112 : vector<16xi32> to vector<16xi32>
      %swap3A_114 = vector.shape_cast %get3A_110 : vector<16xi32> to vector<16xi32>
      tpu.vector_store %arg6[%swap3A_111], %swap3A_114 {strides = array<i32>} : memref<128xi32, #tpu.memory_space<vmem>>, vector<16xi32>,
      %get3A_115 = arith.constant 10080 : index
      %get3A_116 = tpu.vector_load %arg5[%get3A_115] {strides = array<i32>} : memref<10112xi32, #tpu.memory_space<vmem>>, vector<16xi32>,
      %get3A_117 = vector.shape_cast %get3A_116 : vector<16xi32> to vector<16xi32>
      %swap3A_118 = arith.constant 96 : index
      %swap3A_119 = tpu.vector_load %arg6[%swap3A_118] {strides = array<i32>} : memref<128xi32, #tpu.memory_space<vmem>>, vector<16xi32>,
      %swap3A_120 = vector.shape_cast %swap3A_119 : vector<16xi32> to vector<16xi32>
      %swap3A_121 = vector.shape_cast %get3A_117 : vector<16xi32> to vector<16xi32>
      tpu.vector_store %arg6[%swap3A_118], %swap3A_121 {strides = array<i32>} : memref<128xi32, #tpu.memory_space<vmem>>, vector<16xi32>,
      %get3A_122 = arith.constant 10096 : index
      %get3A_123 = tpu.vector_load %arg5[%get3A_122] {strides = array<i32>} : memref<10112xi32, #tpu.memory_space<vmem>>, vector<16xi32>,
      %get3A_124 = vector.shape_cast %get3A_123 : vector<16xi32> to vector<16xi32>
      %swap3A_125 = arith.constant 112 : index
      %swap3A_126 = tpu.vector_load %arg6[%swap3A_125] {strides = array<i32>} : memref<128xi32, #tpu.memory_space<vmem>>, vector<16xi32>,
      %swap3A_127 = vector.shape_cast %swap3A_126 : vector<16xi32> to vector<16xi32>
      %swap3A_128 = vector.shape_cast %get3A_124 : vector<16xi32> to vector<16xi32>
      tpu.vector_store %arg6[%swap3A_125], %swap3A_128 {strides = array<i32>} : memref<128xi32, #tpu.memory_space<vmem>>, vector<16xi32>,
      %dma_start3A = arith.constant 0 : i32
      %dma_start3A_129 = arith.constant 0 : i32
      %dma_start3A_130 = tpu.memref_slice %arg2[%dma_start3A, %dma_start3A_129] : memref<20000x128xf32, #tpu.memory_space<hbm>> -> memref<20000x128xf32, #tpu.memory_space<hbm>>
      tpu.enqueue_indirect_dma source(%dma_start3A_130 : memref<20000x128xf32, #tpu.memory_space<hbm>>) target(%arg10 : memref<128x128xf32, #tpu.memory_space<vmem>>) offsets(%arg6 : memref<128xi32, #tpu.memory_space<vmem>>) semaphore(%arg14 : memref<!tpu.dma_semaphore, #tpu.memory_space<semaphore_mem>>)
      %add3A_131 = arith.constant 78 : i32
      %add3A_132 = arith.addi %add3A, %add3A_131 : i32
      %mul3A_133 = arith.constant 128 : i32
      %mul3A_134 = arith.muli %add3A_132, %mul3A_133 : i32
      %add3A_135 = arith.constant 160000 : i32
      %add3A_136 = arith.addi %add3A_135, %mul3A_134 : i32
      %dma_start3A_137 = tpu.memref_slice %arg3[%add3A_136] : memref<320000xi32, #tpu.memory_space<hbm>> -> memref<128xi32, #tpu.memory_space<hbm>>
      %dma_start3A_138 = tpu.memref_slice %arg3[%add3A_136] : memref<320000xi32, #tpu.memory_space<hbm>> -> memref<128xi32, #tpu.memory_space<hbm>>
      tpu.enqueue_dma source(%dma_start3A_138 : memref<128xi32, #tpu.memory_space<hbm>>) target(%arg8 : memref<128xi32, #tpu.memory_space<vmem>>) target_semaphore(%arg16 : memref<!tpu.dma_semaphore, #tpu.memory_space<semaphore_mem>>)
      %dma_wait3A = arith.constant 0 : i32
      %dma_wait3A_139 = arith.constant 0 : i32
      %dma_wait3A_140 = tpu.memref_slice %arg2[%dma_wait3A, %dma_wait3A_139] : memref<20000x128xf32, #tpu.memory_space<hbm>> -> memref<20000x128xf32, #tpu.memory_space<hbm>>
      tpu.wait_indirect_dma semaphore(%arg14 : memref<!tpu.dma_semaphore, #tpu.memory_space<semaphore_mem>>) src(%dma_wait3A_140 : memref<20000x128xf32, #tpu.memory_space<hbm>>) dst(%arg10 : memref<128x128xf32, #tpu.memory_space<vmem>>)
      %dma_wait3A_141 = tpu.memref_slice %arg3[%add3A_136] : memref<320000xi32, #tpu.memory_space<hbm>> -> memref<128xi32, #tpu.memory_space<hbm>>
      %dma_wait3A_142 = tpu.memref_slice %arg3[%add3A_136] : memref<320000xi32, #tpu.memory_space<hbm>> -> memref<128xi32, #tpu.memory_space<hbm>>
      tpu.wait_dma2 semaphore(%arg16 : memref<!tpu.dma_semaphore, #tpu.memory_space<semaphore_mem>>) src(%dma_wait3A_142 : memref<128xi32, #tpu.memory_space<hbm>>) dst(%arg8 : memref<128xi32, #tpu.memory_space<vmem>>)
      "tpu.region"() ({
        %run_scoped3A = tpu.sem_alloc : memref<!tpu.dma_semaphore, #tpu.memory_space<semaphore_mem>>
        %dma_start3A_143 = arith.constant 0 : i32
        %dma_start3A_144 = arith.constant 0 : i32
        %dma_start3A_145 = tpu.memref_slice %arg13[%dma_start3A_143, %dma_start3A_144] : memref<10000x128xf32, #tpu.memory_space<vmem_shared>> -> memref<10000x128xf32, #tpu.memory_space<vmem_shared>>
        tpu.enqueue_indirect_dma source(%arg10 : memref<128x128xf32, #tpu.memory_space<vmem>>) target(%dma_start3A_145 : memref<10000x128xf32, #tpu.memory_space<vmem_shared>>) offsets(%arg8 : memref<128xi32, #tpu.memory_space<vmem>>) semaphore(%run_scoped3A : memref<!tpu.dma_semaphore, #tpu.memory_space<semaphore_mem>>) {add = true}
        %dma_wait3A_146 = arith.constant 0 : i32
        %dma_wait3A_147 = arith.constant 0 : i32
        %dma_wait3A_148 = tpu.memref_slice %arg13[%dma_wait3A_146, %dma_wait3A_147] : memref<10000x128xf32, #tpu.memory_space<vmem_shared>> -> memref<10000x128xf32, #tpu.memory_space<vmem_shared>>
        tpu.wait_indirect_dma semaphore(%run_scoped3A : memref<!tpu.dma_semaphore, #tpu.memory_space<semaphore_mem>>) src(%arg10 : memref<128x128xf32, #tpu.memory_space<vmem>>) dst(%dma_wait3A_148 : memref<10000x128xf32, #tpu.memory_space<vmem_shared>>)
        tpu.yield
      }) : () -> ()
    } else {
    }
    %barrier3A_64 = arith.constant 0 : index
    tpu.barrier barrier_id(%barrier3A_64)
    %eq3A_65 = arith.constant 0 : i32
    %eq3A_66 = arith.cmpi eq, %arg1, %eq3A_65 : i32
    %convert_element_type3A_67 = arith.extui %eq3A_66 : i1 to i32
    %cond3A_68 = arith.constant 0 : i32
    %cond3A_69 = arith.cmpi ne, %convert_element_type3A_67, %cond3A_68 : i32
    scf.if %cond3A_69 {
      "tpu.region"() ({
        %run_scoped3A = tpu.sem_alloc : memref<!tpu.dma_semaphore, #tpu.memory_space<semaphore_mem>>
        %dma_start3A = arith.constant 0 : i32
        %dma_start3A_75 = tpu.memref_slice %arg4[%mul3A_0, %dma_start3A] : memref<20000x128xf32, #tpu.memory_space<hbm>> -> memref<640x128xf32, #tpu.memory_space<hbm>>
        %dma_start3A_76 = arith.constant 0 : i32
        %dma_start3A_77 = arith.constant 0 : i32
        %dma_start3A_78 = tpu.memref_slice %arg13[%dma_start3A_76, %dma_start3A_77] : memref<10000x128xf32, #tpu.memory_space<vmem_shared>> -> memref<640x128xf32, #tpu.memory_space<vmem_shared>>
        tpu.enqueue_dma source(%dma_start3A_78 : memref<640x128xf32, #tpu.memory_space<vmem_shared>>) target(%dma_start3A_75 : memref<640x128xf32, #tpu.memory_space<hbm>>) target_semaphore(%run_scoped3A : memref<!tpu.dma_semaphore, #tpu.memory_space<semaphore_mem>>)
        %dma_wait3A = arith.constant 0 : i32
        %dma_wait3A_79 = tpu.memref_slice %arg4[%mul3A_0, %dma_wait3A] : memref<20000x128xf32, #tpu.memory_space<hbm>> -> memref<640x128xf32, #tpu.memory_space<hbm>>
        %dma_wait3A_80 = arith.constant 0 : i32
        %dma_wait3A_81 = arith.constant 0 : i32
        %dma_wait3A_82 = tpu.memref_slice %arg13[%dma_wait3A_80, %dma_wait3A_81] : memref<10000x128xf32, #tpu.memory_space<vmem_shared>> -> memref<640x128xf32, #tpu.memory_space<vmem_shared>>
        tpu.wait_dma2 semaphore(%run_scoped3A : memref<!tpu.dma_semaphore, #tpu.memory_space<semaphore_mem>>) src(%dma_wait3A_82 : memref<640x128xf32, #tpu.memory_space<vmem_shared>>) dst(%dma_wait3A_79 : memref<640x128xf32, #tpu.memory_space<hbm>>)
        tpu.yield
      }) : () -> ()
    } else {
    }
    %gt3A_70 = arith.constant 0 : i32
    %gt3A_71 = arith.cmpi sgt, %arg1, %gt3A_70 : i32
    %convert_element_type3A_72 = arith.extui %gt3A_71 : i1 to i32
    %cond3A_73 = arith.constant 0 : i32
    %cond3A_74 = arith.cmpi ne, %convert_element_type3A_72, %cond3A_73 : i32
    scf.if %cond3A_74 {
      %add3A_75 = arith.addi %mul3A_0, %select_n3A : i32
      "tpu.region"() ({
        %run_scoped3A = tpu.sem_alloc : memref<!tpu.dma_semaphore, #tpu.memory_space<semaphore_mem>>
        %dma_start3A = arith.constant 0 : i32
        %dma_start3A_76 = tpu.memref_slice %arg4[%add3A_75, %dma_start3A] : memref<20000x128xf32, #tpu.memory_space<hbm>> -> memref<624x128xf32, #tpu.memory_space<hbm>>
        %dma_start3A_77 = arith.constant 0 : i32
        %dma_start3A_78 = tpu.memref_slice %arg13[%select_n3A, %dma_start3A_77] : memref<10000x128xf32, #tpu.memory_space<vmem_shared>> -> memref<624x128xf32, #tpu.memory_space<vmem_shared>>
        tpu.enqueue_dma source(%dma_start3A_78 : memref<624x128xf32, #tpu.memory_space<vmem_shared>>) target(%dma_start3A_76 : memref<624x128xf32, #tpu.memory_space<hbm>>) target_semaphore(%run_scoped3A : memref<!tpu.dma_semaphore, #tpu.memory_space<semaphore_mem>>)
        %dma_wait3A = arith.constant 0 : i32
        %dma_wait3A_79 = tpu.memref_slice %arg4[%add3A_75, %dma_wait3A] : memref<20000x128xf32, #tpu.memory_space<hbm>> -> memref<624x128xf32, #tpu.memory_space<hbm>>
        %dma_wait3A_80 = arith.constant 0 : i32
        %dma_wait3A_81 = tpu.memref_slice %arg13[%select_n3A, %dma_wait3A_80] : memref<10000x128xf32, #tpu.memory_space<vmem_shared>> -> memref<624x128xf32, #tpu.memory_space<vmem_shared>>
        tpu.wait_dma2 semaphore(%run_scoped3A : memref<!tpu.dma_semaphore, #tpu.memory_space<semaphore_mem>>) src(%dma_wait3A_81 : memref<624x128xf32, #tpu.memory_space<vmem_shared>>) dst(%dma_wait3A_79 : memref<624x128xf32, #tpu.memory_space<hbm>>)
        tpu.yield
      }) : () -> ()
    } else {
    }
    return
  }
}

#map = affine_map<(d0, d1) -> (0)>
#map1 = affine_map<(d0, d1) -> (0, 0)>
#map2 = affine_map<(d0, d1) -> (0, 0, 0)>
module attributes {stable_mosaic.version = 14 : i64} {
  func.func @_sc_degree(%arg0: i32, %arg1: i32, %arg2: memref<320000xi32, #tpu.memory_space<hbm>>, %arg3: memref<144x128xf32, #tpu.memory_space<hbm>>, %arg4: memref<2x10000x128xf32, #tpu.memory_space<hbm>>, %arg5: memref<128xi32, #tpu.memory_space<vmem>>, %arg6: memref<128x128xf32, #tpu.memory_space<vmem>>, %arg7: memref<16x128xf32, #tpu.memory_space<vmem>>, %arg8: memref<10000x128xf32, #tpu.memory_space<vmem_shared>>) attributes {dimension_semantics = [#tpu.dimension_semantics<core_parallel>, #tpu.dimension_semantics<subcore_parallel>], iteration_bounds = array<i64: 2, 16>, scalar_prefetch = 0 : i64, scratch_operands = 4 : i64, tpu.core_type = #tpu.core_type<sc_vector_subcore>, window_params = [{transform_indices = #map}, {transform_indices = #map1}, {transform_indices = #map2}]} {
    %mul3A = arith.constant 2 : i32
    %mul3A_0 = arith.muli %arg1, %mul3A : i32
    %add3A = arith.addi %mul3A_0, %arg0 : i32
    %eq3A = arith.constant 0 : i32
    %eq3A_1 = arith.cmpi eq, %arg1, %eq3A : i32
    %sub3A = arith.constant 1 : i32
    %sub3A_2 = arith.subi %arg1, %sub3A : i32
    %mul3A_3 = arith.constant 624 : i32
    %mul3A_4 = arith.muli %sub3A_2, %mul3A_3 : i32
    %add3A_5 = arith.constant 640 : i32
    %add3A_6 = arith.addi %add3A_5, %mul3A_4 : i32
    %jit3A = arith.constant 0 : i32
    %select_n3A = arith.select %eq3A_1, %jit3A, %add3A_6 : i32
    %eq3A_7 = arith.constant 0 : i32
    %eq3A_8 = arith.cmpi eq, %arg1, %eq3A_7 : i32
    %jit3A_9 = arith.constant 40 : i32
    %jit3A_10 = arith.constant 39 : i32
    %select_n3A_11 = arith.select %eq3A_8, %jit3A_9, %jit3A_10 : i32
    "tpu.region"() ({
      %run_scoped3A = tpu.sem_alloc : memref<!tpu.dma_semaphore, #tpu.memory_space<semaphore_mem>>
      %dma_start3A = arith.constant 0 : i32
      %dma_start3A_37 = arith.constant 0 : i32
      %dma_start3A_38 = tpu.memref_slice %arg3[%dma_start3A, %dma_start3A_37] : memref<144x128xf32, #tpu.memory_space<hbm>> -> memref<128x128xf32, #tpu.memory_space<hbm>>
      %dma_start3A_39 = arith.constant 0 : i32
      %dma_start3A_40 = arith.constant 0 : i32
      %dma_start3A_41 = tpu.memref_slice %arg3[%dma_start3A_39, %dma_start3A_40] : memref<144x128xf32, #tpu.memory_space<hbm>> -> memref<128x128xf32, #tpu.memory_space<hbm>>
      tpu.enqueue_dma source(%dma_start3A_41 : memref<128x128xf32, #tpu.memory_space<hbm>>) target(%arg6 : memref<128x128xf32, #tpu.memory_space<vmem>>) target_semaphore(%run_scoped3A : memref<!tpu.dma_semaphore, #tpu.memory_space<semaphore_mem>>)
      %dma_wait3A = arith.constant 0 : i32
      %dma_wait3A_42 = arith.constant 0 : i32
      %dma_wait3A_43 = tpu.memref_slice %arg3[%dma_wait3A, %dma_wait3A_42] : memref<144x128xf32, #tpu.memory_space<hbm>> -> memref<128x128xf32, #tpu.memory_space<hbm>>
      %dma_wait3A_44 = arith.constant 0 : i32
      %dma_wait3A_45 = arith.constant 0 : i32
      %dma_wait3A_46 = tpu.memref_slice %arg3[%dma_wait3A_44, %dma_wait3A_45] : memref<144x128xf32, #tpu.memory_space<hbm>> -> memref<128x128xf32, #tpu.memory_space<hbm>>
      tpu.wait_dma2 semaphore(%run_scoped3A : memref<!tpu.dma_semaphore, #tpu.memory_space<semaphore_mem>>) src(%dma_wait3A_46 : memref<128x128xf32, #tpu.memory_space<hbm>>) dst(%arg6 : memref<128x128xf32, #tpu.memory_space<vmem>>)
      tpu.yield
    }) : () -> ()
    "tpu.region"() ({
      %run_scoped3A = tpu.sem_alloc : memref<!tpu.dma_semaphore, #tpu.memory_space<semaphore_mem>>
      %dma_start3A = arith.constant 128 : i32
      %dma_start3A_37 = arith.constant 0 : i32
      %dma_start3A_38 = tpu.memref_slice %arg3[%dma_start3A, %dma_start3A_37] : memref<144x128xf32, #tpu.memory_space<hbm>> -> memref<16x128xf32, #tpu.memory_space<hbm>>
      %dma_start3A_39 = arith.constant 128 : i32
      %dma_start3A_40 = arith.constant 0 : i32
      %dma_start3A_41 = tpu.memref_slice %arg3[%dma_start3A_39, %dma_start3A_40] : memref<144x128xf32, #tpu.memory_space<hbm>> -> memref<16x128xf32, #tpu.memory_space<hbm>>
      tpu.enqueue_dma source(%dma_start3A_41 : memref<16x128xf32, #tpu.memory_space<hbm>>) target(%arg7 : memref<16x128xf32, #tpu.memory_space<vmem>>) target_semaphore(%run_scoped3A : memref<!tpu.dma_semaphore, #tpu.memory_space<semaphore_mem>>)
      %dma_wait3A = arith.constant 128 : i32
      %dma_wait3A_42 = arith.constant 0 : i32
      %dma_wait3A_43 = tpu.memref_slice %arg3[%dma_wait3A, %dma_wait3A_42] : memref<144x128xf32, #tpu.memory_space<hbm>> -> memref<16x128xf32, #tpu.memory_space<hbm>>
      %dma_wait3A_44 = arith.constant 128 : i32
      %dma_wait3A_45 = arith.constant 0 : i32
      %dma_wait3A_46 = tpu.memref_slice %arg3[%dma_wait3A_44, %dma_wait3A_45] : memref<144x128xf32, #tpu.memory_space<hbm>> -> memref<16x128xf32, #tpu.memory_space<hbm>>
      tpu.wait_dma2 semaphore(%run_scoped3A : memref<!tpu.dma_semaphore, #tpu.memory_space<semaphore_mem>>) src(%dma_wait3A_46 : memref<16x128xf32, #tpu.memory_space<hbm>>) dst(%arg7 : memref<16x128xf32, #tpu.memory_space<vmem>>)
      tpu.yield
    }) : () -> ()
    %while3A = arith.constant 0 : i32
    %while3A_12 = arith.constant 0 : i32
    %while3A_13 = arith.subi %select_n3A_11, %while3A : i32
    %while3A_14 = arith.addi %while3A, %while3A_13 : i32
    %while3A_15 = arith.constant 1 : i32
    %while3A_16 = arith.divsi %while3A_13, %while3A_15 : i32
    %while3A_17 = arith.muli %while3A_16, %while3A_15 : i32
    %while3A_18 = arith.addi %while3A, %while3A_17 : i32
    %while3A_19 = arith.constant 1 : i32
    %while3A_20 = scf.for %while3A_37 = %while3A to %while3A_18 step %while3A_19 iter_args(%while3A_38 = %while3A_12) -> (i32)  : i32 {
      %mul3A_39 = arith.constant 16 : i32
      %mul3A_40 = arith.muli %while3A_37, %mul3A_39 : i32
      %add3A_41 = arith.addi %select_n3A, %mul3A_40 : i32
      "tpu.region"() ({
        %run_scoped3A = tpu.sem_alloc : memref<!tpu.dma_semaphore, #tpu.memory_space<semaphore_mem>>
        %dma_start3A = arith.constant 0 : i32
        %dma_start3A_43 = tpu.memref_slice %arg8[%add3A_41, %dma_start3A] : memref<10000x128xf32, #tpu.memory_space<vmem_shared>> -> memref<16x128xf32, #tpu.memory_space<vmem_shared>>
        %dma_start3A_44 = arith.constant 0 : i32
        %dma_start3A_45 = tpu.memref_slice %arg8[%add3A_41, %dma_start3A_44] : memref<10000x128xf32, #tpu.memory_space<vmem_shared>> -> memref<16x128xf32, #tpu.memory_space<vmem_shared>>
        tpu.enqueue_dma source(%arg7 : memref<16x128xf32, #tpu.memory_space<vmem>>) target(%dma_start3A_45 : memref<16x128xf32, #tpu.memory_space<vmem_shared>>) target_semaphore(%run_scoped3A : memref<!tpu.dma_semaphore, #tpu.memory_space<semaphore_mem>>)
        %dma_wait3A = arith.constant 0 : i32
        %dma_wait3A_46 = tpu.memref_slice %arg8[%add3A_41, %dma_wait3A] : memref<10000x128xf32, #tpu.memory_space<vmem_shared>> -> memref<16x128xf32, #tpu.memory_space<vmem_shared>>
        %dma_wait3A_47 = arith.constant 0 : i32
        %dma_wait3A_48 = tpu.memref_slice %arg8[%add3A_41, %dma_wait3A_47] : memref<10000x128xf32, #tpu.memory_space<vmem_shared>> -> memref<16x128xf32, #tpu.memory_space<vmem_shared>>
        tpu.wait_dma2 semaphore(%run_scoped3A : memref<!tpu.dma_semaphore, #tpu.memory_space<semaphore_mem>>) src(%arg7 : memref<16x128xf32, #tpu.memory_space<vmem>>) dst(%dma_wait3A_48 : memref<16x128xf32, #tpu.memory_space<vmem_shared>>)
        tpu.yield
      }) : () -> ()
      %while3A_42 = arith.constant 0 : i32
      scf.yield %while3A_42 : i32
    }
    %while3A_21 = arith.constant 1 : i32
    %while3A_22 = scf.for %while3A_37 = %while3A_18 to %while3A_14 step %while3A_21 iter_args(%while3A_38 = %while3A_20) -> (i32)  : i32 {
      %mul3A_39 = arith.constant 16 : i32
      %mul3A_40 = arith.muli %while3A_37, %mul3A_39 : i32
      %add3A_41 = arith.addi %select_n3A, %mul3A_40 : i32
      "tpu.region"() ({
        %run_scoped3A = tpu.sem_alloc : memref<!tpu.dma_semaphore, #tpu.memory_space<semaphore_mem>>
        %dma_start3A = arith.constant 0 : i32
        %dma_start3A_43 = tpu.memref_slice %arg8[%add3A_41, %dma_start3A] : memref<10000x128xf32, #tpu.memory_space<vmem_shared>> -> memref<16x128xf32, #tpu.memory_space<vmem_shared>>
        %dma_start3A_44 = arith.constant 0 : i32
        %dma_start3A_45 = tpu.memref_slice %arg8[%add3A_41, %dma_start3A_44] : memref<10000x128xf32, #tpu.memory_space<vmem_shared>> -> memref<16x128xf32, #tpu.memory_space<vmem_shared>>
        tpu.enqueue_dma source(%arg7 : memref<16x128xf32, #tpu.memory_space<vmem>>) target(%dma_start3A_45 : memref<16x128xf32, #tpu.memory_space<vmem_shared>>) target_semaphore(%run_scoped3A : memref<!tpu.dma_semaphore, #tpu.memory_space<semaphore_mem>>)
        %dma_wait3A = arith.constant 0 : i32
        %dma_wait3A_46 = tpu.memref_slice %arg8[%add3A_41, %dma_wait3A] : memref<10000x128xf32, #tpu.memory_space<vmem_shared>> -> memref<16x128xf32, #tpu.memory_space<vmem_shared>>
        %dma_wait3A_47 = arith.constant 0 : i32
        %dma_wait3A_48 = tpu.memref_slice %arg8[%add3A_41, %dma_wait3A_47] : memref<10000x128xf32, #tpu.memory_space<vmem_shared>> -> memref<16x128xf32, #tpu.memory_space<vmem_shared>>
        tpu.wait_dma2 semaphore(%run_scoped3A : memref<!tpu.dma_semaphore, #tpu.memory_space<semaphore_mem>>) src(%arg7 : memref<16x128xf32, #tpu.memory_space<vmem>>) dst(%dma_wait3A_48 : memref<16x128xf32, #tpu.memory_space<vmem_shared>>)
        tpu.yield
      }) : () -> ()
      %while3A_42 = arith.constant 0 : i32
      scf.yield %while3A_42 : i32
    }
    %barrier3A = arith.constant 0 : index
    tpu.barrier barrier_id(%barrier3A)
    %scan3A = arith.constant 0 : i32
    %scan3A_23 = arith.constant 0 : i32
    %scan3A_24 = arith.constant 40 : i32
    %scan3A_25 = arith.addi %scan3A_23, %scan3A_24 : i32
    %scan3A_26 = arith.constant 1 : i32
    %scan3A_27 = scf.for %scan3A_37 = %scan3A_23 to %scan3A_25 step %scan3A_26 iter_args(%scan3A_38 = %scan3A) -> (i32)  : i32 {
      %mul3A_39 = arith.constant 32 : i32
      %mul3A_40 = arith.muli %scan3A_37, %mul3A_39 : i32
      %add3A_41 = arith.addi %mul3A_40, %add3A : i32
      %lt3A = arith.constant 1250 : i32
      %lt3A_42 = arith.cmpi slt, %add3A_41, %lt3A : i32
      %convert_element_type3A_43 = arith.extui %lt3A_42 : i1 to i32
      %cond3A_44 = arith.constant 0 : i32
      %cond3A_45 = arith.cmpi ne, %convert_element_type3A_43, %cond3A_44 : i32
      scf.if %cond3A_45 {
        %mul3A_47 = arith.constant 128 : i32
        %mul3A_48 = arith.muli %add3A_41, %mul3A_47 : i32
        %add3A_49 = arith.constant 160000 : i32
        %add3A_50 = arith.addi %add3A_49, %mul3A_48 : i32
        "tpu.region"() ({
          %run_scoped3A = tpu.sem_alloc : memref<!tpu.dma_semaphore, #tpu.memory_space<semaphore_mem>>
          %dma_start3A = tpu.memref_slice %arg2[%add3A_50] : memref<320000xi32, #tpu.memory_space<hbm>> -> memref<128xi32, #tpu.memory_space<hbm>>
          %dma_start3A_51 = tpu.memref_slice %arg2[%add3A_50] : memref<320000xi32, #tpu.memory_space<hbm>> -> memref<128xi32, #tpu.memory_space<hbm>>
          tpu.enqueue_dma source(%dma_start3A_51 : memref<128xi32, #tpu.memory_space<hbm>>) target(%arg5 : memref<128xi32, #tpu.memory_space<vmem>>) target_semaphore(%run_scoped3A : memref<!tpu.dma_semaphore, #tpu.memory_space<semaphore_mem>>)
          %dma_wait3A = tpu.memref_slice %arg2[%add3A_50] : memref<320000xi32, #tpu.memory_space<hbm>> -> memref<128xi32, #tpu.memory_space<hbm>>
          %dma_wait3A_52 = tpu.memref_slice %arg2[%add3A_50] : memref<320000xi32, #tpu.memory_space<hbm>> -> memref<128xi32, #tpu.memory_space<hbm>>
          tpu.wait_dma2 semaphore(%run_scoped3A : memref<!tpu.dma_semaphore, #tpu.memory_space<semaphore_mem>>) src(%dma_wait3A_52 : memref<128xi32, #tpu.memory_space<hbm>>) dst(%arg5 : memref<128xi32, #tpu.memory_space<vmem>>)
          tpu.yield
        }) : () -> ()
        "tpu.region"() ({
          %run_scoped3A = tpu.sem_alloc : memref<!tpu.dma_semaphore, #tpu.memory_space<semaphore_mem>>
          %dma_start3A = arith.constant 0 : i32
          %dma_start3A_51 = arith.constant 0 : i32
          %dma_start3A_52 = tpu.memref_slice %arg8[%dma_start3A, %dma_start3A_51] : memref<10000x128xf32, #tpu.memory_space<vmem_shared>> -> memref<10000x128xf32, #tpu.memory_space<vmem_shared>>
          tpu.enqueue_indirect_dma source(%arg6 : memref<128x128xf32, #tpu.memory_space<vmem>>) target(%dma_start3A_52 : memref<10000x128xf32, #tpu.memory_space<vmem_shared>>) offsets(%arg5 : memref<128xi32, #tpu.memory_space<vmem>>) semaphore(%run_scoped3A : memref<!tpu.dma_semaphore, #tpu.memory_space<semaphore_mem>>) {add = true}
          %dma_wait3A = arith.constant 0 : i32
          %dma_wait3A_53 = arith.constant 0 : i32
          %dma_wait3A_54 = tpu.memref_slice %arg8[%dma_wait3A, %dma_wait3A_53] : memref<10000x128xf32, #tpu.memory_space<vmem_shared>> -> memref<10000x128xf32, #tpu.memory_space<vmem_shared>>
          tpu.wait_indirect_dma semaphore(%run_scoped3A : memref<!tpu.dma_semaphore, #tpu.memory_space<semaphore_mem>>) src(%arg6 : memref<128x128xf32, #tpu.memory_space<vmem>>) dst(%dma_wait3A_54 : memref<10000x128xf32, #tpu.memory_space<vmem_shared>>)
          tpu.yield
        }) : () -> ()
      } else {
      }
      %scan3A_46 = arith.constant 0 : i32
      scf.yield %scan3A_46 : i32
    }
    %scan3A_28 = arith.constant 40 : i32
    %barrier3A_29 = arith.constant 0 : index
    tpu.barrier barrier_id(%barrier3A_29)
    %eq3A_30 = arith.constant 0 : i32
    %eq3A_31 = arith.cmpi eq, %arg1, %eq3A_30 : i32
    %convert_element_type3A = arith.extui %eq3A_31 : i1 to i32
    %cond3A = arith.constant 0 : i32
    %cond3A_32 = arith.cmpi ne, %convert_element_type3A, %cond3A : i32
    scf.if %cond3A_32 {
      "tpu.region"() ({
        %run_scoped3A = tpu.sem_alloc : memref<!tpu.dma_semaphore, #tpu.memory_space<semaphore_mem>>
        %dma_start3A = arith.constant 0 : i32
        %dma_start3A_37 = arith.constant 0 : i32
        %dma_start3A_38 = tpu.memref_slice %arg4[%arg0, %dma_start3A, %dma_start3A_37] : memref<2x10000x128xf32, #tpu.memory_space<hbm>> -> memref<1x640x128xf32, #tpu.memory_space<hbm>>
        %dma_start3A_39 = tpu.memref_squeeze %dma_start3A_38 : memref<1x640x128xf32, #tpu.memory_space<hbm>> -> memref<640x128xf32, #tpu.memory_space<hbm>>
        %dma_start3A_40 = arith.constant 0 : i32
        %dma_start3A_41 = arith.constant 0 : i32
        %dma_start3A_42 = tpu.memref_slice %arg8[%dma_start3A_40, %dma_start3A_41] : memref<10000x128xf32, #tpu.memory_space<vmem_shared>> -> memref<640x128xf32, #tpu.memory_space<vmem_shared>>
        tpu.enqueue_dma source(%dma_start3A_42 : memref<640x128xf32, #tpu.memory_space<vmem_shared>>) target(%dma_start3A_39 : memref<640x128xf32, #tpu.memory_space<hbm>>) target_semaphore(%run_scoped3A : memref<!tpu.dma_semaphore, #tpu.memory_space<semaphore_mem>>)
        %dma_wait3A = arith.constant 0 : i32
        %dma_wait3A_43 = arith.constant 0 : i32
        %dma_wait3A_44 = tpu.memref_slice %arg4[%arg0, %dma_wait3A, %dma_wait3A_43] : memref<2x10000x128xf32, #tpu.memory_space<hbm>> -> memref<1x640x128xf32, #tpu.memory_space<hbm>>
        %dma_wait3A_45 = tpu.memref_squeeze %dma_wait3A_44 : memref<1x640x128xf32, #tpu.memory_space<hbm>> -> memref<640x128xf32, #tpu.memory_space<hbm>>
        %dma_wait3A_46 = arith.constant 0 : i32
        %dma_wait3A_47 = arith.constant 0 : i32
        %dma_wait3A_48 = tpu.memref_slice %arg8[%dma_wait3A_46, %dma_wait3A_47] : memref<10000x128xf32, #tpu.memory_space<vmem_shared>> -> memref<640x128xf32, #tpu.memory_space<vmem_shared>>
        tpu.wait_dma2 semaphore(%run_scoped3A : memref<!tpu.dma_semaphore, #tpu.memory_space<semaphore_mem>>) src(%dma_wait3A_48 : memref<640x128xf32, #tpu.memory_space<vmem_shared>>) dst(%dma_wait3A_45 : memref<640x128xf32, #tpu.memory_space<hbm>>)
        tpu.yield
      }) : () -> ()
    } else {
    }
    %gt3A = arith.constant 0 : i32
    %gt3A_33 = arith.cmpi sgt, %arg1, %gt3A : i32
    %convert_element_type3A_34 = arith.extui %gt3A_33 : i1 to i32
    %cond3A_35 = arith.constant 0 : i32
    %cond3A_36 = arith.cmpi ne, %convert_element_type3A_34, %cond3A_35 : i32
    scf.if %cond3A_36 {
      "tpu.region"() ({
        %run_scoped3A = tpu.sem_alloc : memref<!tpu.dma_semaphore, #tpu.memory_space<semaphore_mem>>
        %dma_start3A = arith.constant 0 : i32
        %dma_start3A_37 = tpu.memref_slice %arg4[%arg0, %select_n3A, %dma_start3A] : memref<2x10000x128xf32, #tpu.memory_space<hbm>> -> memref<1x624x128xf32, #tpu.memory_space<hbm>>
        %dma_start3A_38 = tpu.memref_squeeze %dma_start3A_37 : memref<1x624x128xf32, #tpu.memory_space<hbm>> -> memref<624x128xf32, #tpu.memory_space<hbm>>
        %dma_start3A_39 = arith.constant 0 : i32
        %dma_start3A_40 = tpu.memref_slice %arg8[%select_n3A, %dma_start3A_39] : memref<10000x128xf32, #tpu.memory_space<vmem_shared>> -> memref<624x128xf32, #tpu.memory_space<vmem_shared>>
        tpu.enqueue_dma source(%dma_start3A_40 : memref<624x128xf32, #tpu.memory_space<vmem_shared>>) target(%dma_start3A_38 : memref<624x128xf32, #tpu.memory_space<hbm>>) target_semaphore(%run_scoped3A : memref<!tpu.dma_semaphore, #tpu.memory_space<semaphore_mem>>)
        %dma_wait3A = arith.constant 0 : i32
        %dma_wait3A_41 = tpu.memref_slice %arg4[%arg0, %select_n3A, %dma_wait3A] : memref<2x10000x128xf32, #tpu.memory_space<hbm>> -> memref<1x624x128xf32, #tpu.memory_space<hbm>>
        %dma_wait3A_42 = tpu.memref_squeeze %dma_wait3A_41 : memref<1x624x128xf32, #tpu.memory_space<hbm>> -> memref<624x128xf32, #tpu.memory_space<hbm>>
        %dma_wait3A_43 = arith.constant 0 : i32
        %dma_wait3A_44 = tpu.memref_slice %arg8[%select_n3A, %dma_wait3A_43] : memref<10000x128xf32, #tpu.memory_space<vmem_shared>> -> memref<624x128xf32, #tpu.memory_space<vmem_shared>>
        tpu.wait_dma2 semaphore(%run_scoped3A : memref<!tpu.dma_semaphore, #tpu.memory_space<semaphore_mem>>) src(%dma_wait3A_44 : memref<624x128xf32, #tpu.memory_space<vmem_shared>>) dst(%dma_wait3A_42 : memref<624x128xf32, #tpu.memory_space<hbm>>)
        tpu.yield
      }) : () -> ()
    } else {
    }
    return
  }
}

module attributes {stable_mosaic.version = 14 : i64} {
  func.func @_tc_encode1_body(%arg0: i32, %arg1: i32, %arg2: memref<2x1000x128xf32, #tpu.memory_space<vmem>>, %arg3: memref<1000x256xf32, #tpu.memory_space<vmem>>, %arg4: memref<256x128xf32, #tpu.memory_space<vmem>>, %arg5: memref<1000x128xf32, #tpu.memory_space<vmem>>) attributes {dimension_semantics = [#tpu.dimension_semantics<arbitrary>, #tpu.dimension_semantics<arbitrary>], iteration_bounds = array<i64: 2, 10>, scalar_prefetch = 0 : i64, scratch_operands = 0 : i64, tpu.core_type = #tpu.core_type<tc>, window_params = [{transform_indices = @transform_0, window_bounds = array<i64: 2, 1000, 128>}, {transform_indices = @transform_1, window_bounds = array<i64: 1000, 256>}, {transform_indices = @transform_2, window_bounds = array<i64: 256, 128>}, {transform_indices = @transform_3, window_bounds = array<i64: 1000, 128>}]} {
    %get3A = arith.constant 0 : index
    %get3A_0 = arith.constant 0 : index
    %get3A_1 = arith.constant 0 : index
    %get3A_2 = vector.load %arg2[%get3A, %get3A_0, %get3A_1] : memref<2x1000x128xf32, #tpu.memory_space<vmem>>, vector<2x1000x128xf32>
    %slice3A = vector.extract_strided_slice %get3A_2 {offsets = [0, 0, 0], sizes = [1, 1000, 1], strides = [1, 1, 1]} : vector<2x1000x128xf32> to vector<1x1000x1xf32>
    %squeeze3A = vector.shape_cast %slice3A : vector<1x1000x1xf32> to vector<1000xf32>
    %slice3A_3 = vector.extract_strided_slice %get3A_2 {offsets = [1, 0, 0], sizes = [1, 1000, 1], strides = [1, 1, 1]} : vector<2x1000x128xf32> to vector<1x1000x1xf32>
    %squeeze3A_4 = vector.shape_cast %slice3A_3 : vector<1x1000x1xf32> to vector<1000xf32>
    %add3A = arith.addf %squeeze3A, %squeeze3A_4 : vector<1000xf32>
    %add3A_5 = arith.constant 1.000000e+00 : f32
    %add3A_6 = vector.broadcast %add3A_5 : f32 to vector<1000xf32>
    %add3A_7 = arith.addf %add3A, %add3A_6 : vector<1000xf32>
    %rsqrt3A = math.rsqrt %add3A_7 : vector<1000xf32>
    %broadcast_in_dim3A = vector.shape_cast %rsqrt3A : vector<1000xf32> to vector<1000x1xf32>
    %get3A_8 = arith.constant 0 : index
    %get3A_9 = arith.constant 0 : index
    %get3A_10 = vector.load %arg3[%get3A_8, %get3A_9] : memref<1000x256xf32, #tpu.memory_space<vmem>>, vector<1000x256xf32>
    %get3A_11 = arith.constant 0 : index
    %get3A_12 = arith.constant 0 : index
    %get3A_13 = vector.load %arg4[%get3A_11, %get3A_12] : memref<256x128xf32, #tpu.memory_space<vmem>>, vector<256x128xf32>
    %dot_general3A = arith.constant dense<0.000000e+00> : vector<1000x128xf32>
    %dot_general3A_14 = tpu.matmul %get3A_10, %get3A_13, %dot_general3A {dimension_numbers = #tpu.dot_dimension_numbers<[1], [0], [0], [1], [0, 0, 1, 1], [], []>, transpose_lhs_hint = false} : vector<1000x256xf32>, vector<256x128xf32>, vector<1000x128xf32> -> vector<1000x128xf32>
    %mul3A = vector.broadcast %broadcast_in_dim3A : vector<1000x1xf32> to vector<1000x128xf32>
    %mul3A_15 = arith.mulf %dot_general3A_14, %mul3A : vector<1000x128xf32>
    %swap3A = arith.constant 0 : index
    %swap3A_16 = arith.constant 0 : index
    %swap3A_17 = vector.load %arg5[%swap3A, %swap3A_16] : memref<1000x128xf32, #tpu.memory_space<vmem>>, vector<1000x128xf32>
    tpu.vector_store %arg5[%swap3A, %swap3A_16], %mul3A_15 {strides = array<i32>} : memref<1000x128xf32, #tpu.memory_space<vmem>>, vector<1000x128xf32>,
    return
  }
  func.func @transform_0(%arg0: i32, %arg1: i32) -> (i32, i32, i32) {
    %c0_i32 = arith.constant 0 : i32
    %c0_i32_0 = arith.constant 0 : i32
    %c0_i32_1 = arith.constant 0 : i32
    return %c0_i32, %arg1, %c0_i32_0 : i32, i32, i32
  }
  func.func @transform_1(%arg0: i32, %arg1: i32) -> (i32, i32) {
    %c0_i32 = arith.constant 0 : i32
    %c0_i32_0 = arith.constant 0 : i32
    return %arg1, %c0_i32 : i32, i32
  }
  func.func @transform_2(%arg0: i32, %arg1: i32) -> (i32, i32) {
    %c0_i32 = arith.constant 0 : i32
    %c0_i32_0 = arith.constant 0 : i32
    return %c0_i32, %arg0 : i32, i32
  }
  func.func @transform_3(%arg0: i32, %arg1: i32) -> (i32, i32) {
    %mul3A = arith.constant 10 : i32
    %mul3A_0 = arith.muli %arg0, %mul3A : i32
    %add3A = arith.addi %mul3A_0, %arg1 : i32
    %c0_i32 = arith.constant 0 : i32
    %c0_i32_1 = arith.constant 0 : i32
    return %add3A, %c0_i32 : i32, i32
  }
}

module attributes {stable_mosaic.version = 14 : i64} {
  func.func @_tc_encode2_body(%arg0: i32, %arg1: i32, %arg2: memref<2x1000x128xf32, #tpu.memory_space<vmem>>, %arg3: memref<1000x128xf32, #tpu.memory_space<vmem>>, %arg4: memref<1000x128xf32, #tpu.memory_space<vmem>>, %arg5: memref<1000x128xf32, #tpu.memory_space<vmem>>, %arg6: memref<1000x128xf32, #tpu.memory_space<vmem>>, %arg7: memref<1x256xf32, #tpu.memory_space<vmem>>, %arg8: memref<256x128xf32, #tpu.memory_space<vmem>>, %arg9: memref<1000x128xf32, #tpu.memory_space<vmem>>) attributes {dimension_semantics = [#tpu.dimension_semantics<arbitrary>, #tpu.dimension_semantics<arbitrary>], iteration_bounds = array<i64: 2, 10>, scalar_prefetch = 0 : i64, scratch_operands = 0 : i64, tpu.core_type = #tpu.core_type<tc>, window_params = [{transform_indices = @transform_0, window_bounds = array<i64: 2, 1000, 128>}, {transform_indices = @transform_1, window_bounds = array<i64: 1000, 128>}, {transform_indices = @transform_2, window_bounds = array<i64: 1000, 128>}, {transform_indices = @transform_3, window_bounds = array<i64: 1000, 128>}, {transform_indices = @transform_4, window_bounds = array<i64: 1000, 128>}, {pipeline_mode = #tpu.pipeline_mode<synchronous>, transform_indices = @transform_5, window_bounds = array<i64: 1, 256>}, {transform_indices = @transform_6, window_bounds = array<i64: 256, 128>}, {transform_indices = @transform_7, window_bounds = array<i64: 1000, 128>}]} {
    %get3A = arith.constant 0 : index
    %get3A_0 = arith.constant 0 : index
    %get3A_1 = arith.constant 0 : index
    %get3A_2 = vector.load %arg2[%get3A, %get3A_0, %get3A_1] : memref<2x1000x128xf32, #tpu.memory_space<vmem>>, vector<2x1000x128xf32>
    %slice3A = vector.extract_strided_slice %get3A_2 {offsets = [0, 0, 0], sizes = [1, 1000, 1], strides = [1, 1, 1]} : vector<2x1000x128xf32> to vector<1x1000x1xf32>
    %squeeze3A = vector.shape_cast %slice3A : vector<1x1000x1xf32> to vector<1000xf32>
    %slice3A_3 = vector.extract_strided_slice %get3A_2 {offsets = [1, 0, 0], sizes = [1, 1000, 1], strides = [1, 1, 1]} : vector<2x1000x128xf32> to vector<1x1000x1xf32>
    %squeeze3A_4 = vector.shape_cast %slice3A_3 : vector<1x1000x1xf32> to vector<1000xf32>
    %add3A = arith.addf %squeeze3A, %squeeze3A_4 : vector<1000xf32>
    %add3A_5 = arith.constant 1.000000e+00 : f32
    %add3A_6 = vector.broadcast %add3A_5 : f32 to vector<1000xf32>
    %add3A_7 = arith.addf %add3A, %add3A_6 : vector<1000xf32>
    %rsqrt3A = math.rsqrt %add3A_7 : vector<1000xf32>
    %broadcast_in_dim3A = vector.shape_cast %rsqrt3A : vector<1000xf32> to vector<1000x1xf32>
    %get3A_8 = arith.constant 0 : index
    %get3A_9 = arith.constant 0 : index
    %get3A_10 = vector.load %arg3[%get3A_8, %get3A_9] : memref<1000x128xf32, #tpu.memory_space<vmem>>, vector<1000x128xf32>
    %get3A_11 = arith.constant 0 : index
    %get3A_12 = arith.constant 0 : index
    %get3A_13 = vector.load %arg5[%get3A_11, %get3A_12] : memref<1000x128xf32, #tpu.memory_space<vmem>>, vector<1000x128xf32>
    %add3A_14 = arith.addf %get3A_10, %get3A_13 : vector<1000x128xf32>
    %mul3A = vector.broadcast %broadcast_in_dim3A : vector<1000x1xf32> to vector<1000x128xf32>
    %mul3A_15 = arith.mulf %mul3A, %add3A_14 : vector<1000x128xf32>
    %get3A_16 = arith.constant 0 : index
    %get3A_17 = arith.constant 0 : index
    %get3A_18 = vector.load %arg7[%get3A_16, %get3A_17] : memref<1x256xf32, #tpu.memory_space<vmem>>, vector<1x128xf32>
    %get3A_19 = vector.shape_cast %get3A_18 : vector<1x128xf32> to vector<128xf32>
    %broadcast_in_dim3A_20 = vector.shape_cast %get3A_19 : vector<128xf32> to vector<1x128xf32>
    %add3A_21 = vector.broadcast %broadcast_in_dim3A_20 : vector<1x128xf32> to vector<1000x128xf32>
    %add3A_22 = arith.addf %mul3A_15, %add3A_21 : vector<1000x128xf32>
    %max3A = arith.constant 0.000000e+00 : f32
    %max3A_23 = vector.broadcast %max3A : f32 to vector<1000x128xf32>
    %max3A_24 = arith.maximumf %add3A_22, %max3A_23 : vector<1000x128xf32>
    %get3A_25 = arith.constant 0 : index
    %get3A_26 = arith.constant 0 : index
    %get3A_27 = vector.load %arg4[%get3A_25, %get3A_26] : memref<1000x128xf32, #tpu.memory_space<vmem>>, vector<1000x128xf32>
    %get3A_28 = arith.constant 0 : index
    %get3A_29 = arith.constant 0 : index
    %get3A_30 = vector.load %arg6[%get3A_28, %get3A_29] : memref<1000x128xf32, #tpu.memory_space<vmem>>, vector<1000x128xf32>
    %add3A_31 = arith.addf %get3A_27, %get3A_30 : vector<1000x128xf32>
    %mul3A_32 = vector.broadcast %broadcast_in_dim3A : vector<1000x1xf32> to vector<1000x128xf32>
    %mul3A_33 = arith.mulf %mul3A_32, %add3A_31 : vector<1000x128xf32>
    %get3A_34 = arith.constant 0 : index
    %get3A_35 = arith.constant 128 : index
    %get3A_36 = vector.load %arg7[%get3A_34, %get3A_35] : memref<1x256xf32, #tpu.memory_space<vmem>>, vector<1x128xf32>
    %get3A_37 = vector.shape_cast %get3A_36 : vector<1x128xf32> to vector<128xf32>
    %broadcast_in_dim3A_38 = vector.shape_cast %get3A_37 : vector<128xf32> to vector<1x128xf32>
    %add3A_39 = vector.broadcast %broadcast_in_dim3A_38 : vector<1x128xf32> to vector<1000x128xf32>
    %add3A_40 = arith.addf %mul3A_33, %add3A_39 : vector<1000x128xf32>
    %max3A_41 = arith.constant 0.000000e+00 : f32
    %max3A_42 = vector.broadcast %max3A_41 : f32 to vector<1000x128xf32>
    %max3A_43 = arith.maximumf %add3A_40, %max3A_42 : vector<1000x128xf32>
    %get3A_44 = arith.constant 0 : index
    %get3A_45 = arith.constant 0 : index
    %get3A_46 = vector.load %arg8[%get3A_44, %get3A_45] : memref<256x128xf32, #tpu.memory_space<vmem>>, vector<128x128xf32>
    %dot_general3A = arith.constant dense<0.000000e+00> : vector<1000x128xf32>
    %dot_general3A_47 = tpu.matmul %max3A_24, %get3A_46, %dot_general3A {dimension_numbers = #tpu.dot_dimension_numbers<[1], [0], [0], [1], [0, 0, 1, 1], [], []>, transpose_lhs_hint = false} : vector<1000x128xf32>, vector<128x128xf32>, vector<1000x128xf32> -> vector<1000x128xf32>
    %get3A_48 = arith.constant 128 : index
    %get3A_49 = arith.constant 0 : index
    %get3A_50 = vector.load %arg8[%get3A_48, %get3A_49] : memref<256x128xf32, #tpu.memory_space<vmem>>, vector<128x128xf32>
    %dot_general3A_51 = arith.constant dense<0.000000e+00> : vector<1000x128xf32>
    %dot_general3A_52 = tpu.matmul %max3A_43, %get3A_50, %dot_general3A_51 {dimension_numbers = #tpu.dot_dimension_numbers<[1], [0], [0], [1], [0, 0, 1, 1], [], []>, transpose_lhs_hint = false} : vector<1000x128xf32>, vector<128x128xf32>, vector<1000x128xf32> -> vector<1000x128xf32>
    %add3A_53 = arith.addf %dot_general3A_47, %dot_general3A_52 : vector<1000x128xf32>
    %mul3A_54 = vector.broadcast %broadcast_in_dim3A : vector<1000x1xf32> to vector<1000x128xf32>
    %mul3A_55 = arith.mulf %add3A_53, %mul3A_54 : vector<1000x128xf32>
    %swap3A = arith.constant 0 : index
    %swap3A_56 = arith.constant 0 : index
    %swap3A_57 = vector.load %arg9[%swap3A, %swap3A_56] : memref<1000x128xf32, #tpu.memory_space<vmem>>, vector<1000x128xf32>
    tpu.vector_store %arg9[%swap3A, %swap3A_56], %mul3A_55 {strides = array<i32>} : memref<1000x128xf32, #tpu.memory_space<vmem>>, vector<1000x128xf32>,
    return
  }
  func.func @transform_0(%arg0: i32, %arg1: i32) -> (i32, i32, i32) {
    %c0_i32 = arith.constant 0 : i32
    %c0_i32_0 = arith.constant 0 : i32
    %c0_i32_1 = arith.constant 0 : i32
    return %c0_i32, %arg1, %c0_i32_0 : i32, i32, i32
  }
  func.func @transform_1(%arg0: i32, %arg1: i32) -> (i32, i32) {
    %c0_i32 = arith.constant 0 : i32
    %c0_i32_0 = arith.constant 0 : i32
    return %arg1, %c0_i32 : i32, i32
  }
  func.func @transform_2(%arg0: i32, %arg1: i32) -> (i32, i32) {
    %add3A = arith.constant 10 : i32
    %add3A_0 = arith.addi %add3A, %arg1 : i32
    %c0_i32 = arith.constant 0 : i32
    %c0_i32_1 = arith.constant 0 : i32
    return %add3A_0, %c0_i32 : i32, i32
  }
  func.func @transform_3(%arg0: i32, %arg1: i32) -> (i32, i32) {
    %c0_i32 = arith.constant 0 : i32
    %c0_i32_0 = arith.constant 0 : i32
    return %arg1, %c0_i32 : i32, i32
  }
  func.func @transform_4(%arg0: i32, %arg1: i32) -> (i32, i32) {
    %add3A = arith.constant 10 : i32
    %add3A_0 = arith.addi %add3A, %arg1 : i32
    %c0_i32 = arith.constant 0 : i32
    %c0_i32_1 = arith.constant 0 : i32
    return %add3A_0, %c0_i32 : i32, i32
  }
  func.func @transform_5(%arg0: i32, %arg1: i32) -> (i32, i32) {
    %c0_i32 = arith.constant 0 : i32
    %c0_i32_0 = arith.constant 0 : i32
    %c0_i32_1 = arith.constant 0 : i32
    return %c0_i32, %c0_i32_0 : i32, i32
  }
  func.func @transform_6(%arg0: i32, %arg1: i32) -> (i32, i32) {
    %c0_i32 = arith.constant 0 : i32
    %c0_i32_0 = arith.constant 0 : i32
    return %c0_i32, %arg0 : i32, i32
  }
  func.func @transform_7(%arg0: i32, %arg1: i32) -> (i32, i32) {
    %mul3A = arith.constant 10 : i32
    %mul3A_0 = arith.muli %arg0, %mul3A : i32
    %add3A = arith.addi %mul3A_0, %arg1 : i32
    %c0_i32 = arith.constant 0 : i32
    %c0_i32_1 = arith.constant 0 : i32
    return %add3A, %c0_i32 : i32, i32
  }
}

module attributes {stable_mosaic.version = 14 : i64} {
  func.func @_tc_decode_body(%arg0: i32, %arg1: memref<2x1000x128xf32, #tpu.memory_space<vmem>>, %arg2: memref<1000x128xf32, #tpu.memory_space<vmem>>, %arg3: memref<1000x128xf32, #tpu.memory_space<vmem>>, %arg4: memref<1000x128xf32, #tpu.memory_space<vmem>>, %arg5: memref<1000x128xf32, #tpu.memory_space<vmem>>, %arg6: memref<1x256xf32, #tpu.memory_space<vmem>>, %arg7: memref<256x256xf32, #tpu.memory_space<vmem>>, %arg8: memref<1x256xf32, #tpu.memory_space<vmem>>, %arg9: memref<256x256xf32, #tpu.memory_space<vmem>>, %arg10: memref<1x256xf32, #tpu.memory_space<vmem>>, %arg11: memref<1000x256xf32, #tpu.memory_space<vmem>>) attributes {dimension_semantics = [#tpu.dimension_semantics<arbitrary>], iteration_bounds = array<i64: 10>, scalar_prefetch = 0 : i64, scratch_operands = 0 : i64, tpu.core_type = #tpu.core_type<tc>, window_params = [{transform_indices = @transform_0, window_bounds = array<i64: 2, 1000, 128>}, {transform_indices = @transform_1, window_bounds = array<i64: 1000, 128>}, {transform_indices = @transform_2, window_bounds = array<i64: 1000, 128>}, {transform_indices = @transform_3, window_bounds = array<i64: 1000, 128>}, {transform_indices = @transform_4, window_bounds = array<i64: 1000, 128>}, {pipeline_mode = #tpu.pipeline_mode<synchronous>, transform_indices = @transform_5, window_bounds = array<i64: 1, 256>}, {pipeline_mode = #tpu.pipeline_mode<synchronous>, transform_indices = @transform_6, window_bounds = array<i64: 256, 256>}, {pipeline_mode = #tpu.pipeline_mode<synchronous>, transform_indices = @transform_7, window_bounds = array<i64: 1, 256>}, {pipeline_mode = #tpu.pipeline_mode<synchronous>, transform_indices = @transform_8, window_bounds = array<i64: 256, 256>}, {pipeline_mode = #tpu.pipeline_mode<synchronous>, transform_indices = @transform_9, window_bounds = array<i64: 1, 256>}, {transform_indices = @transform_10, window_bounds = array<i64: 1000, 256>}]} {
    %get3A = arith.constant 0 : index
    %get3A_0 = arith.constant 0 : index
    %get3A_1 = arith.constant 0 : index
    %get3A_2 = vector.load %arg1[%get3A, %get3A_0, %get3A_1] : memref<2x1000x128xf32, #tpu.memory_space<vmem>>, vector<2x1000x128xf32>
    %slice3A = vector.extract_strided_slice %get3A_2 {offsets = [0, 0, 0], sizes = [1, 1000, 1], strides = [1, 1, 1]} : vector<2x1000x128xf32> to vector<1x1000x1xf32>
    %squeeze3A = vector.shape_cast %slice3A : vector<1x1000x1xf32> to vector<1000xf32>
    %slice3A_3 = vector.extract_strided_slice %get3A_2 {offsets = [1, 0, 0], sizes = [1, 1000, 1], strides = [1, 1, 1]} : vector<2x1000x128xf32> to vector<1x1000x1xf32>
    %squeeze3A_4 = vector.shape_cast %slice3A_3 : vector<1x1000x1xf32> to vector<1000xf32>
    %add3A = arith.addf %squeeze3A, %squeeze3A_4 : vector<1000xf32>
    %add3A_5 = arith.constant 1.000000e+00 : f32
    %add3A_6 = vector.broadcast %add3A_5 : f32 to vector<1000xf32>
    %add3A_7 = arith.addf %add3A, %add3A_6 : vector<1000xf32>
    %rsqrt3A = math.rsqrt %add3A_7 : vector<1000xf32>
    %broadcast_in_dim3A = vector.shape_cast %rsqrt3A : vector<1000xf32> to vector<1000x1xf32>
    %get3A_8 = arith.constant 0 : index
    %get3A_9 = arith.constant 0 : index
    %get3A_10 = vector.load %arg2[%get3A_8, %get3A_9] : memref<1000x128xf32, #tpu.memory_space<vmem>>, vector<1000x128xf32>
    %get3A_11 = arith.constant 0 : index
    %get3A_12 = arith.constant 0 : index
    %get3A_13 = vector.load %arg4[%get3A_11, %get3A_12] : memref<1000x128xf32, #tpu.memory_space<vmem>>, vector<1000x128xf32>
    %add3A_14 = arith.addf %get3A_10, %get3A_13 : vector<1000x128xf32>
    %mul3A = vector.broadcast %broadcast_in_dim3A : vector<1000x1xf32> to vector<1000x128xf32>
    %mul3A_15 = arith.mulf %mul3A, %add3A_14 : vector<1000x128xf32>
    %get3A_16 = arith.constant 0 : index
    %get3A_17 = arith.constant 0 : index
    %get3A_18 = vector.load %arg6[%get3A_16, %get3A_17] : memref<1x256xf32, #tpu.memory_space<vmem>>, vector<1x128xf32>
    %get3A_19 = vector.shape_cast %get3A_18 : vector<1x128xf32> to vector<128xf32>
    %broadcast_in_dim3A_20 = vector.shape_cast %get3A_19 : vector<128xf32> to vector<1x128xf32>
    %add3A_21 = vector.broadcast %broadcast_in_dim3A_20 : vector<1x128xf32> to vector<1000x128xf32>
    %add3A_22 = arith.addf %mul3A_15, %add3A_21 : vector<1000x128xf32>
    %get3A_23 = arith.constant 0 : index
    %get3A_24 = arith.constant 0 : index
    %get3A_25 = vector.load %arg3[%get3A_23, %get3A_24] : memref<1000x128xf32, #tpu.memory_space<vmem>>, vector<1000x128xf32>
    %get3A_26 = arith.constant 0 : index
    %get3A_27 = arith.constant 0 : index
    %get3A_28 = vector.load %arg5[%get3A_26, %get3A_27] : memref<1000x128xf32, #tpu.memory_space<vmem>>, vector<1000x128xf32>
    %add3A_29 = arith.addf %get3A_25, %get3A_28 : vector<1000x128xf32>
    %mul3A_30 = vector.broadcast %broadcast_in_dim3A : vector<1000x1xf32> to vector<1000x128xf32>
    %mul3A_31 = arith.mulf %mul3A_30, %add3A_29 : vector<1000x128xf32>
    %get3A_32 = arith.constant 0 : index
    %get3A_33 = arith.constant 128 : index
    %get3A_34 = vector.load %arg6[%get3A_32, %get3A_33] : memref<1x256xf32, #tpu.memory_space<vmem>>, vector<1x128xf32>
    %get3A_35 = vector.shape_cast %get3A_34 : vector<1x128xf32> to vector<128xf32>
    %broadcast_in_dim3A_36 = vector.shape_cast %get3A_35 : vector<128xf32> to vector<1x128xf32>
    %add3A_37 = vector.broadcast %broadcast_in_dim3A_36 : vector<1x128xf32> to vector<1000x128xf32>
    %add3A_38 = arith.addf %mul3A_31, %add3A_37 : vector<1000x128xf32>
    %concatenate3A = tpu.concatenate %add3A_22, %add3A_38 in 1 : vector<1000x128xf32>, vector<1000x128xf32> -> vector<1000x256xf32>
    %get3A_39 = arith.constant 0 : index
    %get3A_40 = arith.constant 0 : index
    %get3A_41 = vector.load %arg7[%get3A_39, %get3A_40] : memref<256x256xf32, #tpu.memory_space<vmem>>, vector<256x256xf32>
    %dot_general3A = arith.constant dense<0.000000e+00> : vector<1000x256xf32>
    %dot_general3A_42 = tpu.matmul %concatenate3A, %get3A_41, %dot_general3A {dimension_numbers = #tpu.dot_dimension_numbers<[1], [0], [0], [1], [0, 0, 1, 1], [], []>, transpose_lhs_hint = false} : vector<1000x256xf32>, vector<256x256xf32>, vector<1000x256xf32> -> vector<1000x256xf32>
    %get3A_43 = arith.constant 0 : index
    %get3A_44 = arith.constant 0 : index
    %get3A_45 = vector.load %arg8[%get3A_43, %get3A_44] : memref<1x256xf32, #tpu.memory_space<vmem>>, vector<1x256xf32>
    %get3A_46 = vector.shape_cast %get3A_45 : vector<1x256xf32> to vector<256xf32>
    %broadcast_in_dim3A_47 = vector.shape_cast %get3A_46 : vector<256xf32> to vector<1x256xf32>
    %add3A_48 = vector.broadcast %broadcast_in_dim3A_47 : vector<1x256xf32> to vector<1000x256xf32>
    %add3A_49 = arith.addf %dot_general3A_42, %add3A_48 : vector<1000x256xf32>
    %max3A = arith.constant 0.000000e+00 : f32
    %max3A_50 = vector.broadcast %max3A : f32 to vector<1000x256xf32>
    %max3A_51 = arith.maximumf %add3A_49, %max3A_50 : vector<1000x256xf32>
    %get3A_52 = arith.constant 0 : index
    %get3A_53 = arith.constant 0 : index
    %get3A_54 = vector.load %arg9[%get3A_52, %get3A_53] : memref<256x256xf32, #tpu.memory_space<vmem>>, vector<256x256xf32>
    %dot_general3A_55 = arith.constant dense<0.000000e+00> : vector<1000x256xf32>
    %dot_general3A_56 = tpu.matmul %max3A_51, %get3A_54, %dot_general3A_55 {dimension_numbers = #tpu.dot_dimension_numbers<[1], [0], [0], [1], [0, 0, 1, 1], [], []>, transpose_lhs_hint = false} : vector<1000x256xf32>, vector<256x256xf32>, vector<1000x256xf32> -> vector<1000x256xf32>
    %get3A_57 = arith.constant 0 : index
    %get3A_58 = arith.constant 0 : index
    %get3A_59 = vector.load %arg10[%get3A_57, %get3A_58] : memref<1x256xf32, #tpu.memory_space<vmem>>, vector<1x256xf32>
    %get3A_60 = vector.shape_cast %get3A_59 : vector<1x256xf32> to vector<256xf32>
    %broadcast_in_dim3A_61 = vector.shape_cast %get3A_60 : vector<256xf32> to vector<1x256xf32>
    %add3A_62 = vector.broadcast %broadcast_in_dim3A_61 : vector<1x256xf32> to vector<1000x256xf32>
    %add3A_63 = arith.addf %dot_general3A_56, %add3A_62 : vector<1000x256xf32>
    %swap3A = arith.constant 0 : index
    %swap3A_64 = arith.constant 0 : index
    %swap3A_65 = vector.load %arg11[%swap3A, %swap3A_64] : memref<1000x256xf32, #tpu.memory_space<vmem>>, vector<1000x256xf32>
    tpu.vector_store %arg11[%swap3A, %swap3A_64], %add3A_63 {strides = array<i32>} : memref<1000x256xf32, #tpu.memory_space<vmem>>, vector<1000x256xf32>,
    return
  }
  func.func @transform_0(%arg0: i32) -> (i32, i32, i32) {
    %c0_i32 = arith.constant 0 : i32
    %c0_i32_0 = arith.constant 0 : i32
    %c0_i32_1 = arith.constant 0 : i32
    return %c0_i32, %arg0, %c0_i32_0 : i32, i32, i32
  }
  func.func @transform_1(%arg0: i32) -> (i32, i32) {
    %c0_i32 = arith.constant 0 : i32
    %c0_i32_0 = arith.constant 0 : i32
    return %arg0, %c0_i32 : i32, i32
  }
  func.func @transform_2(%arg0: i32) -> (i32, i32) {
    %add3A = arith.constant 10 : i32
    %add3A_0 = arith.addi %add3A, %arg0 : i32
    %c0_i32 = arith.constant 0 : i32
    %c0_i32_1 = arith.constant 0 : i32
    return %add3A_0, %c0_i32 : i32, i32
  }
  func.func @transform_3(%arg0: i32) -> (i32, i32) {
    %c0_i32 = arith.constant 0 : i32
    %c0_i32_0 = arith.constant 0 : i32
    return %arg0, %c0_i32 : i32, i32
  }
  func.func @transform_4(%arg0: i32) -> (i32, i32) {
    %add3A = arith.constant 10 : i32
    %add3A_0 = arith.addi %add3A, %arg0 : i32
    %c0_i32 = arith.constant 0 : i32
    %c0_i32_1 = arith.constant 0 : i32
    return %add3A_0, %c0_i32 : i32, i32
  }
  func.func @transform_5(%arg0: i32) -> (i32, i32) {
    %c0_i32 = arith.constant 0 : i32
    %c0_i32_0 = arith.constant 0 : i32
    %c0_i32_1 = arith.constant 0 : i32
    return %c0_i32, %c0_i32_0 : i32, i32
  }
  func.func @transform_6(%arg0: i32) -> (i32, i32) {
    %c0_i32 = arith.constant 0 : i32
    %c0_i32_0 = arith.constant 0 : i32
    %c0_i32_1 = arith.constant 0 : i32
    return %c0_i32, %c0_i32_0 : i32, i32
  }
  func.func @transform_7(%arg0: i32) -> (i32, i32) {
    %c0_i32 = arith.constant 0 : i32
    %c0_i32_0 = arith.constant 0 : i32
    %c0_i32_1 = arith.constant 0 : i32
    return %c0_i32, %c0_i32_0 : i32, i32
  }
  func.func @transform_8(%arg0: i32) -> (i32, i32) {
    %c0_i32 = arith.constant 0 : i32
    %c0_i32_0 = arith.constant 0 : i32
    %c0_i32_1 = arith.constant 0 : i32
    return %c0_i32, %c0_i32_0 : i32, i32
  }
  func.func @transform_9(%arg0: i32) -> (i32, i32) {
    %c0_i32 = arith.constant 0 : i32
    %c0_i32_0 = arith.constant 0 : i32
    %c0_i32_1 = arith.constant 0 : i32
    return %c0_i32, %c0_i32_0 : i32, i32
  }
  func.func @transform_10(%arg0: i32) -> (i32, i32) {
    %c0_i32 = arith.constant 0 : i32
    %c0_i32_0 = arith.constant 0 : i32
    return %arg0, %c0_i32 : i32, i32
  }
}

</mosaic_0001>

<sc_bundles>
// kernel: kernel.11.cloned.1.call-start
scs
__scs_entry_jumppad:
0x0: {  	(pc) =	sbr.rel $0x88, $3  }
0x1: {  	(tag) =	ssettag $0x0;
	lr =	simm.s32 $0x1  }
0x2: {  	[smem:$0x3F97] =	sst lr;
	_ =	strace $0xD0000000  }
0x3: {  	_ = 	snop  }
0x4: {  	_ = 	snop  }
0x5: {  	_ = 	snop  }
0x6: {  	_ = 	snop  }
0x7: {  	_ = 	snop  }
__scs_overlays_trampoline_lowered:
0x8: {  	[smem:$0x3FA6] =	sst s0  }
0x9: {  	[smem:$0x3FA7] =	sst s1  }
0xa: {  	[smem:$0x3FA8] =	sst s2  }
0xb: {  	[smem:$0x3FA9] =	sst s3  }
0xc: {  	[smem:$0x3FAA] =	sst s4  }
0xd: {  	[smem:$0x3FAB] =	sst s5  }
0xe: {  	[smem:$0x3FAC] =	sst s6  }
0xf: {  	[smem:$0x3FAD] =	sst s7  }
0x10: {  	[smem:$0x3FAE] =	sst s8  }
0x11: {  	[smem:$0x3FAF] =	sst s9;
	s0 =	simm.s32 @!p0 $0x0  }
0x12: {  	s1 =	sld [smem:$0x3F95];
	s0 =	simm.s32 @p0 $0x1  }
0x13: {  	[smem:$0x3FB0] =	sst s0;
	s0 =	simm.s32 @!p1 $0x0  }
0x14: {  	s2 =	sld [smem:$0x3F94];
	s0 =	simm.s32 @p1 $0x1  }
0x15: {  	[smem:$0x3FB1] =	sst s0;
	s0 =	simm.s32 @!p2 $0x0  }
0x16: {  	s3 =	sld [smem:$0x3FDB];
	s0 =	simm.s32 @p2 $0x1  }
0x17: {  	s4 =	simm.s32 $0x1BF5;
	[smem:$0x3FB3] =	sst s0  }
0x18: {  	s0 =	sld [smem:$0x3F96];
	_ =	swait.ge [sflag:s4], $0x0  }
0x19: {  	s7 =	sld [smem:$0x3F97]  }
0x1a: {  	s8 =	sadd.s32 $0xFFFFE003, lr  }
0x1b: {  	s9 =	sadd.s32 $0xFFFFFEF7, lr;
	s5 =	simm.s32 $0xFFFFFFFF;
	p2 =	slt.u32 s8, $0xFFFFF086  }
0x1c: {  	p1 =	slt.u32 s9, $0xF7A;
	s5 =	simm.s32 @!p2 $0x0  }
0x1d: {  	s5 =	simm.s32 @p1 $0x1;
	p0 =	seq.s32 s7, s2  }
0x1e: {  	s7 =	smul.u32 @!p0 $0xF7A, s2;
	p2 =	seq.s32 @!p0 s5, $0x0  }
0x1f: {  	s9 =	smul.u32 $0xF7A, s1;
	s8 =	simm.s32 @!p0 $0x1BF5;
	p2 =	por !p2, p0  }
0x20: {  	[sflag:s8] =	ssyncset.s32 @!p0 $0xFFFFF086;
	s6 =	sadd.s32 @!p0 s3, s7;
	s7 =	simm.s32 @!p0 $0x108  }
0x21: {  	s3 =	sadd.s32 s3, s9;
	s6 =	sadd.s32 @!p0 $0x88, s6;
	s7 =	simm.s32 @p2 $0x1082  }
0x22: {  	[simem:s7], [sflag:s8] =	dma.local @!p0 [hbm:s6], $0xF7A  }
0x23: {  	s9 =	sor.u32 $0xD0000000, s2;
	s6 =	simm.s32 $0x108;
	_ =	swait.ge @!p0 [sflag:s8], $0x0  }
0x24: {  	s3 =	sadd.s32 $0x88, s3;
	s6 =	simm.s32 @!p1 $0x1082;
	[sflag:s4] =	ssyncset.s32 $0xFFFFF086  }
0x25: {  	[simem:s6], [sflag:s4] =	dma.local [hbm:s3], $0xF7A  }
0x26: {  	[smem:$0x3F97] =	sst s1;
	(tag) =	ssettag s2;
	_ =	strace s9  }
0x27: {  	s1 =	sld [smem:$0x3FA7]  }
0x28: {  	s2 =	sld [smem:$0x3FA8]  }
0x29: {  	s4 =	sld [smem:$0x3FAA]  }
0x2a: {  	p0 =	seq.s32 s5, $0x0;
	s5 =	sld [smem:$0x3FAB]  }
0x2b: {  	s6 =	sld [smem:$0x3FAC]  }
0x2c: {  	s7 =	sld [smem:$0x3FAD]  }
0x2d: {  	s3 =	simm.s32 $0x108;
	s8 =	sld [smem:$0x3FAE]  }
0x2e: {  	s3 =	simm.s32 @!p0 $0x1082;
	s9 =	sld [smem:$0x3FAF]  }
0x2f: {  	lr =	sadd.s32 s0, s3;
	s0 =	sld [smem:$0x3FA6]  }
0x30: {  	s3 =	sld [smem:$0x3FA9]  }
0x31: {  	[smem:$0x3FB2] =	sst s10  }
0x32: {  	s10 =	sld [smem:$0x3FB0];
	_ =	sdelay $0x3  }
0x33: {  	p0 =	seq.s32 s10, $0x1;
	s10 =	sld [smem:$0x3FB2];
	_ =	sdelay $0x3  }
0x34: {  	[smem:$0x3FB2] =	sst s10  }
0x35: {  	s10 =	sld [smem:$0x3FB1];
	_ =	sdelay $0x3  }
0x36: {  	p1 =	seq.s32 s10, $0x1;
	s10 =	sld [smem:$0x3FB2];
	_ =	sdelay $0x3  }
0x37: {  	[smem:$0x3FB2] =	sst s10  }
0x38: {  	s10 =	sld [smem:$0x3FB3]  }
0x39: {  	_ = 	snop;
	(pc) =	sbr.ind lr, $3  }
0x3a: {  	_ = 	snop  }
0x3b: {  	_ = 	snop  }
0x3c: {  	p2 =	seq.s32 s10, $0x1;
	s10 =	sld [smem:$0x3FB2]  }
0x3d: {  	_ =	shalt  }
0x3e: {  	_ =	shalt  }
0x3f: {  	_ =	shalt  }
0x40: {  	_ =	shalt  }
0x41: {  	_ =	shalt  }
0x42: {  	_ =	shalt  }
0x43: {  	_ =	shalt  }
0x44: {  	_ =	shalt  }
0x45: {  	_ =	shalt  }
0x46: {  	_ =	shalt  }
0x47: {  	_ =	shalt  }
0x48: {  	_ =	shalt  }
0x49: {  	_ =	shalt  }
0x4a: {  	_ =	shalt  }
0x4b: {  	_ =	shalt  }
0x4c: {  	_ =	shalt  }
0x4d: {  	_ =	shalt  }
0x4e: {  	_ =	shalt  }
0x4f: {  	_ =	shalt  }
0x50: {  	_ =	shalt  }
0x51: {  	_ =	shalt  }
0x52: {  	_ =	shalt  }
0x53: {  	_ =	shalt  }
0x54: {  	_ =	shalt  }
0x55: {  	_ =	shalt  }
0x56: {  	_ =	shalt  }
0x57: {  	_ =	shalt  }
0x58: {  	_ =	shalt  }
0x59: {  	_ =	shalt  }
0x5a: {  	_ =	shalt  }
0x5b: {  	_ =	shalt  }
0x5c: {  	_ =	shalt  }
0x5d: {  	_ =	shalt  }
0x5e: {  	_ =	shalt  }
0x5f: {  	_ =	shalt  }
0x60: {  	_ =	shalt  }
0x61: {  	_ =	shalt  }
0x62: {  	_ =	shalt  }
0x63: {  	_ =	shalt  }
0x64: {  	_ =	shalt  }
0x65: {  	_ =	shalt  }
0x66: {  	_ =	shalt  }
0x67: {  	_ =	shalt  }
0x68: {  	_ =	shalt  }
0x69: {  	_ =	shalt  }
0x6a: {  	_ =	shalt  }
0x6b: {  	_ =	shalt  }
0x6c: {  	_ =	shalt  }
0x6d: {  	_ =	shalt  }
0x6e: {  	_ =	shalt  }
0x6f: {  	_ =	shalt  }
0x70: {  	_ =	shalt  }
0x71: {  	_ =	shalt  }
0x72: {  	_ =	shalt  }
0x73: {  	_ =	shalt  }
0x74: {  	_ =	shalt  }
0x75: {  	_ =	shalt  }
0x76: {  	_ =	shalt  }
0x77: {  	_ =	shalt  }
0x78: {  	_ =	shalt  }
0x79: {  	_ =	shalt  }
0x7a: {  	_ =	shalt  }
0x7b: {  	_ =	shalt  }
0x7c: {  	_ =	shalt  }
0x7d: {  	_ =	shalt  }
0x7e: {  	_ =	shalt  }
0x7f: {  	_ =	shalt  }
0x80: {  	_ =	shalt  }
0x81: {  	_ =	shalt  }
0x82: {  	_ =	shalt  }
0x83: {  	_ =	shalt  }
0x84: {  	_ =	shalt  }
0x85: {  	_ =	shalt  }
0x86: {  	_ =	shalt  }
0x87: {  	_ =	shalt  }
.Lfunc_end0:
.L_simem_size_0:
called_computation.1_lowered:
.L_overlay_start_0:
0x88: {  	s2 =	sld [smem:$0x3FD9]  }
0x89: {  	s3 =	sld [smem:$0x3FFE];
	_ =	sdelay $0x1  }
0x8a: {  	s1 =	srdreg.scid  }
0x8b: {  	s0 =	sand.u32 $0x1, s1  }
0x8c: {  	s17 =	sshll.u32 s0, $0xA;
	s2 =	sadd.s32 s3, s2  }
0x8d: {  	s2 =	sadd.s32 s2, s17  }
0x8e: {  	[smem:$0x3FBE] =	sst s2  }
0x8f: {  	_ = 	snop  }
0x90: {  	s2 =	sld [smem:$0x3FD0];
	(tm) =	ssettm $0x1  }
0x91: {  	s18 =	sld [smem:$0x3FFB];
	_ =	sdelay $0x3  }
0x92: {  	_ =	strace s18  }
0x93: {  	s3 =	sld [smem:$0x3FFC];
	_ =	sdelay $0x3  }
0x94: {  	_ =	strace s3  }
0x95: {  	s3 =	sld [smem:$0x3FFD];
	_ =	sdelay $0x3  }
0x96: {  	_ =	strace s3  }
0x97: {  	_ =	strace $0x8FFFFFFF  }
0x98: {  	s19 =	sld [smem:$0x3FDB];
	_ =	sdelay $0x1  }
0x99: {  	s4 =	simm.s32 $_scs_section_size  }
0x9a: {  	s5 =	simm.s32 $_size__tile_overlayer_lowered;
	s6 =	simm.s32 $_tile_overlayer_lowered  }
0x9b: {  	s22 =	simm.s32 $0x1BFF;
	s21 =	sshll.u32 s6, $0x1;
	s3 =	sadd.s32 s4, s19  }
0x9c: {  	s7 =	simm.s32 $0x0;
	s20 =	sshll.u32 s5, $0x1;
	s5 =	sadd.s32 s21, s3  }
0x9d: {  	[timem:s7], [sflag:s22] =	dma.local [hbm:s5], s20  }
0x9e: {  	_ =	swait.ge [sflag:s22], s20  }
0x9f: {  	s4 =	ssub.s32 $0x0, s20;
	[sflag:s22] =	ssyncset.done $0x0  }
0xa0: {  	[sflag:s22] =	ssyncadd.s32 s4;
	_ =	sdelay $0x1  }
0xa1: {  	s23 =	simm.s32 $0x1B8B  }
0xa2: {  	_ =	swait.ge [sflag:s23], $0x1  }
0xa3: {  	[sflag:s23] =	ssyncset.done $0x0  }
0xa4: {  	s25 =	simm.s32 $0x1B8E;
	s24 =	sld [smem:$0x3FFE];
	[sflag:s23] =	ssyncadd.s32 $0xFFFFFFFF  }
0xa5: {  	s26 =	simm.s32 $execute0_lowered;
	[smem:$0x3FD2] =	sst s25  }
0xa6: {  	s5 =	sshll.u32 s26, $0x1;
	_ =	strace $0x80000049;
	[dreg:$0x1] =	wrdreg $0xFFFFFFFF  }
0xa7: {  	s28 =	simm.s32 $_size_execute0_lowered;
	s3 =	sadd.s32 s3, s5;
	[dreg:$0x0] =	wrdreg $0x0  }
0xa8: {  	s5 =	sshll.u32 s28, $0x1;
	[dreg:$0x2] =	wrdreg s3  }
0xa9: {  	[dreg:$0x3] =	wrdreg s5  }
0xaa: {  	[dreg:$0x4] =	wrdreg $0xC0  }
0xab: {  	_ =	task [dreg:s7], $0x5FFFF  }
0xac: {  	[dreg:$0x1] =	wrdreg $0xFFFFFFFF  }
0xad: {  	[dreg:$0x0] =	wrdreg $0x60  }
0xae: {  	[dreg:$0x2] =	wrdreg s2  }
0xaf: {  	[dreg:$0x3] =	wrdreg s24  }
0xb0: {  	[dreg:$0x4] =	wrdreg $0xAD800  }
0xb1: {  	[dreg:$0x5] =	wrdreg $0x9  }
0xb2: {  	_ =	task.clear_ibuf [dreg:s7], $0x6FFFF;
	_ =	strace $0x90000049  }
0xb3: {  	s29 =	simm.s32 $0x9;
	_ =	strace $0x8000004B  }
0xb4: {  	_ =	swait.ge [sflag:s29], $0x1  }
0xb5: {  	[sflag:s29] =	ssyncadd.s32 $0xFFFFFFFF  }
0xb6: {  	_ =	strace $0x9000004B  }
0xb7: {  	_ =	sfence  }
0xb8: {  	s30 =	sld [smem:$0x0];
	_ =	sdelay $0x2  }
0xb9: {  	s31 =	sshll.u32 s1, $0xD;
	s1 =	sshrl.u32 s1, $0x2  }
0xba: {  	s3 =	sand.u32 $0x4000, s31;
	s1 =	sadd.s32 s1, s30  }
0xbb: {  	s0 =	sor.u32 s3, s0;
	s1 =	sshll.u32 s1, $0x11  }
0xbc: {  	s0 =	sor.u32 s1, s0  }
0xbd: {  	s0 =	sadd.s32 $0x8F2B, s0  }
0xbe: {  	[sflag:s0] =	ssyncadd.remote.s32 $0x1  }
0xbf: {  	_ =	sfence.sel $0xFFFF  }
0xc0: {  	[dreg:$0x0] =	wrdreg $0xFFFFFFFF;
	(pc) =	sbr.abs _section_cstart, $3  }
0xc1: {  	[dreg:$0x1] =	wrdreg $0xFFFFFFFF  }
0xc2: {  	_ =	task.clear_ibuf [dreg:s7], $0x2FFFF;
	_ =	strace $0x9FFFFFFF  }
0xc3: {  	(tm) =	ssettm $0x7FFFFFFF  }
tec
execute0_lowered:
.L_overlay_start_1:
0x0: {  	(tag) =	ssettag $0x1  }
0x1: {  	s1 =	rddreg [dreg:$0x0]  }
0x2: {  	s0 =	rddreg [dreg:$0x1]  }
0x3: {  	s2 =	rddreg [dreg:$0x2];
	s3 =	simm.s32 $0x0  }
0x4: {  	s4 =	srdreg.scid;
	s16 =	simm.s32 $0x2780;
	s17 =	simm.s32 $0x2980  }
0x5: {  	s18 =	simm.s32 $0x2880;
	s19 =	simm.s32 $0x2800;
	s20 =	simm.s32 $0x6980  }
0x6: {  	s21 =	simm.s32 $0x2900;
	s7 =	sand.u32 $0x1, s4;
	s4 =	stileid.u32  }
0x7: {  	s22 =	simm.s32 $0x1;
	s23 =	simm.s32 $0x3;
	s8 =	smul.u32 $0x270, s4  }
0x8: {  	s29 =	simm.s32 $0x0;
	[smem:$0x7FF] =	sst s3;
	s25 =	smul.u32 $0x4E, s4  }
0x9: {  	s11 =	sadd.s32 $0x2400, s0;
	s0 =	sadd.s32 $0xC200, s0;
	s26 =	smul.u32 $0x2710, s7  }
0xa: {  	_ =	strace $0x8000004A;
	s5 =	ssub.s32 $0x2, s7;
	s14 =	smul.u32 $0x27100, s7  }
0xb: {  	s13 =	smin.u32 s4, $0x2;
	p0 =	seq.s32 s4, $0x0;
	s15 =	smul.u32 $0x4E0, s4  }
0xc: {  	p2 =	slt.u32 s4, $0x2;
	p1 =	sne.s32 s4, $0x0;
	s6 =	sshrl.u32 s5, $0x1  }
0xd: {  	s12 =	ssub.s32 s5, s6;
	s8 =	sadd.s32 $0x10, s8;
	s5 =	sadd.s32 s13, s25  }
0xe: {  	s31 =	sadd.s32 s15, s11;
	s13 =	sshll.u32 s13, $0x4;
	s15 =	simm.s32 $0x80  }
0xf: {  	s25 =	simm.s32 $0x2;
	s9 =	sshll.u32 s8, $0x9;
	s28 =	sshll.u32 s5, $0x4  }
0x10: {  	v0 =	vmov s26;
	s5 =	simm.s32 $0x50;
	s8 =	sadd.s32 s26, s8;
	s26 =	simm.s32 $0x4  }
0x11: {  	s10 =	sshrl.u32 s9, $0x2;
	s6 =	sadd.s32 s11, s28;
	s5 =	simm.s32 @!p0 $0x4E  }
.Ltmp0:
0x12: {  	s9 =	simm.s32 @p0 $0x0;
	s30 =	sshll.u32 s8, $0x4;
	(pc) =	sbr.rel .LBB2_1-.Ltmp0, $4  }
0x13: {  	s11 =	smax.u32 s12, $0x1;
	s12 =	sadd.s32 s13, s31;
	p0 =	sgt.u32 s4, $0x1  }
0x14: {  	s13 =	simm.s32 $0xA980;
	s9 =	sshrl.u32 s9, $0x2;
	s8 =	sadd.s32 $0x5300, s6  }
0x15: {  	s24 =	sadd.s32 s10, s2;
	s10 =	sadd.s32 s0, s14;
	s14 =	simm.s32 $0x5  }
0x16: {  	v1 =	vimm.f32 $0.0e+00;
	s7 =	sadd.s32 s9, s2;
	s9 =	sadd.s32 s0, s30;
	s24 =	sshrl.u32 s24, $0x3  }
.LBB2_8:
0x17: {  	[bflag:$0x0] =	sbarrier.arrive $0xFFFF  }
.LBB2_9:
0x18: {  	s0 =	sshll.u32 s4, $0x6  }
0x19: {  	s0 =	sor.u32 $0x1C05, s0  }
0x1a: {  	[hbm:s9], [sflag:s0] =	dma.local [spmem:s24], $0x2700  }
0x1b: {  	_ =	swait.ge [sflag:s14], $0x2700  }
0x1c: {  	[sflag:s14] =	ssyncset.done $0x0  }
0x1d: {  	[sflag:s14] =	ssyncadd.s32 $0xFFFFD900  }
.LBB2_12:
0x1e: {  	s29 =	sadd.s32 $0x1, s29  }
0x1f: {  	p3 =	sne.s32 s29, s11  }
.Ltmp1:
0x20: {  	_ = 	snop;
	(pc) =	sbr.rel @!p3 .LBB2_13-.Ltmp1, $1  }
0x21: {  	_ =	sdelay $0x3  }
.LBB2_1:
0x22: {  	s0 =	simm.s32 @p0 $0x0  }
0x23: {  	[tilespmem:s0], [sflag:$0x5] =	stream.linear.gather @p0 [hbm4b:s6+s0], $0x2700, $0x38;
	[tilespmem:$0x1E600] =	vst v63  }
0x24: {  	s0 =	simm.s32 @p0 $0x5  }
0x25: {  	_ =	swait.ge @p0 [sflag:s0], $0x2700  }
0x26: {  	[sflag:s0] =	ssyncset.done @p0 $0x0  }
0x27: {  	[sflag:s0] =	ssyncadd.s32 @p0 $0xFFFFD900;
	s0 =	simm.s32 @!p0 $0x0  }
0x28: {  	[tilespmem:s0], [sflag:$0x5] =	stream.linear.gather @!p0 [hbm4b:s6+s0], $0x2780, $0x38;
	[tilespmem:$0x1E600] =	vst v63  }
0x29: {  	s0 =	simm.s32 @!p0 $0x5  }
0x2a: {  	_ =	swait.ge @!p0 [sflag:s0], $0x2780  }
0x2b: {  	[sflag:s0] =	ssyncset.done @!p0 $0x0  }
0x2c: {  	s30 =	simm.s32 $0x40;
	[sflag:s0] =	ssyncadd.s32 @!p0 $0xFFFFD880;
	s0 =	simm.s32 $0x0  }
.LBB2_2:
0x2d: {  	p3 =	sne.s32 s30, $0x9DC0;
	v2 =	vld [tilespmem:s0+$0x0];
	_ =	sdelay $0x1  }
.Ltmp2:
0x2e: {  	(pc) =	sbr.rel @p3 .LBB2_2-.Ltmp2, $3  }
0x2f: {  	_ =	sdelay $0x1  }
0x30: {  	v2 =	vadd.s32 v0, v2  }
0x31: {  	[tilespmem:s0+$0x0] =	vst v2;
	s0 =	sshra.s32 s30, $0x2;
	s30 =	sadd.s32 $0x40, s30  }
0x32: {  	v2 =	vld [tilespmem:s0+$0x0];
	_ =	sdelay $0x4  }
0x33: {  	v2 =	vadd.s32 v0, v2  }
0x34: {  	[tilespmem:s0+$0x0] =	vst v2  }
0x35: {  	[tilespmem:$0xA980] =	vst v1  }
0x36: {  	[tilespmem:$0xA990] =	vst v1  }
0x37: {  	[tilespmem:$0xA9A0] =	vst v1  }
0x38: {  	[tilespmem:$0xA9B0] =	vst v1  }
0x39: {  	[tilespmem:$0xA9C0] =	vst v1  }
0x3a: {  	[tilespmem:$0xA9D0] =	vst v1  }
0x3b: {  	[tilespmem:$0xA9E0] =	vst v1  }
0x3c: {  	[tilespmem:$0xA9F0] =	vst v1  }
0x3d: {  	[tilespmem:$0xAA00] =	vst v1  }
0x3e: {  	[tilespmem:$0xAA10] =	vst v1  }
0x3f: {  	[tilespmem:$0xAA20] =	vst v1  }
0x40: {  	[tilespmem:$0xAA30] =	vst v1  }
0x41: {  	[tilespmem:$0xAA40] =	vst v1  }
0x42: {  	[tilespmem:$0xAA50] =	vst v1  }
0x43: {  	[tilespmem:$0xAA60] =	vst v1  }
0x44: {  	[tilespmem:$0xAA70] =	vst v1  }
0x45: {  	[tilespmem:$0xAA80] =	vst v1  }
0x46: {  	[tilespmem:$0xAA90] =	vst v1  }
0x47: {  	[tilespmem:$0xAAA0] =	vst v1  }
0x48: {  	[tilespmem:$0xAAB0] =	vst v1  }
0x49: {  	[tilespmem:$0xAAC0] =	vst v1  }
0x4a: {  	[tilespmem:$0xAAD0] =	vst v1  }
0x4b: {  	[tilespmem:$0xAAE0] =	vst v1  }
0x4c: {  	[tilespmem:$0xAAF0] =	vst v1  }
0x4d: {  	[tilespmem:$0xAB00] =	vst v1  }
0x4e: {  	[tilespmem:$0xAB10] =	vst v1  }
0x4f: {  	[tilespmem:$0xAB20] =	vst v1  }
0x50: {  	[tilespmem:$0xAB30] =	vst v1  }
0x51: {  	[tilespmem:$0xAB40] =	vst v1  }
0x52: {  	[tilespmem:$0xAB50] =	vst v1  }
0x53: {  	[tilespmem:$0xAB60] =	vst v1  }
0x54: {  	[tilespmem:$0xAB70] =	vst v1  }
0x55: {  	[tilespmem:$0xAB80] =	vst v1  }
0x56: {  	[tilespmem:$0xAB90] =	vst v1  }
0x57: {  	[tilespmem:$0xABA0] =	vst v1  }
0x58: {  	[tilespmem:$0xABB0] =	vst v1  }
0x59: {  	[tilespmem:$0xABC0] =	vst v1  }
0x5a: {  	[tilespmem:$0xABD0] =	vst v1  }
0x5b: {  	[tilespmem:$0xABE0] =	vst v1  }
0x5c: {  	[tilespmem:$0xABF0] =	vst v1  }
0x5d: {  	[tilespmem:$0xAC00] =	vst v1  }
0x5e: {  	[tilespmem:$0xAC10] =	vst v1  }
0x5f: {  	[tilespmem:$0xAC20] =	vst v1  }
0x60: {  	[tilespmem:$0xAC30] =	vst v1  }
0x61: {  	[tilespmem:$0xAC40] =	vst v1  }
0x62: {  	[tilespmem:$0xAC50] =	vst v1  }
0x63: {  	[tilespmem:$0xAC60] =	vst v1  }
0x64: {  	[tilespmem:$0xAC70] =	vst v1  }
0x65: {  	[tilespmem:$0xAC80] =	vst v1  }
0x66: {  	[tilespmem:$0xAC90] =	vst v1  }
0x67: {  	[tilespmem:$0xACA0] =	vst v1  }
0x68: {  	[tilespmem:$0xACB0] =	vst v1  }
0x69: {  	[tilespmem:$0xACC0] =	vst v1  }
0x6a: {  	[tilespmem:$0xACD0] =	vst v1  }
0x6b: {  	[tilespmem:$0xACE0] =	vst v1  }
0x6c: {  	[tilespmem:$0xACF0] =	vst v1  }
0x6d: {  	[tilespmem:$0xAD00] =	vst v1  }
0x6e: {  	[tilespmem:$0xAD10] =	vst v1  }
0x6f: {  	[tilespmem:$0xAD20] =	vst v1  }
0x70: {  	[tilespmem:$0xAD30] =	vst v1  }
0x71: {  	[tilespmem:$0xAD40] =	vst v1  }
0x72: {  	p3 =	sne.s32 s5, $0x1;
	[tilespmem:$0xAD50] =	vst v1  }
.Ltmp3:
0x73: {  	[tilespmem:$0xAD60] =	vst v1;
	(pc) =	sbr.rel @!p3 .LBB2_5-.Ltmp3, $4  }
0x74: {  	[tilespmem:$0xAD70] =	vst v1  }
0x75: {  	[spmem:s7] =	stream.linear.scatter [tilespmem:s13], [sflag:$0x5], $0x400, $0x38;
	[tilespmem:$0x1E600] =	vst v63  }
0x76: {  	_ =	swait.ge [sflag:s14], $0x400  }
0x77: {  	s30 =	smov.u32 s7;
	s0 =	sadd.s32 $0xFFFFFFFF, s5;
	[sflag:s14] =	ssyncset.done $0x0  }
.LBB2_4:
0x78: {  	p3 =	sne.s32 s0, $0x1;
	[sflag:s14] =	ssyncadd.s32 $0xFFFFFC00;
	s30 =	sadd.s32 $0x400, s30  }
.Ltmp4:
0x79: {  	s0 =	sadd.s32 $0xFFFFFFFF, s0;
	(pc) =	sbr.rel @p3 .LBB2_4-.Ltmp4, $4  }
0x7a: {  	_ = 	snop  }
0x7b: {  	[spmem:s30] =	stream.linear.scatter [tilespmem:s13], [sflag:$0x5], $0x400, $0x38;
	[tilespmem:$0x1E600] =	vst v63  }
0x7c: {  	_ =	swait.ge [sflag:s14], $0x400  }
0x7d: {  	[sflag:s14] =	ssyncset.done $0x0  }
.LBB2_5:
0x7e: {  	[sflag:s14] =	ssyncadd.s32 $0xFFFFFC00  }
0x7f: {  	s30 =	simm.s32 $0x80;
	[bflag:$0x0] =	sbarrier.arrive $0xFFFF  }
0x80: {  	v2 =	vld [tilespmem:s30+$0xFFFFFF80];
	_ =	sdelay $0x4  }
0x81: {  	[tilespmem:$0x2780] =	vst v2  }
0x82: {  	v2 =	vld [tilespmem:s30+$0xFFFFFF90];
	_ =	sdelay $0x4  }
0x83: {  	[tilespmem:$0x2790] =	vst v2  }
0x84: {  	v2 =	vld [tilespmem:s30+$0xFFFFFFA0];
	_ =	sdelay $0x4  }
0x85: {  	[tilespmem:$0x27A0] =	vst v2  }
0x86: {  	v2 =	vld [tilespmem:s30+$0xFFFFFFB0];
	_ =	sdelay $0x4  }
0x87: {  	[tilespmem:$0x27B0] =	vst v2  }
0x88: {  	v2 =	vld [tilespmem:s30+$0xFFFFFFC0];
	_ =	sdelay $0x4  }
0x89: {  	[tilespmem:$0x27C0] =	vst v2  }
0x8a: {  	v2 =	vld [tilespmem:s30+$0xFFFFFFD0];
	_ =	sdelay $0x4  }
0x8b: {  	[tilespmem:$0x27D0] =	vst v2  }
0x8c: {  	v2 =	vld [tilespmem:s30+$0xFFFFFFE0];
	_ =	sdelay $0x4  }
0x8d: {  	[tilespmem:$0x27E0] =	vst v2  }
0x8e: {  	v2 =	vld [tilespmem:s30+$0xFFFFFFF0];
	_ =	sdelay $0x4  }
0x8f: {  	s0 =	sadd.s32 $0xFFFFFB20, s12;
	[tilespmem:$0x27F0] =	vst v2  }
0x90: {  	[tilespmem:s17], [sflag:$0x1] =	stream.indirect.gather [hbm4b:s1+s15], $0x80, s16, s15, $0xb8;
	[tilespmem:$0x1E600] =	vst v63  }
0x91: {  	s31 =	sadd.s32 $0x5300, s0  }
0x92: {  	[tilespmem:s18], [sflag:$0x3] =	stream.linear.gather [hbm4b:s31+s3], $0x80, $0x38;
	[tilespmem:$0x1E600] =	vst v63  }
0x93: {  	v2 =	vld [tilespmem:s30+$0x0];
	_ =	sdelay $0x4  }
0x94: {  	[tilespmem:$0x2800] =	vst v2  }
0x95: {  	v2 =	vld [tilespmem:s30+$0x10];
	_ =	sdelay $0x4  }
0x96: {  	[tilespmem:$0x2810] =	vst v2  }
0x97: {  	v2 =	vld [tilespmem:s30+$0x20];
	_ =	sdelay $0x4  }
0x98: {  	[tilespmem:$0x2820] =	vst v2  }
0x99: {  	v2 =	vld [tilespmem:s30+$0x30];
	_ =	sdelay $0x4  }
0x9a: {  	[tilespmem:$0x2830] =	vst v2  }
0x9b: {  	v2 =	vld [tilespmem:s30+$0x40];
	_ =	sdelay $0x4  }
0x9c: {  	[tilespmem:$0x2840] =	vst v2  }
0x9d: {  	v2 =	vld [tilespmem:s30+$0x50];
	_ =	sdelay $0x4  }
0x9e: {  	[tilespmem:$0x2850] =	vst v2  }
0x9f: {  	v2 =	vld [tilespmem:s30+$0x60];
	_ =	sdelay $0x4  }
0xa0: {  	[tilespmem:$0x2860] =	vst v2  }
0xa1: {  	v2 =	vld [tilespmem:s30+$0x70];
	_ =	sdelay $0x4  }
0xa2: {  	[tilespmem:$0x2870] =	vst v2  }
0xa3: {  	[tilespmem:s20], [sflag:$0x2] =	stream.indirect.gather [hbm4b:s1+s15], $0x80, s19, s15, $0xb8;
	[tilespmem:$0x1E600] =	vst v63  }
0xa4: {  	s0 =	sadd.s32 $0x5310, s0  }
0xa5: {  	[tilespmem:s21], [sflag:$0x4] =	stream.linear.gather [hbm4b:s0+s3], $0x80, $0x38;
	[tilespmem:$0x1E600] =	vst v63  }
0xa6: {  	_ =	swait.ge [sflag:s22], $0x4000  }
0xa7: {  	[sflag:s22] =	ssyncset.done $0x0  }
0xa8: {  	[sflag:s22] =	ssyncadd.s32 $0xFFFFC000  }
0xa9: {  	_ =	swait.ge [sflag:s23], $0x80  }
0xaa: {  	[sflag:s23] =	ssyncset.done $0x0  }
0xab: {  	[sflag:s23] =	ssyncadd.s32 $0xFFFFFF80  }
0xac: {  	[spmem:s2] =	stream.indirect.scatter.add.f32 [tilespmem:s17], [sflag:$0x5], $0x80, s18, s15, $0xb8;
	[tilespmem:$0x1E600] =	vst v63  }
0xad: {  	_ =	swait.ge [sflag:s14], $0x4000  }
0xae: {  	[sflag:s14] =	ssyncset.done $0x0  }
0xaf: {  	[sflag:s14] =	ssyncadd.s32 $0xFFFFC000  }
0xb0: {  	_ =	swait.ge [sflag:s25], $0x4000  }
0xb1: {  	[sflag:s25] =	ssyncset.done $0x0  }
0xb2: {  	[sflag:s25] =	ssyncadd.s32 $0xFFFFC000  }
0xb3: {  	_ =	swait.ge [sflag:s26], $0x80  }
0xb4: {  	[sflag:s26] =	ssyncset.done $0x0  }
0xb5: {  	[sflag:s26] =	ssyncadd.s32 $0xFFFFFF80  }
0xb6: {  	[spmem:s2] =	stream.indirect.scatter.add.f32 [tilespmem:s20], [sflag:$0x5], $0x80, s21, s15, $0xb8;
	[tilespmem:$0x1E600] =	vst v63  }
0xb7: {  	_ =	swait.ge [sflag:s14], $0x4000  }
0xb8: {  	s31 =	simm.s32 $0xFFFFFB40;
	[sflag:s14] =	ssyncset.done $0x0  }
.LBB2_6:
0xb9: {  	p3 =	sne.s32 s31, $0xFFFFFFE0;
	[sflag:s14] =	ssyncadd.s32 $0xFFFFC000;
	s30 =	sadd.s32 $0x100, s30  }
0xba: {  	s0 =	smov.u32 s31;
	s31 =	sadd.s32 $0x20, s31;
	v2 =	vld [tilespmem:s30+$0xFFFFFF80];
	_ =	sdelay $0x4  }
0xbb: {  	[tilespmem:$0x2780] =	vst v2  }
0xbc: {  	v2 =	vld [tilespmem:s30+$0xFFFFFF90];
	_ =	sdelay $0x4  }
0xbd: {  	[tilespmem:$0x2790] =	vst v2  }
0xbe: {  	v2 =	vld [tilespmem:s30+$0xFFFFFFA0];
	_ =	sdelay $0x4  }
0xbf: {  	[tilespmem:$0x27A0] =	vst v2  }
0xc0: {  	v2 =	vld [tilespmem:s30+$0xFFFFFFB0];
	_ =	sdelay $0x4  }
0xc1: {  	[tilespmem:$0x27B0] =	vst v2  }
0xc2: {  	v2 =	vld [tilespmem:s30+$0xFFFFFFC0];
	_ =	sdelay $0x4  }
0xc3: {  	[tilespmem:$0x27C0] =	vst v2  }
0xc4: {  	v2 =	vld [tilespmem:s30+$0xFFFFFFD0];
	_ =	sdelay $0x4  }
0xc5: {  	[tilespmem:$0x27D0] =	vst v2  }
0xc6: {  	v2 =	vld [tilespmem:s30+$0xFFFFFFE0];
	_ =	sdelay $0x4  }
0xc7: {  	[tilespmem:$0x27E0] =	vst v2  }
0xc8: {  	v2 =	vld [tilespmem:s30+$0xFFFFFFF0];
	_ =	sdelay $0x4  }
0xc9: {  	s0 =	sadd.s32 s0, s12;
	[tilespmem:$0x27F0] =	vst v2  }
0xca: {  	[tilespmem:s17], [sflag:$0x1] =	stream.indirect.gather [hbm4b:s1+s15], $0x80, s16, s15, $0xb8;
	[tilespmem:$0x1E600] =	vst v63  }
0xcb: {  	s28 =	sadd.s32 $0x5300, s0  }
0xcc: {  	[tilespmem:s18], [sflag:$0x3] =	stream.linear.gather [hbm4b:s28+s3], $0x80, $0x38;
	[tilespmem:$0x1E600] =	vst v63  }
0xcd: {  	v2 =	vld [tilespmem:s30+$0x0];
	_ =	sdelay $0x4  }
0xce: {  	[tilespmem:$0x2800] =	vst v2  }
0xcf: {  	v2 =	vld [tilespmem:s30+$0x10];
	_ =	sdelay $0x4  }
0xd0: {  	[tilespmem:$0x2810] =	vst v2  }
0xd1: {  	v2 =	vld [tilespmem:s30+$0x20];
	_ =	sdelay $0x4  }
0xd2: {  	[tilespmem:$0x2820] =	vst v2  }
0xd3: {  	v2 =	vld [tilespmem:s30+$0x30];
	_ =	sdelay $0x4  }
0xd4: {  	[tilespmem:$0x2830] =	vst v2  }
0xd5: {  	v2 =	vld [tilespmem:s30+$0x40];
	_ =	sdelay $0x4  }
0xd6: {  	[tilespmem:$0x2840] =	vst v2  }
0xd7: {  	v2 =	vld [tilespmem:s30+$0x50];
	_ =	sdelay $0x4  }
0xd8: {  	[tilespmem:$0x2850] =	vst v2  }
0xd9: {  	v2 =	vld [tilespmem:s30+$0x60];
	_ =	sdelay $0x4  }
0xda: {  	[tilespmem:$0x2860] =	vst v2  }
0xdb: {  	v2 =	vld [tilespmem:s30+$0x70];
	_ =	sdelay $0x4  }
0xdc: {  	[tilespmem:$0x2870] =	vst v2  }
0xdd: {  	[tilespmem:s20], [sflag:$0x2] =	stream.indirect.gather [hbm4b:s1+s15], $0x80, s19, s15, $0xb8;
	[tilespmem:$0x1E600] =	vst v63  }
0xde: {  	s0 =	sadd.s32 $0x5310, s0  }
0xdf: {  	[tilespmem:s21], [sflag:$0x4] =	stream.linear.gather [hbm4b:s0+s3], $0x80, $0x38;
	[tilespmem:$0x1E600] =	vst v63  }
0xe0: {  	_ =	swait.ge [sflag:s22], $0x4000  }
0xe1: {  	[sflag:s22] =	ssyncset.done $0x0  }
0xe2: {  	[sflag:s22] =	ssyncadd.s32 $0xFFFFC000  }
0xe3: {  	_ =	swait.ge [sflag:s23], $0x80  }
0xe4: {  	[sflag:s23] =	ssyncset.done $0x0  }
0xe5: {  	[sflag:s23] =	ssyncadd.s32 $0xFFFFFF80  }
0xe6: {  	[spmem:s2] =	stream.indirect.scatter.add.f32 [tilespmem:s17], [sflag:$0x5], $0x80, s18, s15, $0xb8;
	[tilespmem:$0x1E600] =	vst v63  }
0xe7: {  	_ =	swait.ge [sflag:s14], $0x4000  }
0xe8: {  	[sflag:s14] =	ssyncset.done $0x0  }
0xe9: {  	[sflag:s14] =	ssyncadd.s32 $0xFFFFC000  }
0xea: {  	_ =	swait.ge [sflag:s25], $0x4000  }
0xeb: {  	[sflag:s25] =	ssyncset.done $0x0  }
0xec: {  	[sflag:s25] =	ssyncadd.s32 $0xFFFFC000  }
0xed: {  	_ =	swait.ge [sflag:s26], $0x80  }
.Ltmp5:
0xee: {  	[sflag:s26] =	ssyncset.done $0x0;
	(pc) =	sbr.rel @p3 .LBB2_6-.Ltmp5, $4  }
0xef: {  	[sflag:s26] =	ssyncadd.s32 $0xFFFFFF80  }
0xf0: {  	[spmem:s2] =	stream.indirect.scatter.add.f32 [tilespmem:s20], [sflag:$0x5], $0x80, s21, s15, $0xb8;
	[tilespmem:$0x1E600] =	vst v63  }
0xf1: {  	_ =	swait.ge [sflag:s14], $0x4000  }
0xf2: {  	[sflag:s14] =	ssyncset.done $0x0  }
.Ltmp6:
0xf3: {  	(pc) =	sbr.rel @!p2 .LBB2_8-.Ltmp6, $2  }
0xf4: {  	_ =	sdelay $0x2  }
0xf5: {  	[sflag:s14] =	ssyncadd.s32 $0xFFFFC000  }
0xf6: {  	v2 =	vld [tilespmem:$0x2700]  }
0xf7: {  	v3 =	vld [tilespmem:$0x2710]  }
0xf8: {  	v4 =	vld [tilespmem:$0x2720]  }
0xf9: {  	v5 =	vld [tilespmem:$0x2730]  }
0xfa: {  	v6 =	vld [tilespmem:$0x2740]  }
0xfb: {  	v63 =	vld [tilespmem:$0x2770];
	[tilespmem:$0x2780] =	vst v2  }
0xfc: {  	v2 =	vld [tilespmem:$0x2750];
	[tilespmem:$0x2790] =	vst v3  }
0xfd: {  	v3 =	vld [tilespmem:$0x2760];
	[tilespmem:$0x27A0] =	vst v4  }
0xfe: {  	[tilespmem:$0x27B0] =	vst v5  }
0xff: {  	[tilespmem:$0x27C0] =	vst v6  }
0x100: {  	[tilespmem:$0x27F0] =	vst v63  }
0x101: {  	[tilespmem:$0x27D0] =	vst v2  }
0x102: {  	[tilespmem:$0x27E0] =	vst v3  }
0x103: {  	[tilespmem:s17], [sflag:$0x1] =	stream.indirect.gather [hbm4b:s1+s15], $0x80, s16, s15, $0xb8;
	[tilespmem:$0x1E600] =	vst v63  }
0x104: {  	_ = 	snop  }
0x105: {  	[tilespmem:s18], [sflag:$0x3] =	stream.linear.gather [hbm4b:s8+s3], $0x80, $0x38;
	[tilespmem:$0x1E600] =	vst v63  }
0x106: {  	_ =	swait.ge [sflag:s22], $0x4000  }
0x107: {  	[sflag:s22] =	ssyncset.done $0x0  }
0x108: {  	[sflag:s22] =	ssyncadd.s32 $0xFFFFC000  }
0x109: {  	_ =	swait.ge [sflag:s23], $0x80  }
0x10a: {  	[sflag:s23] =	ssyncset.done $0x0  }
0x10b: {  	[sflag:s23] =	ssyncadd.s32 $0xFFFFFF80  }
0x10c: {  	[spmem:s2] =	stream.indirect.scatter.add.f32 [tilespmem:s17], [sflag:$0x5], $0x80, s18, s15, $0xb8;
	[tilespmem:$0x1E600] =	vst v63  }
.Ltmp7:
0x10d: {  	_ =	swait.ge [sflag:s14], $0x4000;
	(pc) =	sbr.rel @p1 .LBB2_9-.Ltmp7, $3  }
0x10e: {  	[sflag:s14] =	ssyncset.done $0x0  }
0x10f: {  	[sflag:s14] =	ssyncadd.s32 $0xFFFFC000  }
0x110: {  	[bflag:$0x0] =	sbarrier.arrive $0xFFFF;
	_ =	sdelay $0x1  }
.Ltmp8:
0x111: {  	s0 =	sshrl.u32 s2, $0x3;
	s28 =	simm.s32 $0x1C05;
	(pc) =	sbr.rel .LBB2_12-.Ltmp8, $4  }
0x112: {  	[hbm:s10], [sflag:s28] =	dma.local [spmem:s0], $0x2800  }
0x113: {  	_ =	swait.ge [sflag:s14], $0x2800  }
0x114: {  	[sflag:s14] =	ssyncset.done $0x0  }
0x115: {  	[sflag:s14] =	ssyncadd.s32 $0xFFFFD800  }
.LBB2_13:
0x116: {  	_ =	sfence.sel $0x180000  }
0x117: {  	[bflag:$0x0] =	sbarrier.arrive $0xFFFF  }
0x118: {  	_ =	strace $0x9000004A  }
0x119: {  	[bflag:$0x2] =	sbarrier.arrive $0xFFFF  }
0x11a: {  	s0 =	rddreg [dreg:$0x3]  }
0x11b: {  	s0 =	sadd.s32 @!p1 $0x100000, s0  }
0x11c: {  	[sflag:s0] =	ssyncadd.tile.s32 @!p1 $0x1;
	_ =	shalt  }
.Lfunc_end2:
_tile_overlayer_lowered:
.L_overlay_start_2:
0x11d: {  	(tag) =	ssettag $0x2  }
0x11e: {  	s0 =	rddreg [dreg:$0x0];
	s2 =	stileid.u32  }
0x11f: {  	s1 =	rddreg [dreg:$0x1];
	p0 =	sne.s32 s2, $0x0  }
0x120: {  	s3 =	rddreg [dreg:$0x2];
	[bflag:$0x3] =	sbarrier.arrive $0xFFFF;
	s2 =	simm.s32 @!p0 $0x1C05  }
0x121: {  	[timem:s3], [sflag:s2] =	dma.local @!p0 [hbm:s0], s1  }
0x122: {  	s0 =	simm.s32 @!p0 $0x5  }
0x123: {  	_ =	swait.ge @!p0 [sflag:s0], s1  }
0x124: {  	s1 =	ssub.s32 @!p0 $0x0, s1;
	[sflag:s0] =	ssyncset.done @!p0 $0x0  }
0x125: {  	[sflag:s0] =	ssyncadd.s32 @!p0 s1  }
0x126: {  	[bflag:$0x3] =	sbarrier.arrive $0xFFFF  }
0x127: {  	_ =	shalt  }

// kernel: kernel.14.cloned.1.call-start
scs
__scs_entry_jumppad:
0x0: {  	(pc) =	sbr.rel $0x88, $3  }
0x1: {  	(tag) =	ssettag $0x0;
	lr =	simm.s32 $0x1  }
0x2: {  	[smem:$0x3F97] =	sst lr;
	_ =	strace $0xD0000000  }
0x3: {  	_ = 	snop  }
0x4: {  	_ = 	snop  }
0x5: {  	_ = 	snop  }
0x6: {  	_ = 	snop  }
0x7: {  	_ = 	snop  }
__scs_overlays_trampoline_lowered:
0x8: {  	[smem:$0x3FA6] =	sst s0  }
0x9: {  	[smem:$0x3FA7] =	sst s1  }
0xa: {  	[smem:$0x3FA8] =	sst s2  }
0xb: {  	[smem:$0x3FA9] =	sst s3  }
0xc: {  	[smem:$0x3FAA] =	sst s4  }
0xd: {  	[smem:$0x3FAB] =	sst s5  }
0xe: {  	[smem:$0x3FAC] =	sst s6  }
0xf: {  	[smem:$0x3FAD] =	sst s7  }
0x10: {  	[smem:$0x3FAE] =	sst s8  }
0x11: {  	[smem:$0x3FAF] =	sst s9;
	s0 =	simm.s32 @!p0 $0x0  }
0x12: {  	s1 =	sld [smem:$0x3F95];
	s0 =	simm.s32 @p0 $0x1  }
0x13: {  	[smem:$0x3FB0] =	sst s0;
	s0 =	simm.s32 @!p1 $0x0  }
0x14: {  	s2 =	sld [smem:$0x3F94];
	s0 =	simm.s32 @p1 $0x1  }
0x15: {  	[smem:$0x3FB1] =	sst s0;
	s0 =	simm.s32 @!p2 $0x0  }
0x16: {  	s3 =	sld [smem:$0x3FDB];
	s0 =	simm.s32 @p2 $0x1  }
0x17: {  	s4 =	simm.s32 $0x1BF5;
	[smem:$0x3FB3] =	sst s0  }
0x18: {  	s0 =	sld [smem:$0x3F96];
	_ =	swait.ge [sflag:s4], $0x0  }
0x19: {  	s7 =	sld [smem:$0x3F97]  }
0x1a: {  	s8 =	sadd.s32 $0xFFFFE003, lr  }
0x1b: {  	s9 =	sadd.s32 $0xFFFFFEF7, lr;
	s5 =	simm.s32 $0xFFFFFFFF;
	p2 =	slt.u32 s8, $0xFFFFF086  }
0x1c: {  	p1 =	slt.u32 s9, $0xF7A;
	s5 =	simm.s32 @!p2 $0x0  }
0x1d: {  	s5 =	simm.s32 @p1 $0x1;
	p0 =	seq.s32 s7, s2  }
0x1e: {  	s7 =	smul.u32 @!p0 $0xF7A, s2;
	p2 =	seq.s32 @!p0 s5, $0x0  }
0x1f: {  	s9 =	smul.u32 $0xF7A, s1;
	s8 =	simm.s32 @!p0 $0x1BF5;
	p2 =	por !p2, p0  }
0x20: {  	[sflag:s8] =	ssyncset.s32 @!p0 $0xFFFFF086;
	s6 =	sadd.s32 @!p0 s3, s7;
	s7 =	simm.s32 @!p0 $0x108  }
0x21: {  	s3 =	sadd.s32 s3, s9;
	s6 =	sadd.s32 @!p0 $0x88, s6;
	s7 =	simm.s32 @p2 $0x1082  }
0x22: {  	[simem:s7], [sflag:s8] =	dma.local @!p0 [hbm:s6], $0xF7A  }
0x23: {  	s9 =	sor.u32 $0xD0000000, s2;
	s6 =	simm.s32 $0x108;
	_ =	swait.ge @!p0 [sflag:s8], $0x0  }
0x24: {  	s3 =	sadd.s32 $0x88, s3;
	s6 =	simm.s32 @!p1 $0x1082;
	[sflag:s4] =	ssyncset.s32 $0xFFFFF086  }
0x25: {  	[simem:s6], [sflag:s4] =	dma.local [hbm:s3], $0xF7A  }
0x26: {  	[smem:$0x3F97] =	sst s1;
	(tag) =	ssettag s2;
	_ =	strace s9  }
0x27: {  	s1 =	sld [smem:$0x3FA7]  }
0x28: {  	s2 =	sld [smem:$0x3FA8]  }
0x29: {  	s4 =	sld [smem:$0x3FAA]  }
0x2a: {  	p0 =	seq.s32 s5, $0x0;
	s5 =	sld [smem:$0x3FAB]  }
0x2b: {  	s6 =	sld [smem:$0x3FAC]  }
0x2c: {  	s7 =	sld [smem:$0x3FAD]  }
0x2d: {  	s3 =	simm.s32 $0x108;
	s8 =	sld [smem:$0x3FAE]  }
0x2e: {  	s3 =	simm.s32 @!p0 $0x1082;
	s9 =	sld [smem:$0x3FAF]  }
0x2f: {  	lr =	sadd.s32 s0, s3;
	s0 =	sld [smem:$0x3FA6]  }
0x30: {  	s3 =	sld [smem:$0x3FA9]  }
0x31: {  	[smem:$0x3FB2] =	sst s10  }
0x32: {  	s10 =	sld [smem:$0x3FB0];
	_ =	sdelay $0x3  }
0x33: {  	p0 =	seq.s32 s10, $0x1;
	s10 =	sld [smem:$0x3FB2];
	_ =	sdelay $0x3  }
0x34: {  	[smem:$0x3FB2] =	sst s10  }
0x35: {  	s10 =	sld [smem:$0x3FB1];
	_ =	sdelay $0x3  }
0x36: {  	p1 =	seq.s32 s10, $0x1;
	s10 =	sld [smem:$0x3FB2];
	_ =	sdelay $0x3  }
0x37: {  	[smem:$0x3FB2] =	sst s10  }
0x38: {  	s10 =	sld [smem:$0x3FB3]  }
0x39: {  	_ = 	snop;
	(pc) =	sbr.ind lr, $3  }
0x3a: {  	_ = 	snop  }
0x3b: {  	_ = 	snop  }
0x3c: {  	p2 =	seq.s32 s10, $0x1;
	s10 =	sld [smem:$0x3FB2]  }
0x3d: {  	_ =	shalt  }
0x3e: {  	_ =	shalt  }
0x3f: {  	_ =	shalt  }
0x40: {  	_ =	shalt  }
0x41: {  	_ =	shalt  }
0x42: {  	_ =	shalt  }
0x43: {  	_ =	shalt  }
0x44: {  	_ =	shalt  }
0x45: {  	_ =	shalt  }
0x46: {  	_ =	shalt  }
0x47: {  	_ =	shalt  }
0x48: {  	_ =	shalt  }
0x49: {  	_ =	shalt  }
0x4a: {  	_ =	shalt  }
0x4b: {  	_ =	shalt  }
0x4c: {  	_ =	shalt  }
0x4d: {  	_ =	shalt  }
0x4e: {  	_ =	shalt  }
0x4f: {  	_ =	shalt  }
0x50: {  	_ =	shalt  }
0x51: {  	_ =	shalt  }
0x52: {  	_ =	shalt  }
0x53: {  	_ =	shalt  }
0x54: {  	_ =	shalt  }
0x55: {  	_ =	shalt  }
0x56: {  	_ =	shalt  }
0x57: {  	_ =	shalt  }
0x58: {  	_ =	shalt  }
0x59: {  	_ =	shalt  }
0x5a: {  	_ =	shalt  }
0x5b: {  	_ =	shalt  }
0x5c: {  	_ =	shalt  }
0x5d: {  	_ =	shalt  }
0x5e: {  	_ =	shalt  }
0x5f: {  	_ =	shalt  }
0x60: {  	_ =	shalt  }
0x61: {  	_ =	shalt  }
0x62: {  	_ =	shalt  }
0x63: {  	_ =	shalt  }
0x64: {  	_ =	shalt  }
0x65: {  	_ =	shalt  }
0x66: {  	_ =	shalt  }
0x67: {  	_ =	shalt  }
0x68: {  	_ =	shalt  }
0x69: {  	_ =	shalt  }
0x6a: {  	_ =	shalt  }
0x6b: {  	_ =	shalt  }
0x6c: {  	_ =	shalt  }
0x6d: {  	_ =	shalt  }
0x6e: {  	_ =	shalt  }
0x6f: {  	_ =	shalt  }
0x70: {  	_ =	shalt  }
0x71: {  	_ =	shalt  }
0x72: {  	_ =	shalt  }
0x73: {  	_ =	shalt  }
0x74: {  	_ =	shalt  }
0x75: {  	_ =	shalt  }
0x76: {  	_ =	shalt  }
0x77: {  	_ =	shalt  }
0x78: {  	_ =	shalt  }
0x79: {  	_ =	shalt  }
0x7a: {  	_ =	shalt  }
0x7b: {  	_ =	shalt  }
0x7c: {  	_ =	shalt  }
0x7d: {  	_ =	shalt  }
0x7e: {  	_ =	shalt  }
0x7f: {  	_ =	shalt  }
0x80: {  	_ =	shalt  }
0x81: {  	_ =	shalt  }
0x82: {  	_ =	shalt  }
0x83: {  	_ =	shalt  }
0x84: {  	_ =	shalt  }
0x85: {  	_ =	shalt  }
0x86: {  	_ =	shalt  }
0x87: {  	_ =	shalt  }
.Lfunc_end0:
.L_simem_size_0:
called_computation.2_lowered:
.L_overlay_start_0:
0x88: {  	s2 =	sld [smem:$0x3FD9]  }
0x89: {  	s3 =	sld [smem:$0x3FFE];
	_ =	sdelay $0x1  }
0x8a: {  	s1 =	srdreg.scid  }
0x8b: {  	s0 =	sand.u32 $0x1, s1  }
0x8c: {  	s17 =	sshll.u32 s0, $0xA;
	s2 =	sadd.s32 s3, s2  }
0x8d: {  	s2 =	sadd.s32 s2, s17  }
0x8e: {  	[smem:$0x3FBE] =	sst s2  }
0x8f: {  	_ = 	snop  }
0x90: {  	s2 =	sld [smem:$0x3FD0];
	(tm) =	ssettm $0x1  }
0x91: {  	s18 =	sld [smem:$0x3FFB];
	_ =	sdelay $0x3  }
0x92: {  	_ =	strace s18  }
0x93: {  	s3 =	sld [smem:$0x3FFC];
	_ =	sdelay $0x3  }
0x94: {  	_ =	strace s3  }
0x95: {  	s3 =	sld [smem:$0x3FFD];
	_ =	sdelay $0x3  }
0x96: {  	_ =	strace s3  }
0x97: {  	_ =	strace $0x8FFFFFFF  }
0x98: {  	s19 =	sld [smem:$0x3FDB];
	_ =	sdelay $0x1  }
0x99: {  	s4 =	simm.s32 $_scs_section_size  }
0x9a: {  	s5 =	simm.s32 $_size__tile_overlayer_lowered;
	s6 =	simm.s32 $_tile_overlayer_lowered  }
0x9b: {  	s22 =	simm.s32 $0x1BFF;
	s21 =	sshll.u32 s6, $0x1;
	s3 =	sadd.s32 s4, s19  }
0x9c: {  	s7 =	simm.s32 $0x0;
	s20 =	sshll.u32 s5, $0x1;
	s5 =	sadd.s32 s21, s3  }
0x9d: {  	[timem:s7], [sflag:s22] =	dma.local [hbm:s5], s20  }
0x9e: {  	_ =	swait.ge [sflag:s22], s20  }
0x9f: {  	s4 =	ssub.s32 $0x0, s20;
	[sflag:s22] =	ssyncset.done $0x0  }
0xa0: {  	[sflag:s22] =	ssyncadd.s32 s4;
	_ =	sdelay $0x1  }
0xa1: {  	s23 =	simm.s32 $0x1B8B  }
0xa2: {  	_ =	swait.ge [sflag:s23], $0x1  }
0xa3: {  	[sflag:s23] =	ssyncset.done $0x0  }
0xa4: {  	s25 =	simm.s32 $0x1B8E;
	s24 =	sld [smem:$0x3FFE];
	[sflag:s23] =	ssyncadd.s32 $0xFFFFFFFF  }
0xa5: {  	s26 =	simm.s32 $execute0_lowered;
	[smem:$0x3FD2] =	sst s25  }
0xa6: {  	s5 =	sshll.u32 s26, $0x1;
	_ =	strace $0x8000004C;
	[dreg:$0x1] =	wrdreg $0xFFFFFFFF  }
0xa7: {  	s28 =	simm.s32 $_size_execute0_lowered;
	s3 =	sadd.s32 s3, s5;
	[dreg:$0x0] =	wrdreg $0x0  }
0xa8: {  	s5 =	sshll.u32 s28, $0x1;
	[dreg:$0x2] =	wrdreg s3  }
0xa9: {  	[dreg:$0x3] =	wrdreg s5  }
0xaa: {  	[dreg:$0x4] =	wrdreg $0xC0  }
0xab: {  	_ =	task [dreg:s7], $0x5FFFF  }
0xac: {  	[dreg:$0x1] =	wrdreg $0xFFFFFFFF  }
0xad: {  	[dreg:$0x0] =	wrdreg $0x60  }
0xae: {  	[dreg:$0x2] =	wrdreg s24  }
0xaf: {  	[dreg:$0x3] =	wrdreg s2  }
0xb0: {  	[dreg:$0x4] =	wrdreg $0xAD800  }
0xb1: {  	[dreg:$0x5] =	wrdreg $0x9  }
0xb2: {  	_ =	task.clear_ibuf [dreg:s7], $0x6FFFF;
	_ =	strace $0x9000004C  }
0xb3: {  	s29 =	simm.s32 $0x9;
	_ =	strace $0x8000004E  }
0xb4: {  	_ =	swait.ge [sflag:s29], $0x1  }
0xb5: {  	[sflag:s29] =	ssyncadd.s32 $0xFFFFFFFF  }
0xb6: {  	_ =	strace $0x9000004E  }
0xb7: {  	_ =	sfence  }
0xb8: {  	s30 =	sld [smem:$0x0];
	_ =	sdelay $0x2  }
0xb9: {  	s31 =	sshll.u32 s1, $0xD;
	s1 =	sshrl.u32 s1, $0x2  }
0xba: {  	s3 =	sand.u32 $0x4000, s31;
	s1 =	sadd.s32 s1, s30  }
0xbb: {  	s0 =	sor.u32 s3, s0;
	s1 =	sshll.u32 s1, $0x11  }
0xbc: {  	s0 =	sor.u32 s1, s0  }
0xbd: {  	s0 =	sadd.s32 $0x8F2B, s0  }
0xbe: {  	[sflag:s0] =	ssyncadd.remote.s32 $0x1  }
0xbf: {  	_ =	sfence.sel $0xFFFF  }
0xc0: {  	[dreg:$0x0] =	wrdreg $0xFFFFFFFF;
	(pc) =	sbr.abs _section_cstart, $3  }
0xc1: {  	[dreg:$0x1] =	wrdreg $0xFFFFFFFF  }
0xc2: {  	_ =	task.clear_ibuf [dreg:s7], $0x2FFFF;
	_ =	strace $0x9FFFFFFF  }
0xc3: {  	(tm) =	ssettm $0x7FFFFFFF  }
tec
execute0_lowered:
.L_overlay_start_1:
0x0: {  	(tag) =	ssettag $0x1  }
0x1: {  	s0 =	rddreg [dreg:$0x0]  }
0x2: {  	s10 =	rddreg [dreg:$0x1]  }
0x3: {  	s1 =	rddreg [dreg:$0x2];
	s2 =	simm.s32 $0x0  }
0x4: {  	s3 =	srdreg.scid;
	s16 =	simm.s32 $0x2780;
	s17 =	simm.s32 $0x2980  }
0x5: {  	s18 =	simm.s32 $0x2880;
	s19 =	simm.s32 $0x2800;
	s20 =	simm.s32 $0x6980  }
0x6: {  	s21 =	simm.s32 $0x2900;
	s22 =	simm.s32 $0x1;
	s23 =	simm.s32 $0x3  }
0x7: {  	s25 =	simm.s32 $0x2;
	s7 =	sand.u32 $0x1, s3;
	s3 =	stileid.u32  }
0x8: {  	s29 =	simm.s32 $0x0;
	[smem:$0x7FF] =	sst s2;
	s8 =	smul.u32 $0x270, s3  }
0x9: {  	s4 =	sadd.s32 $0xC200, s0;
	s0 =	sadd.s32 $0x2400, s0;
	s28 =	smul.u32 $0x4E, s3  }
0xa: {  	_ =	strace $0x8000004D;
	s5 =	ssub.s32 $0x2, s7;
	s26 =	smul.u32 $0x2710, s7  }
0xb: {  	s12 =	smin.u32 s3, $0x2;
	p0 =	seq.s32 s3, $0x0;
	s14 =	smul.u32 $0x27100, s7  }
0xc: {  	s15 =	smul.u32 $0x4E0, s3;
	p2 =	slt.u32 s3, $0x2;
	s6 =	sshrl.u32 s5, $0x1  }
0xd: {  	p1 =	sne.s32 s3, $0x0;
	s11 =	ssub.s32 s5, s6;
	s8 =	sadd.s32 $0x10, s8  }
0xe: {  	s5 =	sadd.s32 s12, s28;
	s12 =	sshll.u32 s12, $0x4;
	s9 =	sshll.u32 s8, $0x9  }
0xf: {  	s30 =	sshll.u32 s5, $0x4;
	s5 =	simm.s32 $0x50;
	s8 =	sadd.s32 s26, s8  }
0x10: {  	v0 =	vmov s26;
	s11 =	smax.u32 s11, $0x1;
	s26 =	simm.s32 $0x4;
	s13 =	sshrl.u32 s9, $0x2  }
0x11: {  	s6 =	sadd.s32 s0, s30;
	s5 =	simm.s32 @!p0 $0x4E;
	s9 =	simm.s32 @p0 $0x0  }
.Ltmp0:
0x12: {  	s31 =	sshll.u32 s8, $0x4;
	s0 =	sadd.s32 s15, s0;
	(pc) =	sbr.rel .LBB2_1-.Ltmp0, $4  }
0x13: {  	p0 =	sgt.u32 s3, $0x1;
	s15 =	simm.s32 $0x80;
	s9 =	sshrl.u32 s9, $0x2  }
0x14: {  	s8 =	sadd.s32 $0x5300, s6;
	s24 =	sadd.s32 s13, s1;
	s12 =	sadd.s32 s12, s0  }
0x15: {  	s13 =	simm.s32 $0xA980;
	s7 =	sadd.s32 s9, s1;
	s9 =	sadd.s32 s10, s31  }
0x16: {  	v1 =	vimm.f32 $0.0e+00;
	s10 =	sadd.s32 s10, s14;
	s14 =	simm.s32 $0x5;
	s24 =	sshrl.u32 s24, $0x3  }
.LBB2_8:
0x17: {  	[bflag:$0x0] =	sbarrier.arrive $0xFFFF  }
.LBB2_9:
0x18: {  	s0 =	sshll.u32 s3, $0x6  }
0x19: {  	s0 =	sor.u32 $0x1C05, s0  }
0x1a: {  	[hbm:s9], [sflag:s0] =	dma.local [spmem:s24], $0x2700  }
0x1b: {  	_ =	swait.ge [sflag:s14], $0x2700  }
0x1c: {  	[sflag:s14] =	ssyncset.done $0x0  }
0x1d: {  	[sflag:s14] =	ssyncadd.s32 $0xFFFFD900  }
.LBB2_12:
0x1e: {  	s29 =	sadd.s32 $0x1, s29  }
0x1f: {  	p3 =	sne.s32 s29, s11  }
.Ltmp1:
0x20: {  	_ = 	snop;
	(pc) =	sbr.rel @!p3 .LBB2_13-.Ltmp1, $1  }
0x21: {  	_ =	sdelay $0x3  }
.LBB2_1:
0x22: {  	s0 =	simm.s32 @p0 $0x0  }
0x23: {  	[tilespmem:s0], [sflag:$0x5] =	stream.linear.gather @p0 [hbm4b:s6+s0], $0x2700, $0x38;
	[tilespmem:$0x1E600] =	vst v63  }
0x24: {  	s0 =	simm.s32 @p0 $0x5  }
0x25: {  	_ =	swait.ge @p0 [sflag:s0], $0x2700  }
0x26: {  	[sflag:s0] =	ssyncset.done @p0 $0x0  }
0x27: {  	[sflag:s0] =	ssyncadd.s32 @p0 $0xFFFFD900;
	s0 =	simm.s32 @!p0 $0x0  }
0x28: {  	[tilespmem:s0], [sflag:$0x5] =	stream.linear.gather @!p0 [hbm4b:s6+s0], $0x2780, $0x38;
	[tilespmem:$0x1E600] =	vst v63  }
0x29: {  	s0 =	simm.s32 @!p0 $0x5  }
0x2a: {  	_ =	swait.ge @!p0 [sflag:s0], $0x2780  }
0x2b: {  	[sflag:s0] =	ssyncset.done @!p0 $0x0  }
0x2c: {  	s30 =	simm.s32 $0x40;
	[sflag:s0] =	ssyncadd.s32 @!p0 $0xFFFFD880;
	s0 =	simm.s32 $0x0  }
.LBB2_2:
0x2d: {  	p3 =	sne.s32 s30, $0x9DC0;
	v2 =	vld [tilespmem:s0+$0x0];
	_ =	sdelay $0x1  }
.Ltmp2:
0x2e: {  	(pc) =	sbr.rel @p3 .LBB2_2-.Ltmp2, $3  }
0x2f: {  	_ =	sdelay $0x1  }
0x30: {  	v2 =	vadd.s32 v0, v2  }
0x31: {  	[tilespmem:s0+$0x0] =	vst v2;
	s0 =	sshra.s32 s30, $0x2;
	s30 =	sadd.s32 $0x40, s30  }
0x32: {  	v2 =	vld [tilespmem:s0+$0x0];
	_ =	sdelay $0x4  }
0x33: {  	v2 =	vadd.s32 v0, v2  }
0x34: {  	[tilespmem:s0+$0x0] =	vst v2  }
0x35: {  	[tilespmem:$0xA980] =	vst v1  }
0x36: {  	[tilespmem:$0xA990] =	vst v1  }
0x37: {  	[tilespmem:$0xA9A0] =	vst v1  }
0x38: {  	[tilespmem:$0xA9B0] =	vst v1  }
0x39: {  	[tilespmem:$0xA9C0] =	vst v1  }
0x3a: {  	[tilespmem:$0xA9D0] =	vst v1  }
0x3b: {  	[tilespmem:$0xA9E0] =	vst v1  }
0x3c: {  	[tilespmem:$0xA9F0] =	vst v1  }
0x3d: {  	[tilespmem:$0xAA00] =	vst v1  }
0x3e: {  	[tilespmem:$0xAA10] =	vst v1  }
0x3f: {  	[tilespmem:$0xAA20] =	vst v1  }
0x40: {  	[tilespmem:$0xAA30] =	vst v1  }
0x41: {  	[tilespmem:$0xAA40] =	vst v1  }
0x42: {  	[tilespmem:$0xAA50] =	vst v1  }
0x43: {  	[tilespmem:$0xAA60] =	vst v1  }
0x44: {  	[tilespmem:$0xAA70] =	vst v1  }
0x45: {  	[tilespmem:$0xAA80] =	vst v1  }
0x46: {  	[tilespmem:$0xAA90] =	vst v1  }
0x47: {  	[tilespmem:$0xAAA0] =	vst v1  }
0x48: {  	[tilespmem:$0xAAB0] =	vst v1  }
0x49: {  	[tilespmem:$0xAAC0] =	vst v1  }
0x4a: {  	[tilespmem:$0xAAD0] =	vst v1  }
0x4b: {  	[tilespmem:$0xAAE0] =	vst v1  }
0x4c: {  	[tilespmem:$0xAAF0] =	vst v1  }
0x4d: {  	[tilespmem:$0xAB00] =	vst v1  }
0x4e: {  	[tilespmem:$0xAB10] =	vst v1  }
0x4f: {  	[tilespmem:$0xAB20] =	vst v1  }
0x50: {  	[tilespmem:$0xAB30] =	vst v1  }
0x51: {  	[tilespmem:$0xAB40] =	vst v1  }
0x52: {  	[tilespmem:$0xAB50] =	vst v1  }
0x53: {  	[tilespmem:$0xAB60] =	vst v1  }
0x54: {  	[tilespmem:$0xAB70] =	vst v1  }
0x55: {  	[tilespmem:$0xAB80] =	vst v1  }
0x56: {  	[tilespmem:$0xAB90] =	vst v1  }
0x57: {  	[tilespmem:$0xABA0] =	vst v1  }
0x58: {  	[tilespmem:$0xABB0] =	vst v1  }
0x59: {  	[tilespmem:$0xABC0] =	vst v1  }
0x5a: {  	[tilespmem:$0xABD0] =	vst v1  }
0x5b: {  	[tilespmem:$0xABE0] =	vst v1  }
0x5c: {  	[tilespmem:$0xABF0] =	vst v1  }
0x5d: {  	[tilespmem:$0xAC00] =	vst v1  }
0x5e: {  	[tilespmem:$0xAC10] =	vst v1  }
0x5f: {  	[tilespmem:$0xAC20] =	vst v1  }
0x60: {  	[tilespmem:$0xAC30] =	vst v1  }
0x61: {  	[tilespmem:$0xAC40] =	vst v1  }
0x62: {  	[tilespmem:$0xAC50] =	vst v1  }
0x63: {  	[tilespmem:$0xAC60] =	vst v1  }
0x64: {  	[tilespmem:$0xAC70] =	vst v1  }
0x65: {  	[tilespmem:$0xAC80] =	vst v1  }
0x66: {  	[tilespmem:$0xAC90] =	vst v1  }
0x67: {  	[tilespmem:$0xACA0] =	vst v1  }
0x68: {  	[tilespmem:$0xACB0] =	vst v1  }
0x69: {  	[tilespmem:$0xACC0] =	vst v1  }
0x6a: {  	[tilespmem:$0xACD0] =	vst v1  }
0x6b: {  	[tilespmem:$0xACE0] =	vst v1  }
0x6c: {  	[tilespmem:$0xACF0] =	vst v1  }
0x6d: {  	[tilespmem:$0xAD00] =	vst v1  }
0x6e: {  	[tilespmem:$0xAD10] =	vst v1  }
0x6f: {  	[tilespmem:$0xAD20] =	vst v1  }
0x70: {  	[tilespmem:$0xAD30] =	vst v1  }
0x71: {  	[tilespmem:$0xAD40] =	vst v1  }
0x72: {  	p3 =	sne.s32 s5, $0x1;
	[tilespmem:$0xAD50] =	vst v1  }
.Ltmp3:
0x73: {  	[tilespmem:$0xAD60] =	vst v1;
	(pc) =	sbr.rel @!p3 .LBB2_5-.Ltmp3, $4  }
0x74: {  	[tilespmem:$0xAD70] =	vst v1  }
0x75: {  	[spmem:s7] =	stream.linear.scatter [tilespmem:s13], [sflag:$0x5], $0x400, $0x38;
	[tilespmem:$0x1E600] =	vst v63  }
0x76: {  	_ =	swait.ge [sflag:s14], $0x400  }
0x77: {  	s30 =	smov.u32 s7;
	s0 =	sadd.s32 $0xFFFFFFFF, s5;
	[sflag:s14] =	ssyncset.done $0x0  }
.LBB2_4:
0x78: {  	p3 =	sne.s32 s0, $0x1;
	[sflag:s14] =	ssyncadd.s32 $0xFFFFFC00;
	s30 =	sadd.s32 $0x400, s30  }
.Ltmp4:
0x79: {  	s0 =	sadd.s32 $0xFFFFFFFF, s0;
	(pc) =	sbr.rel @p3 .LBB2_4-.Ltmp4, $4  }
0x7a: {  	_ = 	snop  }
0x7b: {  	[spmem:s30] =	stream.linear.scatter [tilespmem:s13], [sflag:$0x5], $0x400, $0x38;
	[tilespmem:$0x1E600] =	vst v63  }
0x7c: {  	_ =	swait.ge [sflag:s14], $0x400  }
0x7d: {  	[sflag:s14] =	ssyncset.done $0x0  }
.LBB2_5:
0x7e: {  	[sflag:s14] =	ssyncadd.s32 $0xFFFFFC00  }
0x7f: {  	s30 =	simm.s32 $0x80;
	[bflag:$0x0] =	sbarrier.arrive $0xFFFF  }
0x80: {  	v2 =	vld [tilespmem:s30+$0xFFFFFF80];
	_ =	sdelay $0x4  }
0x81: {  	[tilespmem:$0x2780] =	vst v2  }
0x82: {  	v2 =	vld [tilespmem:s30+$0xFFFFFF90];
	_ =	sdelay $0x4  }
0x83: {  	[tilespmem:$0x2790] =	vst v2  }
0x84: {  	v2 =	vld [tilespmem:s30+$0xFFFFFFA0];
	_ =	sdelay $0x4  }
0x85: {  	[tilespmem:$0x27A0] =	vst v2  }
0x86: {  	v2 =	vld [tilespmem:s30+$0xFFFFFFB0];
	_ =	sdelay $0x4  }
0x87: {  	[tilespmem:$0x27B0] =	vst v2  }
0x88: {  	v2 =	vld [tilespmem:s30+$0xFFFFFFC0];
	_ =	sdelay $0x4  }
0x89: {  	[tilespmem:$0x27C0] =	vst v2  }
0x8a: {  	v2 =	vld [tilespmem:s30+$0xFFFFFFD0];
	_ =	sdelay $0x4  }
0x8b: {  	[tilespmem:$0x27D0] =	vst v2  }
0x8c: {  	v2 =	vld [tilespmem:s30+$0xFFFFFFE0];
	_ =	sdelay $0x4  }
0x8d: {  	[tilespmem:$0x27E0] =	vst v2  }
0x8e: {  	v2 =	vld [tilespmem:s30+$0xFFFFFFF0];
	_ =	sdelay $0x4  }
0x8f: {  	s0 =	sadd.s32 $0xFFFFFB20, s12;
	[tilespmem:$0x27F0] =	vst v2  }
0x90: {  	[tilespmem:s17], [sflag:$0x1] =	stream.indirect.gather [hbm4b:s4+s15], $0x80, s16, s15, $0xb8;
	[tilespmem:$0x1E600] =	vst v63  }
0x91: {  	s31 =	sadd.s32 $0x5300, s0  }
0x92: {  	[tilespmem:s18], [sflag:$0x3] =	stream.linear.gather [hbm4b:s31+s2], $0x80, $0x38;
	[tilespmem:$0x1E600] =	vst v63  }
0x93: {  	v2 =	vld [tilespmem:s30+$0x0];
	_ =	sdelay $0x4  }
0x94: {  	[tilespmem:$0x2800] =	vst v2  }
0x95: {  	v2 =	vld [tilespmem:s30+$0x10];
	_ =	sdelay $0x4  }
0x96: {  	[tilespmem:$0x2810] =	vst v2  }
0x97: {  	v2 =	vld [tilespmem:s30+$0x20];
	_ =	sdelay $0x4  }
0x98: {  	[tilespmem:$0x2820] =	vst v2  }
0x99: {  	v2 =	vld [tilespmem:s30+$0x30];
	_ =	sdelay $0x4  }
0x9a: {  	[tilespmem:$0x2830] =	vst v2  }
0x9b: {  	v2 =	vld [tilespmem:s30+$0x40];
	_ =	sdelay $0x4  }
0x9c: {  	[tilespmem:$0x2840] =	vst v2  }
0x9d: {  	v2 =	vld [tilespmem:s30+$0x50];
	_ =	sdelay $0x4  }
0x9e: {  	[tilespmem:$0x2850] =	vst v2  }
0x9f: {  	v2 =	vld [tilespmem:s30+$0x60];
	_ =	sdelay $0x4  }
0xa0: {  	[tilespmem:$0x2860] =	vst v2  }
0xa1: {  	v2 =	vld [tilespmem:s30+$0x70];
	_ =	sdelay $0x4  }
0xa2: {  	[tilespmem:$0x2870] =	vst v2  }
0xa3: {  	[tilespmem:s20], [sflag:$0x2] =	stream.indirect.gather [hbm4b:s4+s15], $0x80, s19, s15, $0xb8;
	[tilespmem:$0x1E600] =	vst v63  }
0xa4: {  	s0 =	sadd.s32 $0x5310, s0  }
0xa5: {  	[tilespmem:s21], [sflag:$0x4] =	stream.linear.gather [hbm4b:s0+s2], $0x80, $0x38;
	[tilespmem:$0x1E600] =	vst v63  }
0xa6: {  	_ =	swait.ge [sflag:s22], $0x4000  }
0xa7: {  	[sflag:s22] =	ssyncset.done $0x0  }
0xa8: {  	[sflag:s22] =	ssyncadd.s32 $0xFFFFC000  }
0xa9: {  	_ =	swait.ge [sflag:s23], $0x80  }
0xaa: {  	[sflag:s23] =	ssyncset.done $0x0  }
0xab: {  	[sflag:s23] =	ssyncadd.s32 $0xFFFFFF80  }
0xac: {  	[spmem:s1] =	stream.indirect.scatter.add.f32 [tilespmem:s17], [sflag:$0x5], $0x80, s18, s15, $0xb8;
	[tilespmem:$0x1E600] =	vst v63  }
0xad: {  	_ =	swait.ge [sflag:s14], $0x4000  }
0xae: {  	[sflag:s14] =	ssyncset.done $0x0  }
0xaf: {  	[sflag:s14] =	ssyncadd.s32 $0xFFFFC000  }
0xb0: {  	_ =	swait.ge [sflag:s25], $0x4000  }
0xb1: {  	[sflag:s25] =	ssyncset.done $0x0  }
0xb2: {  	[sflag:s25] =	ssyncadd.s32 $0xFFFFC000  }
0xb3: {  	_ =	swait.ge [sflag:s26], $0x80  }
0xb4: {  	[sflag:s26] =	ssyncset.done $0x0  }
0xb5: {  	[sflag:s26] =	ssyncadd.s32 $0xFFFFFF80  }
0xb6: {  	[spmem:s1] =	stream.indirect.scatter.add.f32 [tilespmem:s20], [sflag:$0x5], $0x80, s21, s15, $0xb8;
	[tilespmem:$0x1E600] =	vst v63  }
0xb7: {  	_ =	swait.ge [sflag:s14], $0x4000  }
0xb8: {  	s31 =	simm.s32 $0xFFFFFB40;
	[sflag:s14] =	ssyncset.done $0x0  }
.LBB2_6:
0xb9: {  	p3 =	sne.s32 s31, $0xFFFFFFE0;
	[sflag:s14] =	ssyncadd.s32 $0xFFFFC000;
	s30 =	sadd.s32 $0x100, s30  }
0xba: {  	s0 =	smov.u32 s31;
	s31 =	sadd.s32 $0x20, s31;
	v2 =	vld [tilespmem:s30+$0xFFFFFF80];
	_ =	sdelay $0x4  }
0xbb: {  	[tilespmem:$0x2780] =	vst v2  }
0xbc: {  	v2 =	vld [tilespmem:s30+$0xFFFFFF90];
	_ =	sdelay $0x4  }
0xbd: {  	[tilespmem:$0x2790] =	vst v2  }
0xbe: {  	v2 =	vld [tilespmem:s30+$0xFFFFFFA0];
	_ =	sdelay $0x4  }
0xbf: {  	[tilespmem:$0x27A0] =	vst v2  }
0xc0: {  	v2 =	vld [tilespmem:s30+$0xFFFFFFB0];
	_ =	sdelay $0x4  }
0xc1: {  	[tilespmem:$0x27B0] =	vst v2  }
0xc2: {  	v2 =	vld [tilespmem:s30+$0xFFFFFFC0];
	_ =	sdelay $0x4  }
0xc3: {  	[tilespmem:$0x27C0] =	vst v2  }
0xc4: {  	v2 =	vld [tilespmem:s30+$0xFFFFFFD0];
	_ =	sdelay $0x4  }
0xc5: {  	[tilespmem:$0x27D0] =	vst v2  }
0xc6: {  	v2 =	vld [tilespmem:s30+$0xFFFFFFE0];
	_ =	sdelay $0x4  }
0xc7: {  	[tilespmem:$0x27E0] =	vst v2  }
0xc8: {  	v2 =	vld [tilespmem:s30+$0xFFFFFFF0];
	_ =	sdelay $0x4  }
0xc9: {  	s0 =	sadd.s32 s0, s12;
	[tilespmem:$0x27F0] =	vst v2  }
0xca: {  	[tilespmem:s17], [sflag:$0x1] =	stream.indirect.gather [hbm4b:s4+s15], $0x80, s16, s15, $0xb8;
	[tilespmem:$0x1E600] =	vst v63  }
0xcb: {  	s28 =	sadd.s32 $0x5300, s0  }
0xcc: {  	[tilespmem:s18], [sflag:$0x3] =	stream.linear.gather [hbm4b:s28+s2], $0x80, $0x38;
	[tilespmem:$0x1E600] =	vst v63  }
0xcd: {  	v2 =	vld [tilespmem:s30+$0x0];
	_ =	sdelay $0x4  }
0xce: {  	[tilespmem:$0x2800] =	vst v2  }
0xcf: {  	v2 =	vld [tilespmem:s30+$0x10];
	_ =	sdelay $0x4  }
0xd0: {  	[tilespmem:$0x2810] =	vst v2  }
0xd1: {  	v2 =	vld [tilespmem:s30+$0x20];
	_ =	sdelay $0x4  }
0xd2: {  	[tilespmem:$0x2820] =	vst v2  }
0xd3: {  	v2 =	vld [tilespmem:s30+$0x30];
	_ =	sdelay $0x4  }
0xd4: {  	[tilespmem:$0x2830] =	vst v2  }
0xd5: {  	v2 =	vld [tilespmem:s30+$0x40];
	_ =	sdelay $0x4  }
0xd6: {  	[tilespmem:$0x2840] =	vst v2  }
0xd7: {  	v2 =	vld [tilespmem:s30+$0x50];
	_ =	sdelay $0x4  }
0xd8: {  	[tilespmem:$0x2850] =	vst v2  }
0xd9: {  	v2 =	vld [tilespmem:s30+$0x60];
	_ =	sdelay $0x4  }
0xda: {  	[tilespmem:$0x2860] =	vst v2  }
0xdb: {  	v2 =	vld [tilespmem:s30+$0x70];
	_ =	sdelay $0x4  }
0xdc: {  	[tilespmem:$0x2870] =	vst v2  }
0xdd: {  	[tilespmem:s20], [sflag:$0x2] =	stream.indirect.gather [hbm4b:s4+s15], $0x80, s19, s15, $0xb8;
	[tilespmem:$0x1E600] =	vst v63  }
0xde: {  	s0 =	sadd.s32 $0x5310, s0  }
0xdf: {  	[tilespmem:s21], [sflag:$0x4] =	stream.linear.gather [hbm4b:s0+s2], $0x80, $0x38;
	[tilespmem:$0x1E600] =	vst v63  }
0xe0: {  	_ =	swait.ge [sflag:s22], $0x4000  }
0xe1: {  	[sflag:s22] =	ssyncset.done $0x0  }
0xe2: {  	[sflag:s22] =	ssyncadd.s32 $0xFFFFC000  }
0xe3: {  	_ =	swait.ge [sflag:s23], $0x80  }
0xe4: {  	[sflag:s23] =	ssyncset.done $0x0  }
0xe5: {  	[sflag:s23] =	ssyncadd.s32 $0xFFFFFF80  }
0xe6: {  	[spmem:s1] =	stream.indirect.scatter.add.f32 [tilespmem:s17], [sflag:$0x5], $0x80, s18, s15, $0xb8;
	[tilespmem:$0x1E600] =	vst v63  }
0xe7: {  	_ =	swait.ge [sflag:s14], $0x4000  }
0xe8: {  	[sflag:s14] =	ssyncset.done $0x0  }
0xe9: {  	[sflag:s14] =	ssyncadd.s32 $0xFFFFC000  }
0xea: {  	_ =	swait.ge [sflag:s25], $0x4000  }
0xeb: {  	[sflag:s25] =	ssyncset.done $0x0  }
0xec: {  	[sflag:s25] =	ssyncadd.s32 $0xFFFFC000  }
0xed: {  	_ =	swait.ge [sflag:s26], $0x80  }
.Ltmp5:
0xee: {  	[sflag:s26] =	ssyncset.done $0x0;
	(pc) =	sbr.rel @p3 .LBB2_6-.Ltmp5, $4  }
0xef: {  	[sflag:s26] =	ssyncadd.s32 $0xFFFFFF80  }
0xf0: {  	[spmem:s1] =	stream.indirect.scatter.add.f32 [tilespmem:s20], [sflag:$0x5], $0x80, s21, s15, $0xb8;
	[tilespmem:$0x1E600] =	vst v63  }
0xf1: {  	_ =	swait.ge [sflag:s14], $0x4000  }
0xf2: {  	[sflag:s14] =	ssyncset.done $0x0  }
.Ltmp6:
0xf3: {  	(pc) =	sbr.rel @!p2 .LBB2_8-.Ltmp6, $2  }
0xf4: {  	_ =	sdelay $0x2  }
0xf5: {  	[sflag:s14] =	ssyncadd.s32 $0xFFFFC000  }
0xf6: {  	v2 =	vld [tilespmem:$0x2700]  }
0xf7: {  	v3 =	vld [tilespmem:$0x2710]  }
0xf8: {  	v4 =	vld [tilespmem:$0x2720]  }
0xf9: {  	v5 =	vld [tilespmem:$0x2730]  }
0xfa: {  	v6 =	vld [tilespmem:$0x2740]  }
0xfb: {  	v63 =	vld [tilespmem:$0x2770];
	[tilespmem:$0x2780] =	vst v2  }
0xfc: {  	v2 =	vld [tilespmem:$0x2750];
	[tilespmem:$0x2790] =	vst v3  }
0xfd: {  	v3 =	vld [tilespmem:$0x2760];
	[tilespmem:$0x27A0] =	vst v4  }
0xfe: {  	[tilespmem:$0x27B0] =	vst v5  }
0xff: {  	[tilespmem:$0x27C0] =	vst v6  }
0x100: {  	[tilespmem:$0x27F0] =	vst v63  }
0x101: {  	[tilespmem:$0x27D0] =	vst v2  }
0x102: {  	[tilespmem:$0x27E0] =	vst v3  }
0x103: {  	[tilespmem:s17], [sflag:$0x1] =	stream.indirect.gather [hbm4b:s4+s15], $0x80, s16, s15, $0xb8;
	[tilespmem:$0x1E600] =	vst v63  }
0x104: {  	_ = 	snop  }
0x105: {  	[tilespmem:s18], [sflag:$0x3] =	stream.linear.gather [hbm4b:s8+s2], $0x80, $0x38;
	[tilespmem:$0x1E600] =	vst v63  }
0x106: {  	_ =	swait.ge [sflag:s22], $0x4000  }
0x107: {  	[sflag:s22] =	ssyncset.done $0x0  }
0x108: {  	[sflag:s22] =	ssyncadd.s32 $0xFFFFC000  }
0x109: {  	_ =	swait.ge [sflag:s23], $0x80  }
0x10a: {  	[sflag:s23] =	ssyncset.done $0x0  }
0x10b: {  	[sflag:s23] =	ssyncadd.s32 $0xFFFFFF80  }
0x10c: {  	[spmem:s1] =	stream.indirect.scatter.add.f32 [tilespmem:s17], [sflag:$0x5], $0x80, s18, s15, $0xb8;
	[tilespmem:$0x1E600] =	vst v63  }
.Ltmp7:
0x10d: {  	_ =	swait.ge [sflag:s14], $0x4000;
	(pc) =	sbr.rel @p1 .LBB2_9-.Ltmp7, $3  }
0x10e: {  	[sflag:s14] =	ssyncset.done $0x0  }
0x10f: {  	[sflag:s14] =	ssyncadd.s32 $0xFFFFC000  }
0x110: {  	[bflag:$0x0] =	sbarrier.arrive $0xFFFF;
	_ =	sdelay $0x1  }
.Ltmp8:
0x111: {  	s0 =	sshrl.u32 s1, $0x3;
	s28 =	simm.s32 $0x1C05;
	(pc) =	sbr.rel .LBB2_12-.Ltmp8, $4  }
0x112: {  	[hbm:s10], [sflag:s28] =	dma.local [spmem:s0], $0x2800  }
0x113: {  	_ =	swait.ge [sflag:s14], $0x2800  }
0x114: {  	[sflag:s14] =	ssyncset.done $0x0  }
0x115: {  	[sflag:s14] =	ssyncadd.s32 $0xFFFFD800  }
.LBB2_13:
0x116: {  	_ =	sfence.sel $0x180000  }
0x117: {  	[bflag:$0x0] =	sbarrier.arrive $0xFFFF  }
0x118: {  	_ =	strace $0x9000004D  }
0x119: {  	[bflag:$0x2] =	sbarrier.arrive $0xFFFF  }
0x11a: {  	s0 =	rddreg [dreg:$0x3]  }
0x11b: {  	s0 =	sadd.s32 @!p1 $0x100000, s0  }
0x11c: {  	[sflag:s0] =	ssyncadd.tile.s32 @!p1 $0x1;
	_ =	shalt  }
.Lfunc_end2:
_tile_overlayer_lowered:
.L_overlay_start_2:
0x11d: {  	(tag) =	ssettag $0x2  }
0x11e: {  	s0 =	rddreg [dreg:$0x0];
	s2 =	stileid.u32  }
0x11f: {  	s1 =	rddreg [dreg:$0x1];
	p0 =	sne.s32 s2, $0x0  }
0x120: {  	s3 =	rddreg [dreg:$0x2];
	[bflag:$0x3] =	sbarrier.arrive $0xFFFF;
	s2 =	simm.s32 @!p0 $0x1C05  }
0x121: {  	[timem:s3], [sflag:s2] =	dma.local @!p0 [hbm:s0], s1  }
0x122: {  	s0 =	simm.s32 @!p0 $0x5  }
0x123: {  	_ =	swait.ge @!p0 [sflag:s0], s1  }
0x124: {  	s1 =	ssub.s32 @!p0 $0x0, s1;
	[sflag:s0] =	ssyncset.done @!p0 $0x0  }
0x125: {  	[sflag:s0] =	ssyncadd.s32 @!p0 s1  }
0x126: {  	[bflag:$0x3] =	sbarrier.arrive $0xFFFF  }
0x127: {  	_ =	shalt  }

// kernel: kernel.8.cloned.1.call-start
scs
__scs_entry_jumppad:
0x0: {  	(pc) =	sbr.rel $0x88, $3  }
0x1: {  	(tag) =	ssettag $0x0;
	lr =	simm.s32 $0x1  }
0x2: {  	[smem:$0x3F97] =	sst lr;
	_ =	strace $0xD0000000  }
0x3: {  	_ = 	snop  }
0x4: {  	_ = 	snop  }
0x5: {  	_ = 	snop  }
0x6: {  	_ = 	snop  }
0x7: {  	_ = 	snop  }
__scs_overlays_trampoline_lowered:
0x8: {  	[smem:$0x3FA6] =	sst s0  }
0x9: {  	[smem:$0x3FA7] =	sst s1  }
0xa: {  	[smem:$0x3FA8] =	sst s2  }
0xb: {  	[smem:$0x3FA9] =	sst s3  }
0xc: {  	[smem:$0x3FAA] =	sst s4  }
0xd: {  	[smem:$0x3FAB] =	sst s5  }
0xe: {  	[smem:$0x3FAC] =	sst s6  }
0xf: {  	[smem:$0x3FAD] =	sst s7  }
0x10: {  	[smem:$0x3FAE] =	sst s8  }
0x11: {  	[smem:$0x3FAF] =	sst s9;
	s0 =	simm.s32 @!p0 $0x0  }
0x12: {  	s1 =	sld [smem:$0x3F95];
	s0 =	simm.s32 @p0 $0x1  }
0x13: {  	[smem:$0x3FB0] =	sst s0;
	s0 =	simm.s32 @!p1 $0x0  }
0x14: {  	s2 =	sld [smem:$0x3F94];
	s0 =	simm.s32 @p1 $0x1  }
0x15: {  	[smem:$0x3FB1] =	sst s0;
	s0 =	simm.s32 @!p2 $0x0  }
0x16: {  	s3 =	sld [smem:$0x3FDB];
	s0 =	simm.s32 @p2 $0x1  }
0x17: {  	s4 =	simm.s32 $0x1BF5;
	[smem:$0x3FB3] =	sst s0  }
0x18: {  	s0 =	sld [smem:$0x3F96];
	_ =	swait.ge [sflag:s4], $0x0  }
0x19: {  	s7 =	sld [smem:$0x3F97]  }
0x1a: {  	s8 =	sadd.s32 $0xFFFFE003, lr  }
0x1b: {  	s9 =	sadd.s32 $0xFFFFFEF7, lr;
	s5 =	simm.s32 $0xFFFFFFFF;
	p2 =	slt.u32 s8, $0xFFFFF086  }
0x1c: {  	p1 =	slt.u32 s9, $0xF7A;
	s5 =	simm.s32 @!p2 $0x0  }
0x1d: {  	s5 =	simm.s32 @p1 $0x1;
	p0 =	seq.s32 s7, s2  }
0x1e: {  	s7 =	smul.u32 @!p0 $0xF7A, s2;
	p2 =	seq.s32 @!p0 s5, $0x0  }
0x1f: {  	s9 =	smul.u32 $0xF7A, s1;
	s8 =	simm.s32 @!p0 $0x1BF5;
	p2 =	por !p2, p0  }
0x20: {  	[sflag:s8] =	ssyncset.s32 @!p0 $0xFFFFF086;
	s6 =	sadd.s32 @!p0 s3, s7;
	s7 =	simm.s32 @!p0 $0x108  }
0x21: {  	s3 =	sadd.s32 s3, s9;
	s6 =	sadd.s32 @!p0 $0x88, s6;
	s7 =	simm.s32 @p2 $0x1082  }
0x22: {  	[simem:s7], [sflag:s8] =	dma.local @!p0 [hbm:s6], $0xF7A  }
0x23: {  	s9 =	sor.u32 $0xD0000000, s2;
	s6 =	simm.s32 $0x108;
	_ =	swait.ge @!p0 [sflag:s8], $0x0  }
0x24: {  	s3 =	sadd.s32 $0x88, s3;
	s6 =	simm.s32 @!p1 $0x1082;
	[sflag:s4] =	ssyncset.s32 $0xFFFFF086  }
0x25: {  	[simem:s6], [sflag:s4] =	dma.local [hbm:s3], $0xF7A  }
0x26: {  	[smem:$0x3F97] =	sst s1;
	(tag) =	ssettag s2;
	_ =	strace s9  }
0x27: {  	s1 =	sld [smem:$0x3FA7]  }
0x28: {  	s2 =	sld [smem:$0x3FA8]  }
0x29: {  	s4 =	sld [smem:$0x3FAA]  }
0x2a: {  	p0 =	seq.s32 s5, $0x0;
	s5 =	sld [smem:$0x3FAB]  }
0x2b: {  	s6 =	sld [smem:$0x3FAC]  }
0x2c: {  	s7 =	sld [smem:$0x3FAD]  }
0x2d: {  	s3 =	simm.s32 $0x108;
	s8 =	sld [smem:$0x3FAE]  }
0x2e: {  	s3 =	simm.s32 @!p0 $0x1082;
	s9 =	sld [smem:$0x3FAF]  }
0x2f: {  	lr =	sadd.s32 s0, s3;
	s0 =	sld [smem:$0x3FA6]  }
0x30: {  	s3 =	sld [smem:$0x3FA9]  }
0x31: {  	[smem:$0x3FB2] =	sst s10  }
0x32: {  	s10 =	sld [smem:$0x3FB0];
	_ =	sdelay $0x3  }
0x33: {  	p0 =	seq.s32 s10, $0x1;
	s10 =	sld [smem:$0x3FB2];
	_ =	sdelay $0x3  }
0x34: {  	[smem:$0x3FB2] =	sst s10  }
0x35: {  	s10 =	sld [smem:$0x3FB1];
	_ =	sdelay $0x3  }
0x36: {  	p1 =	seq.s32 s10, $0x1;
	s10 =	sld [smem:$0x3FB2];
	_ =	sdelay $0x3  }
0x37: {  	[smem:$0x3FB2] =	sst s10  }
0x38: {  	s10 =	sld [smem:$0x3FB3]  }
0x39: {  	_ = 	snop;
	(pc) =	sbr.ind lr, $3  }
0x3a: {  	_ = 	snop  }
0x3b: {  	_ = 	snop  }
0x3c: {  	p2 =	seq.s32 s10, $0x1;
	s10 =	sld [smem:$0x3FB2]  }
0x3d: {  	_ =	shalt  }
0x3e: {  	_ =	shalt  }
0x3f: {  	_ =	shalt  }
0x40: {  	_ =	shalt  }
0x41: {  	_ =	shalt  }
0x42: {  	_ =	shalt  }
0x43: {  	_ =	shalt  }
0x44: {  	_ =	shalt  }
0x45: {  	_ =	shalt  }
0x46: {  	_ =	shalt  }
0x47: {  	_ =	shalt  }
0x48: {  	_ =	shalt  }
0x49: {  	_ =	shalt  }
0x4a: {  	_ =	shalt  }
0x4b: {  	_ =	shalt  }
0x4c: {  	_ =	shalt  }
0x4d: {  	_ =	shalt  }
0x4e: {  	_ =	shalt  }
0x4f: {  	_ =	shalt  }
0x50: {  	_ =	shalt  }
0x51: {  	_ =	shalt  }
0x52: {  	_ =	shalt  }
0x53: {  	_ =	shalt  }
0x54: {  	_ =	shalt  }
0x55: {  	_ =	shalt  }
0x56: {  	_ =	shalt  }
0x57: {  	_ =	shalt  }
0x58: {  	_ =	shalt  }
0x59: {  	_ =	shalt  }
0x5a: {  	_ =	shalt  }
0x5b: {  	_ =	shalt  }
0x5c: {  	_ =	shalt  }
0x5d: {  	_ =	shalt  }
0x5e: {  	_ =	shalt  }
0x5f: {  	_ =	shalt  }
0x60: {  	_ =	shalt  }
0x61: {  	_ =	shalt  }
0x62: {  	_ =	shalt  }
0x63: {  	_ =	shalt  }
0x64: {  	_ =	shalt  }
0x65: {  	_ =	shalt  }
0x66: {  	_ =	shalt  }
0x67: {  	_ =	shalt  }
0x68: {  	_ =	shalt  }
0x69: {  	_ =	shalt  }
0x6a: {  	_ =	shalt  }
0x6b: {  	_ =	shalt  }
0x6c: {  	_ =	shalt  }
0x6d: {  	_ =	shalt  }
0x6e: {  	_ =	shalt  }
0x6f: {  	_ =	shalt  }
0x70: {  	_ =	shalt  }
0x71: {  	_ =	shalt  }
0x72: {  	_ =	shalt  }
0x73: {  	_ =	shalt  }
0x74: {  	_ =	shalt  }
0x75: {  	_ =	shalt  }
0x76: {  	_ =	shalt  }
0x77: {  	_ =	shalt  }
0x78: {  	_ =	shalt  }
0x79: {  	_ =	shalt  }
0x7a: {  	_ =	shalt  }
0x7b: {  	_ =	shalt  }
0x7c: {  	_ =	shalt  }
0x7d: {  	_ =	shalt  }
0x7e: {  	_ =	shalt  }
0x7f: {  	_ =	shalt  }
0x80: {  	_ =	shalt  }
0x81: {  	_ =	shalt  }
0x82: {  	_ =	shalt  }
0x83: {  	_ =	shalt  }
0x84: {  	_ =	shalt  }
0x85: {  	_ =	shalt  }
0x86: {  	_ =	shalt  }
0x87: {  	_ =	shalt  }
.Lfunc_end0:
.L_simem_size_0:
called_computation_lowered:
.L_overlay_start_0:
0x88: {  	s2 =	sld [smem:$0x3FD9]  }
0x89: {  	s3 =	sld [smem:$0x3FFE];
	_ =	sdelay $0x1  }
0x8a: {  	s1 =	srdreg.scid  }
0x8b: {  	s0 =	sand.u32 $0x1, s1  }
0x8c: {  	s17 =	sshll.u32 s0, $0xA;
	s2 =	sadd.s32 s3, s2  }
0x8d: {  	s2 =	sadd.s32 s2, s17  }
0x8e: {  	[smem:$0x3FBE] =	sst s2  }
0x8f: {  	_ = 	snop  }
0x90: {  	s2 =	sld [smem:$0x3FD0];
	(tm) =	ssettm $0x1  }
0x91: {  	s18 =	sld [smem:$0x3FFB];
	_ =	sdelay $0x3  }
0x92: {  	_ =	strace s18  }
0x93: {  	s3 =	sld [smem:$0x3FFC];
	_ =	sdelay $0x3  }
0x94: {  	_ =	strace s3  }
0x95: {  	s3 =	sld [smem:$0x3FFD];
	_ =	sdelay $0x3  }
0x96: {  	_ =	strace s3  }
0x97: {  	_ =	strace $0x8FFFFFFF  }
0x98: {  	s19 =	sld [smem:$0x3FDB];
	_ =	sdelay $0x1  }
0x99: {  	s4 =	simm.s32 $_scs_section_size  }
0x9a: {  	s5 =	simm.s32 $_size__tile_overlayer_lowered;
	s6 =	simm.s32 $_tile_overlayer_lowered  }
0x9b: {  	s22 =	simm.s32 $0x1BFF;
	s21 =	sshll.u32 s6, $0x1;
	s3 =	sadd.s32 s4, s19  }
0x9c: {  	s7 =	simm.s32 $0x0;
	s20 =	sshll.u32 s5, $0x1;
	s5 =	sadd.s32 s21, s3  }
0x9d: {  	[timem:s7], [sflag:s22] =	dma.local [hbm:s5], s20  }
0x9e: {  	_ =	swait.ge [sflag:s22], s20  }
0x9f: {  	s4 =	ssub.s32 $0x0, s20;
	[sflag:s22] =	ssyncset.done $0x0  }
0xa0: {  	[sflag:s22] =	ssyncadd.s32 s4;
	_ =	sdelay $0x1  }
0xa1: {  	s23 =	simm.s32 $0x1B8B  }
0xa2: {  	_ =	swait.ge [sflag:s23], $0x1  }
0xa3: {  	[sflag:s23] =	ssyncset.done $0x0  }
0xa4: {  	s25 =	simm.s32 $0x1B8E;
	s24 =	sld [smem:$0x3FFE];
	[sflag:s23] =	ssyncadd.s32 $0xFFFFFFFF  }
0xa5: {  	s26 =	simm.s32 $execute0_lowered;
	[smem:$0x3FD2] =	sst s25  }
0xa6: {  	s5 =	sshll.u32 s26, $0x1;
	_ =	strace $0x80000046;
	[dreg:$0x1] =	wrdreg $0xFFFFFFFF  }
0xa7: {  	s28 =	simm.s32 $_size_execute0_lowered;
	s3 =	sadd.s32 s3, s5;
	[dreg:$0x0] =	wrdreg $0x0  }
0xa8: {  	s5 =	sshll.u32 s28, $0x1;
	[dreg:$0x2] =	wrdreg s3  }
0xa9: {  	[dreg:$0x3] =	wrdreg s5  }
0xaa: {  	[dreg:$0x4] =	wrdreg $0xC0  }
0xab: {  	_ =	task [dreg:s7], $0x5FFFF  }
0xac: {  	[dreg:$0x1] =	wrdreg $0xFFFFFFFF  }
0xad: {  	[dreg:$0x0] =	wrdreg $0x60  }
0xae: {  	[dreg:$0x2] =	wrdreg s24  }
0xaf: {  	[dreg:$0x3] =	wrdreg s2  }
0xb0: {  	[dreg:$0x4] =	wrdreg $0x48800  }
0xb1: {  	[dreg:$0x5] =	wrdreg $0x9  }
0xb2: {  	_ =	task.clear_ibuf [dreg:s7], $0x6FFFF;
	_ =	strace $0x90000046  }
0xb3: {  	s29 =	simm.s32 $0x9;
	_ =	strace $0x80000048  }
0xb4: {  	_ =	swait.ge [sflag:s29], $0x1  }
0xb5: {  	[sflag:s29] =	ssyncadd.s32 $0xFFFFFFFF  }
0xb6: {  	_ =	strace $0x90000048  }
0xb7: {  	_ =	sfence  }
0xb8: {  	s30 =	sld [smem:$0x0];
	_ =	sdelay $0x2  }
0xb9: {  	s31 =	sshll.u32 s1, $0xD;
	s1 =	sshrl.u32 s1, $0x2  }
0xba: {  	s3 =	sand.u32 $0x4000, s31;
	s1 =	sadd.s32 s1, s30  }
0xbb: {  	s0 =	sor.u32 s3, s0;
	s1 =	sshll.u32 s1, $0x11  }
0xbc: {  	s0 =	sor.u32 s1, s0  }
0xbd: {  	s0 =	sadd.s32 $0x8F2B, s0  }
0xbe: {  	[sflag:s0] =	ssyncadd.remote.s32 $0x1  }
0xbf: {  	_ =	sfence.sel $0xFFFF  }
0xc0: {  	[dreg:$0x0] =	wrdreg $0xFFFFFFFF;
	(pc) =	sbr.abs _section_cstart, $3  }
0xc1: {  	[dreg:$0x1] =	wrdreg $0xFFFFFFFF  }
0xc2: {  	_ =	task.clear_ibuf [dreg:s7], $0x2FFFF;
	_ =	strace $0x9FFFFFFF  }
0xc3: {  	(tm) =	ssettm $0x7FFFFFFF  }
tec
execute0_lowered:
.L_overlay_start_1:
0x0: {  	(tag) =	ssettag $0x1  }
0x1: {  	s7 =	rddreg [dreg:$0x0]  }
0x2: {  	s10 =	rddreg [dreg:$0x1]  }
0x3: {  	s1 =	rddreg [dreg:$0x2]  }
0x4: {  	s0 =	rddreg [dreg:$0x3]  }
0x5: {  	s2 =	simm.s32 $0x0;
	s3 =	stileid.u32;
	s4 =	srdreg.scid  }
0x6: {  	[smem:$0x7FF] =	sst s2;
	s9 =	sand.u32 $0x1, s4;
	s25 =	smul.u32 $0x270, s3  }
0x7: {  	s5 =	sshll.u32 s3, $0x5;
	s4 =	sadd.s32 $0xC200, s7;
	p0 =	seq.s32 s3, $0x0  }
0x8: {  	_ =	strace $0x80000047;
	s6 =	ssub.s32 $0x2, s9;
	s11 =	sadd.s32 s5, s7  }
0x9: {  	s5 =	sshll.u32 s3, $0x1;
	s15 =	smul.u32 $0x138800, s9;
	s7 =	sadd.s32 $0xCA00, s7  }
0xa: {  	s29 =	smul.u32 $0x27100, s9;
	s30 =	sshll.u32 s9, $0x4;
	s26 =	sshrl.u32 s6, $0x1  }
0xb: {  	s8 =	sadd.s32 $0x10, s25;
	s31 =	sadd.s32 s30, s11;
	s12 =	ssub.s32 s6, s26  }
0xc: {  	s13 =	sshll.u32 s8, $0x9;
	s6 =	simm.s32 $0x28;
	s16 =	sshll.u32 s8, $0x7  }
0xd: {  	s14 =	sshrl.u32 s13, $0x2;
	s13 =	simm.s32 @p0 $0x0;
	s6 =	simm.s32 @!p0 $0x27  }
0xe: {  	s28 =	sadd.s32 s15, s16;
	s11 =	smax.u32 s12, $0x1;
	s12 =	sadd.s32 $0x7220, s31  }
0xf: {  	p0 =	sne.s32 s3, $0x0;
	s15 =	simm.s32 $0x4080;
	s13 =	sshrl.u32 s13, $0x2  }
0x10: {  	s17 =	sadd.s32 s14, s1;
	s14 =	simm.s32 $0x1;
	s8 =	sadd.s32 s13, s1  }
0x11: {  	s13 =	sshrl.u32 s28, $0x3;
	s16 =	sshrl.u32 @p0 s17, $0x3;
	s17 =	simm.s32 $0x0  }
0x12: {  	s9 =	sadd.s32 s10, s13;
	s10 =	sadd.s32 s10, s29;
	s13 =	simm.s32 $0x80  }
.LBB2_1:
0x13: {  	[tilespmem:s13], [sflag:$0x1] =	stream.linear.gather [hbm4b:s4+s2], $0x4000, $0x38;
	[tilespmem:$0x18100] =	vst v63  }
0x14: {  	_ =	swait.ge [sflag:s14], $0x4000  }
0x15: {  	[sflag:s14] =	ssyncset.done $0x0  }
0x16: {  	[sflag:s14] =	ssyncadd.s32 $0xFFFFC000  }
0x17: {  	[tilespmem:s15], [sflag:$0x1] =	stream.linear.gather [hbm4b:s7+s2], $0x800, $0x38;
	[tilespmem:$0x18100] =	vst v63  }
0x18: {  	p1 =	sne.s32 s6, $0x1;
	_ =	swait.ge [sflag:s14], $0x800  }
.Ltmp0:
0x19: {  	[sflag:s14] =	ssyncset.done $0x0;
	(pc) =	sbr.rel @!p1 .LBB2_3-.Ltmp0, $4  }
0x1a: {  	[sflag:s14] =	ssyncadd.s32 $0xFFFFF800  }
0x1b: {  	[spmem:s8] =	stream.linear.scatter [tilespmem:s15], [sflag:$0x1], $0x800, $0x38;
	[tilespmem:$0x18100] =	vst v63  }
0x1c: {  	_ =	swait.ge [sflag:s14], $0x800  }
0x1d: {  	s18 =	sadd.s32 $0xFFFFFFFF, s6;
	s19 =	smov.u32 s8;
	[sflag:s14] =	ssyncset.done $0x0  }
.LBB2_2:
0x1e: {  	p1 =	sne.s32 s18, $0x1;
	[sflag:s14] =	ssyncadd.s32 $0xFFFFF800;
	s19 =	sadd.s32 $0x800, s19  }
.Ltmp1:
0x1f: {  	s18 =	sadd.s32 $0xFFFFFFFF, s18;
	(pc) =	sbr.rel @p1 .LBB2_2-.Ltmp1, $4  }
0x20: {  	_ = 	snop  }
0x21: {  	[spmem:s19] =	stream.linear.scatter [tilespmem:s15], [sflag:$0x1], $0x800, $0x38;
	[tilespmem:$0x18100] =	vst v63  }
0x22: {  	_ =	swait.ge [sflag:s14], $0x800  }
0x23: {  	[sflag:s14] =	ssyncset.done $0x0  }
.LBB2_3:
0x24: {  	s18 =	sadd.s32 $0x0, s5  }
0x25: {  	[sflag:s14] =	ssyncadd.s32 $0xFFFFF800;
	p1 =	sgt.u32 s18, $0x4E1  }
0x26: {  	[bflag:$0x0] =	sbarrier.arrive $0xFFFF;
	s19 =	simm.s32 @!p1 $0x0;
	s20 =	simm.s32 @!p1 $0x2  }
0x27: {  	[tilespmem:s19], [sflag:$0x2] =	stream.linear.gather @!p1 [hbm4b:s12+s19], $0x80, $0x38;
	[tilespmem:$0x18100] =	vst v63  }
0x28: {  	_ =	swait.ge @!p1 [sflag:s20], $0x80  }
0x29: {  	s31 =	sadd.s32 $0x20, s5;
	[sflag:s20] =	ssyncset.done @!p1 $0x0  }
0x2a: {  	s21 =	simm.s32 @!p1 $0x80;
	[sflag:s20] =	ssyncadd.s32 @!p1 $0xFFFFFF80;
	s20 =	simm.s32 @!p1 $0x1  }
0x2b: {  	[spmem:s1] =	stream.indirect.scatter.add.f32 @!p1 [tilespmem:s21], [sflag:$0x1], $0x80, s19, s21, $0xb8;
	[tilespmem:$0x18100] =	vst v63  }
0x2c: {  	s18 =	simm.s32 $0x40;
	p2 =	por p1, p1;
	_ =	swait.ge @!p1 [sflag:s20], $0x4000  }
0x2d: {  	s19 =	sadd.s32 $0x200, s12;
	p1 =	sgt.u32 s31, $0x4E1;
	[sflag:s20] =	ssyncset.done @!p2 $0x0  }
.LBB2_4:
0x2e: {  	s21 =	simm.s32 @!p1 $0x0;
	s22 =	simm.s32 @!p1 $0x2  }
0x2f: {  	[sflag:s20] =	ssyncadd.s32 @!p2 $0xFFFFC000;
	s23 =	smov.u32 s18;
	s18 =	sadd.s32 $0x20, s18  }
0x30: {  	[tilespmem:s21], [sflag:$0x2] =	stream.linear.gather @!p1 [hbm4b:s19+s21], $0x80, $0x38;
	[tilespmem:$0x18100] =	vst v63  }
0x31: {  	p3 =	sne.s32 s18, $0x500;
	_ =	swait.ge @!p1 [sflag:s22], $0x80  }
.Ltmp2:
0x32: {  	[sflag:s22] =	ssyncset.done @!p1 $0x0;
	(pc) =	sbr.rel @p3 .LBB2_4-.Ltmp2, $4  }
0x33: {  	s20 =	simm.s32 @!p1 $0x1;
	[sflag:s22] =	ssyncadd.s32 @!p1 $0xFFFFFF80;
	s22 =	simm.s32 @!p1 $0x80  }
0x34: {  	[spmem:s1] =	stream.indirect.scatter.add.f32 @!p1 [tilespmem:s22], [sflag:$0x1], $0x80, s21, s22, $0xb8;
	[tilespmem:$0x18100] =	vst v63  }
0x35: {  	p2 =	por p1, p1;
	s21 =	sadd.s32 s23, s5;
	_ =	swait.ge @!p1 [sflag:s20], $0x4000  }
0x36: {  	s19 =	sadd.s32 $0x200, s19;
	p1 =	sgt.u32 s21, $0x4E1;
	[sflag:s20] =	ssyncset.done @!p2 $0x0  }
0x37: {  	s18 =	simm.s32 @!p1 $0x0;
	s21 =	simm.s32 @!p1 $0x2;
	[sflag:s20] =	ssyncadd.s32 @!p2 $0xFFFFC000  }
0x38: {  	[tilespmem:s18], [sflag:$0x2] =	stream.linear.gather @!p1 [hbm4b:s19+s18], $0x80, $0x38;
	[tilespmem:$0x18100] =	vst v63  }
0x39: {  	_ =	swait.ge @!p1 [sflag:s21], $0x80  }
0x3a: {  	[sflag:s21] =	ssyncset.done @!p1 $0x0  }
0x3b: {  	s20 =	simm.s32 @!p1 $0x1;
	s19 =	simm.s32 @!p1 $0x80;
	[sflag:s21] =	ssyncadd.s32 @!p1 $0xFFFFFF80  }
0x3c: {  	[spmem:s1] =	stream.indirect.scatter.add.f32 @!p1 [tilespmem:s19], [sflag:$0x1], $0x80, s18, s19, $0xb8;
	[tilespmem:$0x18100] =	vst v63  }
0x3d: {  	_ =	swait.ge @!p1 [sflag:s20], $0x4000;
	p1 =	por p1, p1  }
0x3e: {  	[sflag:s20] =	ssyncset.done @!p1 $0x0  }
0x3f: {  	s18 =	sshll.u32 @p0 s3, $0x6;
	[sflag:s20] =	ssyncadd.s32 @!p1 $0xFFFFC000  }
0x40: {  	s18 =	sor.u32 @p0 $0x1C01, s18;
	[bflag:$0x0] =	sbarrier.arrive $0xFFFF  }
0x41: {  	[hbm:s9], [sflag:s18] =	dma.local @p0 [spmem:s16], $0x2700  }
0x42: {  	s18 =	simm.s32 @p0 $0x1  }
0x43: {  	_ =	swait.ge @p0 [sflag:s18], $0x2700  }
0x44: {  	s17 =	sadd.s32 $0x1, s17;
	s19 =	simm.s32 @!p0 $0x1C01;
	[sflag:s18] =	ssyncset.done @p0 $0x0  }
0x45: {  	p1 =	sne.s32 s17, s11;
	[sflag:s18] =	ssyncadd.s32 @p0 $0xFFFFD900;
	s18 =	sshrl.u32 @!p0 s1, $0x3  }
0x46: {  	[hbm:s10], [sflag:s19] =	dma.local @!p0 [spmem:s18], $0x2800  }
.Ltmp3:
0x47: {  	_ = 	snop;
	(pc) =	sbr.rel @p1 .LBB2_1-.Ltmp3, $4  }
0x48: {  	s18 =	simm.s32 @!p0 $0x1  }
0x49: {  	_ =	swait.ge @!p0 [sflag:s18], $0x2800  }
0x4a: {  	[sflag:s18] =	ssyncset.done @!p0 $0x0  }
0x4b: {  	[sflag:s18] =	ssyncadd.s32 @!p0 $0xFFFFD800  }
0x4c: {  	_ =	sfence.sel $0x180000  }
0x4d: {  	[bflag:$0x0] =	sbarrier.arrive $0xFFFF  }
0x4e: {  	_ =	strace $0x90000047  }
0x4f: {  	s0 =	sadd.s32 @!p0 $0x100000, s0;
	[bflag:$0x2] =	sbarrier.arrive $0xFFFF  }
0x50: {  	[sflag:s0] =	ssyncadd.tile.s32 @!p0 $0x1;
	_ =	shalt  }
.Lfunc_end2:
_tile_overlayer_lowered:
.L_overlay_start_2:
0x51: {  	(tag) =	ssettag $0x2  }
0x52: {  	s0 =	rddreg [dreg:$0x0];
	s2 =	stileid.u32  }
0x53: {  	s1 =	rddreg [dreg:$0x1];
	p0 =	sne.s32 s2, $0x0  }
0x54: {  	s3 =	rddreg [dreg:$0x2];
	[bflag:$0x3] =	sbarrier.arrive $0xFFFF;
	s2 =	simm.s32 @!p0 $0x1C01  }
0x55: {  	[timem:s3], [sflag:s2] =	dma.local @!p0 [hbm:s0], s1  }
0x56: {  	s0 =	simm.s32 @!p0 $0x1  }
0x57: {  	_ =	swait.ge @!p0 [sflag:s0], s1  }
0x58: {  	s1 =	ssub.s32 @!p0 $0x0, s1;
	[sflag:s0] =	ssyncset.done @!p0 $0x0  }
0x59: {  	[sflag:s0] =	ssyncadd.s32 @!p0 s1  }
0x5a: {  	[bflag:$0x3] =	sbarrier.arrive $0xFFFF  }
0x5b: {  	_ =	shalt  }

</sc_bundles>
